<compile_context>
chip_gen: v7x
topology: tpu7x:2x2x1
jax: 0.10.2.dev20260603
libtpu: 0.0.44.dev20260713+nightly
codegen_flags: <defaults>
</compile_context>

<pallas_src>
import functools

import jax
import jax.numpy as jnp
from jax import lax
from jax.experimental import pallas as pl
from jax.experimental.pallas import tpu as pltpu
from jax.experimental.pallas import tpu_sc as plsc

_N = 10000
_NP = 10240
_E = 160000
_D = 256
_DH = 128
_CHUNK = 128
_NSUB = 16
_ROWS_PER_TILE = _NP // _NSUB
_NCHUNKS = _E // _CHUNK
_BASE_CHUNKS = _NCHUNKS // _NSUB
_EXTRA = _NCHUNKS % _NSUB
_CROWS = _NP // _DH


def _sc_body(x0, x1, srcr, dstr, wr, z128,
             out0, out1, outc0, outc1,
             src_idx0, dst_idx0, w_buf0, src_idx1, dst_idx1, w_buf1, cix,
             rows0, rows1, cnt_v, acc, cshared, gsem0, gsem1):
    cid = lax.axis_index("c")
    sid = lax.axis_index("s")
    stripe = pl.ds(sid * _ROWS_PER_TILE, _ROWS_PER_TILE)
    col16 = lax.iota(jnp.int32, 16)

    def load_idx(c, si, di, wb):
        base = c * _CHUNK
        pltpu.sync_copy(srcr.at[pl.ds(base, _CHUNK)], si)
        pltpu.sync_copy(dstr.at[pl.ds(base, _CHUNK)], di)
        pltpu.sync_copy(wr.at[pl.ds(base, _CHUNK)], wb)

    def start_gather(si, rows_b, sem):
        @pl.when(cid == 0)
        def _():
            pltpu.async_copy(x0.at[si], rows_b, sem)

        @pl.when(cid == 1)
        def _():
            pltpu.async_copy(x1.at[si], rows_b, sem)

    def wait_gather(si, rows_b, sem):
        pltpu.make_async_copy(x0.at[si], rows_b, sem).wait()

    def scale(rows_b, wb):
        @plsc.parallel_loop(0, _CHUNK, 1, unroll=4)
        def _(k):
            kspl = jnp.broadcast_to(k, (16,))
            wspl = plsc.load_gather(wb, [kspl])
            for j in range(_DH // 16):
                cidx = col16 + (j * 16)
                v = plsc.load_gather(rows_b, [kspl, cidx])
                plsc.store_scatter(rows_b, [kspl, cidx], v * wspl)

    def count(di):
        def cnt_body(k, c2):
            kspl = jnp.broadcast_to(k + cid * (_CHUNK // 2), (16,))
            dspl = plsc.load_gather(di, [kspl])
            d1 = lax.shift_right_logical(dspl, 7)
            d2 = jnp.bitwise_and(dspl, 127)
            cv = plsc.load_gather(cnt_v, [d1, d2])
            plsc.store_scatter(cnt_v, [d1, d2], cv + 1.0)
            return c2

        lax.fori_loop(0, _CHUNK // 2, cnt_body, 0)

    first = sid * _BASE_CHUNKS
    load_idx(first, src_idx0, dst_idx0, w_buf0)
    start_gather(src_idx0, rows0, gsem0)

    pltpu.sync_copy(z128.at[stripe], acc.at[stripe])
    pltpu.sync_copy(z128.at[pl.ds(0, _CROWS)], cnt_v)

    @pl.when(sid == 0)
    def _():
        pltpu.sync_copy(z128.at[pl.ds(0, _CROWS)], cshared)

    for g in range(_CROWS // 16):
        cix[pl.ds(g * 16, 16)] = col16 + g * 16

    plsc.subcore_barrier()

    def pair_body(i, carry):
        c0 = first + 2 * i
        load_idx(c0 + 1, src_idx1, dst_idx1, w_buf1)
        start_gather(src_idx1, rows1, gsem1)
        count(dst_idx0)
        wait_gather(src_idx0, rows0, gsem0)
        scale(rows0, w_buf0)
        pltpu.sync_copy(rows0, acc.at[dst_idx0], add=True)

        @pl.when(i < _BASE_CHUNKS // 2 - 1)
        def _():
            load_idx(c0 + 2, src_idx0, dst_idx0, w_buf0)
            start_gather(src_idx0, rows0, gsem0)

        count(dst_idx1)
        wait_gather(src_idx1, rows1, gsem1)
        scale(rows1, w_buf1)
        pltpu.sync_copy(rows1, acc.at[dst_idx1], add=True)
        return carry

    lax.fori_loop(0, _BASE_CHUNKS // 2, pair_body, 0)

    @pl.when(sid < _EXTRA)
    def _():
        c = _NSUB * _BASE_CHUNKS + sid
        load_idx(c, src_idx0, dst_idx0, w_buf0)
        start_gather(src_idx0, rows0, gsem0)
        count(dst_idx0)
        wait_gather(src_idx0, rows0, gsem0)
        scale(rows0, w_buf0)
        pltpu.sync_copy(rows0, acc.at[dst_idx0], add=True)

    pltpu.sync_copy(cnt_v, cshared.at[cix], add=True)

    plsc.subcore_barrier()

    @pl.when(cid == 0)
    def _():
        pltpu.sync_copy(acc.at[stripe], out0.at[stripe])

    @pl.when(cid == 1)
    def _():
        pltpu.sync_copy(acc.at[stripe], out1.at[stripe])

    @pl.when(jnp.logical_and(cid == 0, sid == 0))
    def _():
        pltpu.sync_copy(cshared, outc0)

    @pl.when(jnp.logical_and(cid == 1, sid == 0))
    def _():
        pltpu.sync_copy(cshared, outc1)


_sc_agg = functools.partial(
    pl.kernel,
    out_type=[
        jax.ShapeDtypeStruct((_NP, _DH), jnp.float32),
        jax.ShapeDtypeStruct((_NP, _DH), jnp.float32),
        jax.ShapeDtypeStruct((_CROWS, _DH), jnp.float32),
        jax.ShapeDtypeStruct((_CROWS, _DH), jnp.float32),
    ],
    mesh=plsc.VectorSubcoreMesh(core_axis_name="c", subcore_axis_name="s"),
    compiler_params=pltpu.CompilerParams(needs_layout_passes=False),
    scratch_types=[
        pltpu.VMEM((_CHUNK,), jnp.int32),
        pltpu.VMEM((_CHUNK,), jnp.int32),
        pltpu.VMEM((_CHUNK,), jnp.float32),
        pltpu.VMEM((_CHUNK,), jnp.int32),
        pltpu.VMEM((_CHUNK,), jnp.int32),
        pltpu.VMEM((_CHUNK,), jnp.float32),
        pltpu.VMEM((_CROWS,), jnp.int32),
        pltpu.VMEM((_CHUNK, _DH), jnp.float32),
        pltpu.VMEM((_CHUNK, _DH), jnp.float32),
        pltpu.VMEM((_CROWS, _DH), jnp.float32),
        pltpu.VMEM_SHARED((_NP, _DH), jnp.float32),
        pltpu.VMEM_SHARED((_CROWS, _DH), jnp.float32),
        pltpu.SemaphoreType.DMA,
        pltpu.SemaphoreType.DMA,
    ],
)(_sc_body)


_BLK = 1000
_NBLK = _N // _BLK


def _t1_body(s0, s1, cr0, cr1, w_ref, b_ref, g_ref, bt_ref, hpre, stats, accum):
    i = pl.program_id(0)

    @pl.when(i == 0)
    def _():
        accum[...] = jnp.zeros_like(accum)

    s = jnp.concatenate([s0[...], s1[...]], axis=1)
    cntv = jnp.maximum(cr0[...][:, :1] + cr1[...][:, :1], 1.0)
    h = s / cntv
    h = lax.dot_general(h, w_ref[...], (((1,), (1,)), ((), ())),
                        preferred_element_type=jnp.float32)
    h = h + b_ref[...]
    hpre[...] = h
    accum[0:1, :] += jnp.sum(h, axis=0, keepdims=True)
    accum[1:2, :] += jnp.sum(h * h, axis=0, keepdims=True)

    @pl.when(i == _NBLK - 1)
    def _():
        mean = accum[0:1, :] / _N
        var = accum[1:2, :] / _N - mean * mean
        scale = g_ref[...] * lax.rsqrt(var + 1e-5)
        shift = bt_ref[...] - mean * scale
        stats[...] = jnp.concatenate([scale, shift], axis=0)


def _t2_body(hpre, stats, out):
    h = hpre[...] * stats[0:1, :] + stats[1:2, :]
    out[...] = jnp.maximum(h, 0.0)


def kernel(x, edge_index, edge_weight, W, b, gamma, beta):
    x0 = x[:, :_DH]
    x1 = x[:, _DH:]
    src = edge_index[0].astype(jnp.int32)
    dst = edge_index[1].astype(jnp.int32)
    w = edge_weight.astype(jnp.float32)
    z128 = jnp.zeros((_NP, _DH), jnp.float32)

    out0, out1, outc0, outc1 = _sc_agg(x0, x1, src, dst, w, z128)
    cntb0 = jnp.broadcast_to(outc0.reshape(_NP, 1)[:_N], (_N, _DH))
    cntb1 = jnp.broadcast_to(outc1.reshape(_NP, 1)[:_N], (_N, _DH))
    out0, out1 = out0[:_N], out1[:_N]

    hpre, stats = pl.pallas_call(
        _t1_body,
        grid=(_NBLK,),
        in_specs=[
            pl.BlockSpec((_BLK, _DH), lambda i: (i, 0)),
            pl.BlockSpec((_BLK, _DH), lambda i: (i, 0)),
            pl.BlockSpec((_BLK, _DH), lambda i: (i, 0)),
            pl.BlockSpec((_BLK, _DH), lambda i: (i, 0)),
            pl.BlockSpec((_D, _D), lambda i: (0, 0)),
            pl.BlockSpec((1, _D), lambda i: (0, 0)),
            pl.BlockSpec((1, _D), lambda i: (0, 0)),
            pl.BlockSpec((1, _D), lambda i: (0, 0)),
        ],
        out_specs=[
            pl.BlockSpec((_BLK, _D), lambda i: (i, 0)),
            pl.BlockSpec((2, _D), lambda i: (0, 0)),
        ],
        out_shape=[
            jax.ShapeDtypeStruct((_N, _D), jnp.float32),
            jax.ShapeDtypeStruct((2, _D), jnp.float32),
        ],
        scratch_shapes=[pltpu.VMEM((2, _D), jnp.float32)],
    )(out0, out1, cntb0, cntb1, W, b.reshape(1, _D), gamma.reshape(1, _D),
      beta.reshape(1, _D))

    h = pl.pallas_call(
        _t2_body,
        grid=(_NBLK,),
        in_specs=[
            pl.BlockSpec((_BLK, _D), lambda i: (i, 0)),
            pl.BlockSpec((2, _D), lambda i: (0, 0)),
        ],
        out_specs=pl.BlockSpec((_BLK, _D), lambda i: (i, 0)),
        out_shape=jax.ShapeDtypeStruct((_N, _D), jnp.float32),
    )(hpre, stats)
    return h

# --- scband reference (transcript-rebuilt; emitter-appended) ---
"""Pipeline reference for scband-weighted-gcn-10144712753899 (READ-ONLY COPY).

The authoritative reference and input builder live on the scoring server;
editing this copy changes nothing except your own understanding.
"""

import jax, jax.numpy as jnp
import numpy as np

N, E, D = 10000, 160000, 256

def setup_inputs(seed: int = 0) -> dict:
    key = jax.random.key(seed)
    ks = jax.random.split(key, 6)
    x = jax.random.normal(ks[0], (N, D), dtype=jnp.float32)
    edge_index = jax.random.randint(ks[1], (2, E), 0, N)
    edge_weight = jax.random.uniform(ks[2], (E,), dtype=jnp.float32)
    W = jax.random.normal(ks[3], (D, D), dtype=jnp.float32) * (1.0 / np.sqrt(D))
    b = jnp.zeros((D,), dtype=jnp.float32)
    gamma = jnp.ones((D,), dtype=jnp.float32)
    beta = jnp.zeros((D,), dtype=jnp.float32)
    return {"x": x, "edge_index": edge_index, "edge_weight": edge_weight, "W": W, "b": b, "gamma": gamma, "beta": beta}

def reference(x, edge_index, edge_weight, W, b, gamma, beta):
    # DGL update_all(fn.u_mul_e('h','w','m'), fn.mean('m','h'))
    src = edge_index[0]
    dst = edge_index[1]
    msg = jnp.take(x, src, axis=0) * edge_weight[:, None]          # u_mul_e
    summed = jax.ops.segment_sum(msg, dst, num_segments=N)          # scatter-add by dst
    cnt = jax.ops.segment_sum(jnp.ones((E,), dtype=jnp.float32), dst, num_segments=N)
    h = summed / jnp.maximum(cnt, 1.0)[:, None]                     # mean reduce (0 for isolated nodes)
    # linear
    h = h @ W.T + b
    # BatchNorm1d (training-mode batch statistics, eps=1e-5)
    mean = jnp.mean(h, axis=0)
    var = jnp.var(h, axis=0)
    h = (h - mean) / jnp.sqrt(var + 1e-5) * gamma + beta
    # ReLU; dropout is identity in eval mode
    h = jax.nn.relu(h)
    return h

if __name__ == "__main__":
    import jax
    _d = setup_inputs()
    print(jax.jit(kernel)(*tuple(_d.values())))

</pallas_src>

<mosaic_0001>
#map = affine_map<(d0, d1) -> (0, 0)>
#map1 = affine_map<(d0, d1) -> (0)>
module attributes {stable_mosaic.version = 14 : i64} {
  func.func @_sc_body(%arg0: i32, %arg1: i32, %arg2: memref<10000x128xf32, #tpu.memory_space<hbm>>, %arg3: memref<10000x128xf32, #tpu.memory_space<hbm>>, %arg4: memref<160000xi32, #tpu.memory_space<hbm>>, %arg5: memref<160000xi32, #tpu.memory_space<hbm>>, %arg6: memref<160000xf32, #tpu.memory_space<hbm>>, %arg7: memref<10240x128xf32, #tpu.memory_space<hbm>>, %arg8: memref<10240x128xf32, #tpu.memory_space<hbm>>, %arg9: memref<10240x128xf32, #tpu.memory_space<hbm>>, %arg10: memref<80x128xf32, #tpu.memory_space<hbm>>, %arg11: memref<80x128xf32, #tpu.memory_space<hbm>>, %arg12: memref<128xi32, #tpu.memory_space<vmem>>, %arg13: memref<128xi32, #tpu.memory_space<vmem>>, %arg14: memref<128xf32, #tpu.memory_space<vmem>>, %arg15: memref<128xi32, #tpu.memory_space<vmem>>, %arg16: memref<128xi32, #tpu.memory_space<vmem>>, %arg17: memref<128xf32, #tpu.memory_space<vmem>>, %arg18: memref<80xi32, #tpu.memory_space<vmem>>, %arg19: memref<128x128xf32, #tpu.memory_space<vmem>>, %arg20: memref<128x128xf32, #tpu.memory_space<vmem>>, %arg21: memref<80x128xf32, #tpu.memory_space<vmem>>, %arg22: memref<10240x128xf32, #tpu.memory_space<vmem_shared>>, %arg23: memref<80x128xf32, #tpu.memory_space<vmem_shared>>, %arg24: memref<!tpu.dma_semaphore, #tpu.memory_space<semaphore_mem>>, %arg25: memref<!tpu.dma_semaphore, #tpu.memory_space<semaphore_mem>>) attributes {dimension_semantics = [#tpu.dimension_semantics<core_parallel>, #tpu.dimension_semantics<subcore_parallel>], iteration_bounds = array<i64: 2, 16>, scalar_prefetch = 0 : i64, scratch_operands = 14 : i64, tpu.core_type = #tpu.core_type<sc_vector_subcore>, window_params = [{transform_indices = #map}, {transform_indices = #map}, {transform_indices = #map1}, {transform_indices = #map1}, {transform_indices = #map1}, {transform_indices = #map}, {transform_indices = #map}, {transform_indices = #map}, {transform_indices = #map}, {transform_indices = #map}]} {
    %mul3A = arith.constant 640 : i32
    %mul3A_0 = arith.muli %arg1, %mul3A : i32
    %iota3A = tpu.iota {dimensions = array<i32: 0>} : vector<16xi32>
    %mul3A_1 = arith.constant 78 : i32
    %mul3A_2 = arith.muli %arg1, %mul3A_1 : i32
    %mul3A_3 = arith.constant 128 : i32
    %mul3A_4 = arith.muli %mul3A_2, %mul3A_3 : i32
    "tpu.region"() ({
      %run_scoped3A = tpu.sem_alloc : memref<!tpu.dma_semaphore, #tpu.memory_space<semaphore_mem>>
      %dma_start3A = tpu.memref_slice %arg4[%mul3A_4] : memref<160000xi32, #tpu.memory_space<hbm>> -> memref<128xi32, #tpu.memory_space<hbm>>
      %dma_start3A_75 = tpu.memref_slice %arg4[%mul3A_4] : memref<160000xi32, #tpu.memory_space<hbm>> -> memref<128xi32, #tpu.memory_space<hbm>>
      tpu.enqueue_dma source(%dma_start3A_75 : memref<128xi32, #tpu.memory_space<hbm>>) target(%arg12 : memref<128xi32, #tpu.memory_space<vmem>>) target_semaphore(%run_scoped3A : memref<!tpu.dma_semaphore, #tpu.memory_space<semaphore_mem>>)
      %dma_wait3A = tpu.memref_slice %arg4[%mul3A_4] : memref<160000xi32, #tpu.memory_space<hbm>> -> memref<128xi32, #tpu.memory_space<hbm>>
      %dma_wait3A_76 = tpu.memref_slice %arg4[%mul3A_4] : memref<160000xi32, #tpu.memory_space<hbm>> -> memref<128xi32, #tpu.memory_space<hbm>>
      tpu.wait_dma2 semaphore(%run_scoped3A : memref<!tpu.dma_semaphore, #tpu.memory_space<semaphore_mem>>) src(%dma_wait3A_76 : memref<128xi32, #tpu.memory_space<hbm>>) dst(%arg12 : memref<128xi32, #tpu.memory_space<vmem>>)
      tpu.yield
    }) : () -> ()
    "tpu.region"() ({
      %run_scoped3A = tpu.sem_alloc : memref<!tpu.dma_semaphore, #tpu.memory_space<semaphore_mem>>
      %dma_start3A = tpu.memref_slice %arg5[%mul3A_4] : memref<160000xi32, #tpu.memory_space<hbm>> -> memref<128xi32, #tpu.memory_space<hbm>>
      %dma_start3A_75 = tpu.memref_slice %arg5[%mul3A_4] : memref<160000xi32, #tpu.memory_space<hbm>> -> memref<128xi32, #tpu.memory_space<hbm>>
      tpu.enqueue_dma source(%dma_start3A_75 : memref<128xi32, #tpu.memory_space<hbm>>) target(%arg13 : memref<128xi32, #tpu.memory_space<vmem>>) target_semaphore(%run_scoped3A : memref<!tpu.dma_semaphore, #tpu.memory_space<semaphore_mem>>)
      %dma_wait3A = tpu.memref_slice %arg5[%mul3A_4] : memref<160000xi32, #tpu.memory_space<hbm>> -> memref<128xi32, #tpu.memory_space<hbm>>
      %dma_wait3A_76 = tpu.memref_slice %arg5[%mul3A_4] : memref<160000xi32, #tpu.memory_space<hbm>> -> memref<128xi32, #tpu.memory_space<hbm>>
      tpu.wait_dma2 semaphore(%run_scoped3A : memref<!tpu.dma_semaphore, #tpu.memory_space<semaphore_mem>>) src(%dma_wait3A_76 : memref<128xi32, #tpu.memory_space<hbm>>) dst(%arg13 : memref<128xi32, #tpu.memory_space<vmem>>)
      tpu.yield
    }) : () -> ()
    "tpu.region"() ({
      %run_scoped3A = tpu.sem_alloc : memref<!tpu.dma_semaphore, #tpu.memory_space<semaphore_mem>>
      %dma_start3A = tpu.memref_slice %arg6[%mul3A_4] : memref<160000xf32, #tpu.memory_space<hbm>> -> memref<128xf32, #tpu.memory_space<hbm>>
      %dma_start3A_75 = tpu.memref_slice %arg6[%mul3A_4] : memref<160000xf32, #tpu.memory_space<hbm>> -> memref<128xf32, #tpu.memory_space<hbm>>
      tpu.enqueue_dma source(%dma_start3A_75 : memref<128xf32, #tpu.memory_space<hbm>>) target(%arg14 : memref<128xf32, #tpu.memory_space<vmem>>) target_semaphore(%run_scoped3A : memref<!tpu.dma_semaphore, #tpu.memory_space<semaphore_mem>>)
      %dma_wait3A = tpu.memref_slice %arg6[%mul3A_4] : memref<160000xf32, #tpu.memory_space<hbm>> -> memref<128xf32, #tpu.memory_space<hbm>>
      %dma_wait3A_76 = tpu.memref_slice %arg6[%mul3A_4] : memref<160000xf32, #tpu.memory_space<hbm>> -> memref<128xf32, #tpu.memory_space<hbm>>
      tpu.wait_dma2 semaphore(%run_scoped3A : memref<!tpu.dma_semaphore, #tpu.memory_space<semaphore_mem>>) src(%dma_wait3A_76 : memref<128xf32, #tpu.memory_space<hbm>>) dst(%arg14 : memref<128xf32, #tpu.memory_space<vmem>>)
      tpu.yield
    }) : () -> ()
    %eq3A = arith.constant 0 : i32
    %eq3A_5 = arith.cmpi eq, %arg0, %eq3A : i32
    %convert_element_type3A = arith.extui %eq3A_5 : i1 to i32
    %cond3A = arith.constant 0 : i32
    %cond3A_6 = arith.cmpi ne, %convert_element_type3A, %cond3A : i32
    scf.if %cond3A_6 {
      %dma_start3A = arith.constant 0 : i32
      %dma_start3A_75 = arith.constant 0 : i32
      %dma_start3A_76 = tpu.memref_slice %arg2[%dma_start3A, %dma_start3A_75] : memref<10000x128xf32, #tpu.memory_space<hbm>> -> memref<10000x128xf32, #tpu.memory_space<hbm>>
      tpu.enqueue_indirect_dma source(%dma_start3A_76 : memref<10000x128xf32, #tpu.memory_space<hbm>>) target(%arg19 : memref<128x128xf32, #tpu.memory_space<vmem>>) offsets(%arg12 : memref<128xi32, #tpu.memory_space<vmem>>) semaphore(%arg24 : memref<!tpu.dma_semaphore, #tpu.memory_space<semaphore_mem>>)
    } else {
    }
    %eq3A_7 = arith.constant 1 : i32
    %eq3A_8 = arith.cmpi eq, %arg0, %eq3A_7 : i32
    %convert_element_type3A_9 = arith.extui %eq3A_8 : i1 to i32
    %cond3A_10 = arith.constant 0 : i32
    %cond3A_11 = arith.cmpi ne, %convert_element_type3A_9, %cond3A_10 : i32
    scf.if %cond3A_11 {
      %dma_start3A = arith.constant 0 : i32
      %dma_start3A_75 = arith.constant 0 : i32
      %dma_start3A_76 = tpu.memref_slice %arg3[%dma_start3A, %dma_start3A_75] : memref<10000x128xf32, #tpu.memory_space<hbm>> -> memref<10000x128xf32, #tpu.memory_space<hbm>>
      tpu.enqueue_indirect_dma source(%dma_start3A_76 : memref<10000x128xf32, #tpu.memory_space<hbm>>) target(%arg19 : memref<128x128xf32, #tpu.memory_space<vmem>>) offsets(%arg12 : memref<128xi32, #tpu.memory_space<vmem>>) semaphore(%arg24 : memref<!tpu.dma_semaphore, #tpu.memory_space<semaphore_mem>>)
    } else {
    }
    "tpu.region"() ({
      %run_scoped3A = tpu.sem_alloc : memref<!tpu.dma_semaphore, #tpu.memory_space<semaphore_mem>>
      %dma_start3A = arith.constant 0 : i32
      %dma_start3A_75 = tpu.memref_slice %arg22[%mul3A_0, %dma_start3A] : memref<10240x128xf32, #tpu.memory_space<vmem_shared>> -> memref<640x128xf32, #tpu.memory_space<vmem_shared>>
      %dma_start3A_76 = arith.constant 0 : i32
      %dma_start3A_77 = tpu.memref_slice %arg7[%mul3A_0, %dma_start3A_76] : memref<10240x128xf32, #tpu.memory_space<hbm>> -> memref<640x128xf32, #tpu.memory_space<hbm>>
      tpu.enqueue_dma source(%dma_start3A_77 : memref<640x128xf32, #tpu.memory_space<hbm>>) target(%dma_start3A_75 : memref<640x128xf32, #tpu.memory_space<vmem_shared>>) target_semaphore(%run_scoped3A : memref<!tpu.dma_semaphore, #tpu.memory_space<semaphore_mem>>)
      %dma_wait3A = arith.constant 0 : i32
      %dma_wait3A_78 = tpu.memref_slice %arg22[%mul3A_0, %dma_wait3A] : memref<10240x128xf32, #tpu.memory_space<vmem_shared>> -> memref<640x128xf32, #tpu.memory_space<vmem_shared>>
      %dma_wait3A_79 = arith.constant 0 : i32
      %dma_wait3A_80 = tpu.memref_slice %arg7[%mul3A_0, %dma_wait3A_79] : memref<10240x128xf32, #tpu.memory_space<hbm>> -> memref<640x128xf32, #tpu.memory_space<hbm>>
      tpu.wait_dma2 semaphore(%run_scoped3A : memref<!tpu.dma_semaphore, #tpu.memory_space<semaphore_mem>>) src(%dma_wait3A_80 : memref<640x128xf32, #tpu.memory_space<hbm>>) dst(%dma_wait3A_78 : memref<640x128xf32, #tpu.memory_space<vmem_shared>>)
      tpu.yield
    }) : () -> ()
    "tpu.region"() ({
      %run_scoped3A = tpu.sem_alloc : memref<!tpu.dma_semaphore, #tpu.memory_space<semaphore_mem>>
      %dma_start3A = arith.constant 0 : i32
      %dma_start3A_75 = arith.constant 0 : i32
      %dma_start3A_76 = tpu.memref_slice %arg7[%dma_start3A, %dma_start3A_75] : memref<10240x128xf32, #tpu.memory_space<hbm>> -> memref<80x128xf32, #tpu.memory_space<hbm>>
      %dma_start3A_77 = arith.constant 0 : i32
      %dma_start3A_78 = arith.constant 0 : i32
      %dma_start3A_79 = tpu.memref_slice %arg7[%dma_start3A_77, %dma_start3A_78] : memref<10240x128xf32, #tpu.memory_space<hbm>> -> memref<80x128xf32, #tpu.memory_space<hbm>>
      tpu.enqueue_dma source(%dma_start3A_79 : memref<80x128xf32, #tpu.memory_space<hbm>>) target(%arg21 : memref<80x128xf32, #tpu.memory_space<vmem>>) target_semaphore(%run_scoped3A : memref<!tpu.dma_semaphore, #tpu.memory_space<semaphore_mem>>)
      %dma_wait3A = arith.constant 0 : i32
      %dma_wait3A_80 = arith.constant 0 : i32
      %dma_wait3A_81 = tpu.memref_slice %arg7[%dma_wait3A, %dma_wait3A_80] : memref<10240x128xf32, #tpu.memory_space<hbm>> -> memref<80x128xf32, #tpu.memory_space<hbm>>
      %dma_wait3A_82 = arith.constant 0 : i32
      %dma_wait3A_83 = arith.constant 0 : i32
      %dma_wait3A_84 = tpu.memref_slice %arg7[%dma_wait3A_82, %dma_wait3A_83] : memref<10240x128xf32, #tpu.memory_space<hbm>> -> memref<80x128xf32, #tpu.memory_space<hbm>>
      tpu.wait_dma2 semaphore(%run_scoped3A : memref<!tpu.dma_semaphore, #tpu.memory_space<semaphore_mem>>) src(%dma_wait3A_84 : memref<80x128xf32, #tpu.memory_space<hbm>>) dst(%arg21 : memref<80x128xf32, #tpu.memory_space<vmem>>)
      tpu.yield
    }) : () -> ()
    %eq3A_12 = arith.constant 0 : i32
    %eq3A_13 = arith.cmpi eq, %arg1, %eq3A_12 : i32
    %convert_element_type3A_14 = arith.extui %eq3A_13 : i1 to i32
    %cond3A_15 = arith.constant 0 : i32
    %cond3A_16 = arith.cmpi ne, %convert_element_type3A_14, %cond3A_15 : i32
    scf.if %cond3A_16 {
      "tpu.region"() ({
        %run_scoped3A = tpu.sem_alloc : memref<!tpu.dma_semaphore, #tpu.memory_space<semaphore_mem>>
        %dma_start3A = arith.constant 0 : i32
        %dma_start3A_75 = arith.constant 0 : i32
        %dma_start3A_76 = tpu.memref_slice %arg7[%dma_start3A, %dma_start3A_75] : memref<10240x128xf32, #tpu.memory_space<hbm>> -> memref<80x128xf32, #tpu.memory_space<hbm>>
        tpu.enqueue_dma source(%dma_start3A_76 : memref<80x128xf32, #tpu.memory_space<hbm>>) target(%arg23 : memref<80x128xf32, #tpu.memory_space<vmem_shared>>) target_semaphore(%run_scoped3A : memref<!tpu.dma_semaphore, #tpu.memory_space<semaphore_mem>>)
        %dma_wait3A = arith.constant 0 : i32
        %dma_wait3A_77 = arith.constant 0 : i32
        %dma_wait3A_78 = tpu.memref_slice %arg7[%dma_wait3A, %dma_wait3A_77] : memref<10240x128xf32, #tpu.memory_space<hbm>> -> memref<80x128xf32, #tpu.memory_space<hbm>>
        tpu.wait_dma2 semaphore(%run_scoped3A : memref<!tpu.dma_semaphore, #tpu.memory_space<semaphore_mem>>) src(%dma_wait3A_78 : memref<80x128xf32, #tpu.memory_space<hbm>>) dst(%arg23 : memref<80x128xf32, #tpu.memory_space<vmem_shared>>)
        tpu.yield
      }) : () -> ()
    } else {
    }
    %add3A = arith.constant 0 : i32
    %add3A_17 = vector.broadcast %add3A : i32 to vector<16xi32>
    %add3A_18 = arith.addi %iota3A, %add3A_17 : vector<16xi32>
    %swap3A = arith.constant 0 : index
    %swap3A_19 = tpu.vector_load %arg18[%swap3A] {strides = array<i32>} : memref<80xi32, #tpu.memory_space<vmem>>, vector<16xi32>,
    tpu.vector_store %arg18[%swap3A], %add3A_18 {strides = array<i32>} : memref<80xi32, #tpu.memory_space<vmem>>, vector<16xi32>,
    %add3A_20 = arith.constant 16 : i32
    %add3A_21 = vector.broadcast %add3A_20 : i32 to vector<16xi32>
    %add3A_22 = arith.addi %iota3A, %add3A_21 : vector<16xi32>
    %swap3A_23 = arith.constant 16 : index
    %swap3A_24 = tpu.vector_load %arg18[%swap3A_23] {strides = array<i32>} : memref<80xi32, #tpu.memory_space<vmem>>, vector<16xi32>,
    tpu.vector_store %arg18[%swap3A_23], %add3A_22 {strides = array<i32>} : memref<80xi32, #tpu.memory_space<vmem>>, vector<16xi32>,
    %add3A_25 = arith.constant 32 : i32
    %add3A_26 = vector.broadcast %add3A_25 : i32 to vector<16xi32>
    %add3A_27 = arith.addi %iota3A, %add3A_26 : vector<16xi32>
    %swap3A_28 = arith.constant 32 : index
    %swap3A_29 = tpu.vector_load %arg18[%swap3A_28] {strides = array<i32>} : memref<80xi32, #tpu.memory_space<vmem>>, vector<16xi32>,
    tpu.vector_store %arg18[%swap3A_28], %add3A_27 {strides = array<i32>} : memref<80xi32, #tpu.memory_space<vmem>>, vector<16xi32>,
    %add3A_30 = arith.constant 48 : i32
    %add3A_31 = vector.broadcast %add3A_30 : i32 to vector<16xi32>
    %add3A_32 = arith.addi %iota3A, %add3A_31 : vector<16xi32>
    %swap3A_33 = arith.constant 48 : index
    %swap3A_34 = tpu.vector_load %arg18[%swap3A_33] {strides = array<i32>} : memref<80xi32, #tpu.memory_space<vmem>>, vector<16xi32>,
    tpu.vector_store %arg18[%swap3A_33], %add3A_32 {strides = array<i32>} : memref<80xi32, #tpu.memory_space<vmem>>, vector<16xi32>,
    %add3A_35 = arith.constant 64 : i32
    %add3A_36 = vector.broadcast %add3A_35 : i32 to vector<16xi32>
    %add3A_37 = arith.addi %iota3A, %add3A_36 : vector<16xi32>
    %swap3A_38 = arith.constant 64 : index
    %swap3A_39 = tpu.vector_load %arg18[%swap3A_38] {strides = array<i32>} : memref<80xi32, #tpu.memory_space<vmem>>, vector<16xi32>,
    tpu.vector_store %arg18[%swap3A_38], %add3A_37 {strides = array<i32>} : memref<80xi32, #tpu.memory_space<vmem>>, vector<16xi32>,
    %barrier3A = arith.constant 0 : index
    tpu.barrier barrier_id(%barrier3A)
    %scan3A = arith.constant 0 : i32
    %scan3A_40 = arith.constant 0 : i32
    %scan3A_41 = arith.constant 39 : i32
    %scan3A_42 = arith.addi %scan3A_40, %scan3A_41 : i32
    %scan3A_43 = arith.constant 1 : i32
    scf.for %scan3A_75 = %scan3A_40 to %scan3A_42 step %scan3A_43  : i32 {
      %mul3A_76 = arith.constant 2 : i32
      %mul3A_77 = arith.muli %mul3A_76, %scan3A_75 : i32
      %add3A_78 = arith.addi %mul3A_2, %mul3A_77 : i32
      %add3A_79 = arith.constant 1 : i32
      %add3A_80 = arith.addi %add3A_78, %add3A_79 : i32
      %mul3A_81 = arith.constant 128 : i32
      %mul3A_82 = arith.muli %add3A_80, %mul3A_81 : i32
      "tpu.region"() ({
        %run_scoped3A = tpu.sem_alloc : memref<!tpu.dma_semaphore, #tpu.memory_space<semaphore_mem>>
        %dma_start3A = tpu.memref_slice %arg4[%mul3A_82] : memref<160000xi32, #tpu.memory_space<hbm>> -> memref<128xi32, #tpu.memory_space<hbm>>
        %dma_start3A_120 = tpu.memref_slice %arg4[%mul3A_82] : memref<160000xi32, #tpu.memory_space<hbm>> -> memref<128xi32, #tpu.memory_space<hbm>>
        tpu.enqueue_dma source(%dma_start3A_120 : memref<128xi32, #tpu.memory_space<hbm>>) target(%arg15 : memref<128xi32, #tpu.memory_space<vmem>>) target_semaphore(%run_scoped3A : memref<!tpu.dma_semaphore, #tpu.memory_space<semaphore_mem>>)
        %dma_wait3A_121 = tpu.memref_slice %arg4[%mul3A_82] : memref<160000xi32, #tpu.memory_space<hbm>> -> memref<128xi32, #tpu.memory_space<hbm>>
        %dma_wait3A_122 = tpu.memref_slice %arg4[%mul3A_82] : memref<160000xi32, #tpu.memory_space<hbm>> -> memref<128xi32, #tpu.memory_space<hbm>>
        tpu.wait_dma2 semaphore(%run_scoped3A : memref<!tpu.dma_semaphore, #tpu.memory_space<semaphore_mem>>) src(%dma_wait3A_122 : memref<128xi32, #tpu.memory_space<hbm>>) dst(%arg15 : memref<128xi32, #tpu.memory_space<vmem>>)
        tpu.yield
      }) : () -> ()
      "tpu.region"() ({
        %run_scoped3A = tpu.sem_alloc : memref<!tpu.dma_semaphore, #tpu.memory_space<semaphore_mem>>
        %dma_start3A = tpu.memref_slice %arg5[%mul3A_82] : memref<160000xi32, #tpu.memory_space<hbm>> -> memref<128xi32, #tpu.memory_space<hbm>>
        %dma_start3A_120 = tpu.memref_slice %arg5[%mul3A_82] : memref<160000xi32, #tpu.memory_space<hbm>> -> memref<128xi32, #tpu.memory_space<hbm>>
        tpu.enqueue_dma source(%dma_start3A_120 : memref<128xi32, #tpu.memory_space<hbm>>) target(%arg16 : memref<128xi32, #tpu.memory_space<vmem>>) target_semaphore(%run_scoped3A : memref<!tpu.dma_semaphore, #tpu.memory_space<semaphore_mem>>)
        %dma_wait3A_121 = tpu.memref_slice %arg5[%mul3A_82] : memref<160000xi32, #tpu.memory_space<hbm>> -> memref<128xi32, #tpu.memory_space<hbm>>
        %dma_wait3A_122 = tpu.memref_slice %arg5[%mul3A_82] : memref<160000xi32, #tpu.memory_space<hbm>> -> memref<128xi32, #tpu.memory_space<hbm>>
        tpu.wait_dma2 semaphore(%run_scoped3A : memref<!tpu.dma_semaphore, #tpu.memory_space<semaphore_mem>>) src(%dma_wait3A_122 : memref<128xi32, #tpu.memory_space<hbm>>) dst(%arg16 : memref<128xi32, #tpu.memory_space<vmem>>)
        tpu.yield
      }) : () -> ()
      "tpu.region"() ({
        %run_scoped3A = tpu.sem_alloc : memref<!tpu.dma_semaphore, #tpu.memory_space<semaphore_mem>>
        %dma_start3A = tpu.memref_slice %arg6[%mul3A_82] : memref<160000xf32, #tpu.memory_space<hbm>> -> memref<128xf32, #tpu.memory_space<hbm>>
        %dma_start3A_120 = tpu.memref_slice %arg6[%mul3A_82] : memref<160000xf32, #tpu.memory_space<hbm>> -> memref<128xf32, #tpu.memory_space<hbm>>
        tpu.enqueue_dma source(%dma_start3A_120 : memref<128xf32, #tpu.memory_space<hbm>>) target(%arg17 : memref<128xf32, #tpu.memory_space<vmem>>) target_semaphore(%run_scoped3A : memref<!tpu.dma_semaphore, #tpu.memory_space<semaphore_mem>>)
        %dma_wait3A_121 = tpu.memref_slice %arg6[%mul3A_82] : memref<160000xf32, #tpu.memory_space<hbm>> -> memref<128xf32, #tpu.memory_space<hbm>>
        %dma_wait3A_122 = tpu.memref_slice %arg6[%mul3A_82] : memref<160000xf32, #tpu.memory_space<hbm>> -> memref<128xf32, #tpu.memory_space<hbm>>
        tpu.wait_dma2 semaphore(%run_scoped3A : memref<!tpu.dma_semaphore, #tpu.memory_space<semaphore_mem>>) src(%dma_wait3A_122 : memref<128xf32, #tpu.memory_space<hbm>>) dst(%arg17 : memref<128xf32, #tpu.memory_space<vmem>>)
        tpu.yield
      }) : () -> ()
      %eq3A_83 = arith.constant 0 : i32
      %eq3A_84 = arith.cmpi eq, %arg0, %eq3A_83 : i32
      %convert_element_type3A_85 = arith.extui %eq3A_84 : i1 to i32
      %cond3A_86 = arith.constant 0 : i32
      %cond3A_87 = arith.cmpi ne, %convert_element_type3A_85, %cond3A_86 : i32
      scf.if %cond3A_87 {
        %dma_start3A = arith.constant 0 : i32
        %dma_start3A_120 = arith.constant 0 : i32
        %dma_start3A_121 = tpu.memref_slice %arg2[%dma_start3A, %dma_start3A_120] : memref<10000x128xf32, #tpu.memory_space<hbm>> -> memref<10000x128xf32, #tpu.memory_space<hbm>>
        tpu.enqueue_indirect_dma source(%dma_start3A_121 : memref<10000x128xf32, #tpu.memory_space<hbm>>) target(%arg20 : memref<128x128xf32, #tpu.memory_space<vmem>>) offsets(%arg15 : memref<128xi32, #tpu.memory_space<vmem>>) semaphore(%arg25 : memref<!tpu.dma_semaphore, #tpu.memory_space<semaphore_mem>>)
      } else {
      }
      %eq3A_88 = arith.constant 1 : i32
      %eq3A_89 = arith.cmpi eq, %arg0, %eq3A_88 : i32
      %convert_element_type3A_90 = arith.extui %eq3A_89 : i1 to i32
      %cond3A_91 = arith.constant 0 : i32
      %cond3A_92 = arith.cmpi ne, %convert_element_type3A_90, %cond3A_91 : i32
      scf.if %cond3A_92 {
        %dma_start3A = arith.constant 0 : i32
        %dma_start3A_120 = arith.constant 0 : i32
        %dma_start3A_121 = tpu.memref_slice %arg3[%dma_start3A, %dma_start3A_120] : memref<10000x128xf32, #tpu.memory_space<hbm>> -> memref<10000x128xf32, #tpu.memory_space<hbm>>
        tpu.enqueue_indirect_dma source(%dma_start3A_121 : memref<10000x128xf32, #tpu.memory_space<hbm>>) target(%arg20 : memref<128x128xf32, #tpu.memory_space<vmem>>) offsets(%arg15 : memref<128xi32, #tpu.memory_space<vmem>>) semaphore(%arg25 : memref<!tpu.dma_semaphore, #tpu.memory_space<semaphore_mem>>)
      } else {
      }
      %scan3A_93 = arith.constant 0 : i32
      %scan3A_94 = arith.constant 0 : i32
      %scan3A_95 = arith.constant 64 : i32
      %scan3A_96 = arith.addi %scan3A_94, %scan3A_95 : i32
      %scan3A_97 = arith.constant 1 : i32
      scf.for %scan3A_120 = %scan3A_94 to %scan3A_96 step %scan3A_97  : i32 {
        %mul3A_121 = arith.constant 64 : i32
        %mul3A_122 = arith.muli %arg0, %mul3A_121 : i32
        %add3A_123 = arith.addi %scan3A_120, %mul3A_122 : i32
        %broadcast_in_dim3A = vector.broadcast %add3A_123 : i32 to vector<16xi32>
        %gather3A = tpu.vector_load_idx %arg13[%broadcast_in_dim3A] : memref<128xi32, #tpu.memory_space<vmem>>[vector<16xi32>], vector<16xi32>,
        %shift_right_logical3A = arith.constant 7 : i32
        %shift_right_logical3A_124 = vector.broadcast %shift_right_logical3A : i32 to vector<16xi32>
        %shift_right_logical3A_125 = arith.shrui %gather3A, %shift_right_logical3A_124 : vector<16xi32>
        %and3A_126 = arith.constant 127 : i32
        %and3A_127 = vector.broadcast %and3A_126 : i32 to vector<16xi32>
        %and3A_128 = arith.andi %gather3A, %and3A_127 : vector<16xi32>
        %gather3A_129 = tpu.vector_load_idx %arg21[%shift_right_logical3A_125, %and3A_128] : memref<80x128xf32, #tpu.memory_space<vmem>>[vector<16xi32>, vector<16xi32>], vector<16xf32>,
        %add3A_130 = arith.constant 1.000000e+00 : f32
        %add3A_131 = vector.broadcast %add3A_130 : f32 to vector<16xf32>
        %add3A_132 = arith.addf %gather3A_129, %add3A_131 : vector<16xf32>
        tpu.vector_store_idx %arg21[%shift_right_logical3A_125, %and3A_128], %add3A_132 : memref<80x128xf32, #tpu.memory_space<vmem>>[vector<16xi32>, vector<16xi32>], vector<16xf32>,
      }
      %scan3A_98 = arith.constant 64 : i32
      %dma_wait3A = arith.constant 0 : i32
      %dma_wait3A_99 = arith.constant 0 : i32
      %dma_wait3A_100 = tpu.memref_slice %arg2[%dma_wait3A, %dma_wait3A_99] : memref<10000x128xf32, #tpu.memory_space<hbm>> -> memref<10000x128xf32, #tpu.memory_space<hbm>>
      tpu.wait_indirect_dma semaphore(%arg24 : memref<!tpu.dma_semaphore, #tpu.memory_space<semaphore_mem>>) src(%dma_wait3A_100 : memref<10000x128xf32, #tpu.memory_space<hbm>>) dst(%arg19 : memref<128x128xf32, #tpu.memory_space<vmem>>)
      %parallel_loop3A = arith.constant 0 : i32
      %parallel_loop3A_101 = arith.constant 128 : i32
      %parallel_loop3A_102 = arith.constant 1 : i32
      scf.for %parallel_loop3A_120 = %parallel_loop3A to %parallel_loop3A_101 step %parallel_loop3A_102  : i32 {
        %parallel_loop3A_121 = vector.broadcast %parallel_loop3A_120 : i32 to vector<16xi32>
        %parallel_loop3A_122 = tpu.vector_load_idx %arg14[%parallel_loop3A_121] : memref<128xf32, #tpu.memory_space<vmem>>[vector<16xi32>], vector<16xf32>,
        %parallel_loop3A_123 = arith.constant 0 : i32
        %parallel_loop3A_124 = vector.broadcast %parallel_loop3A_123 : i32 to vector<16xi32>
        %parallel_loop3A_125 = arith.addi %iota3A, %parallel_loop3A_124 : vector<16xi32>
        %parallel_loop3A_126 = tpu.vector_load_idx %arg19[%parallel_loop3A_121, %parallel_loop3A_125] : memref<128x128xf32, #tpu.memory_space<vmem>>[vector<16xi32>, vector<16xi32>], vector<16xf32>,
        %parallel_loop3A_127 = arith.mulf %parallel_loop3A_126, %parallel_loop3A_122 : vector<16xf32>
        tpu.vector_store_idx %arg19[%parallel_loop3A_121, %parallel_loop3A_125], %parallel_loop3A_127 : memref<128x128xf32, #tpu.memory_space<vmem>>[vector<16xi32>, vector<16xi32>], vector<16xf32>,
        %parallel_loop3A_128 = arith.constant 16 : i32
        %parallel_loop3A_129 = vector.broadcast %parallel_loop3A_128 : i32 to vector<16xi32>
        %parallel_loop3A_130 = arith.addi %iota3A, %parallel_loop3A_129 : vector<16xi32>
        %parallel_loop3A_131 = tpu.vector_load_idx %arg19[%parallel_loop3A_121, %parallel_loop3A_130] : memref<128x128xf32, #tpu.memory_space<vmem>>[vector<16xi32>, vector<16xi32>], vector<16xf32>,
        %parallel_loop3A_132 = arith.mulf %parallel_loop3A_131, %parallel_loop3A_122 : vector<16xf32>
        tpu.vector_store_idx %arg19[%parallel_loop3A_121, %parallel_loop3A_130], %parallel_loop3A_132 : memref<128x128xf32, #tpu.memory_space<vmem>>[vector<16xi32>, vector<16xi32>], vector<16xf32>,
        %parallel_loop3A_133 = arith.constant 32 : i32
        %parallel_loop3A_134 = vector.broadcast %parallel_loop3A_133 : i32 to vector<16xi32>
        %parallel_loop3A_135 = arith.addi %iota3A, %parallel_loop3A_134 : vector<16xi32>
        %parallel_loop3A_136 = tpu.vector_load_idx %arg19[%parallel_loop3A_121, %parallel_loop3A_135] : memref<128x128xf32, #tpu.memory_space<vmem>>[vector<16xi32>, vector<16xi32>], vector<16xf32>,
        %parallel_loop3A_137 = arith.mulf %parallel_loop3A_136, %parallel_loop3A_122 : vector<16xf32>
        tpu.vector_store_idx %arg19[%parallel_loop3A_121, %parallel_loop3A_135], %parallel_loop3A_137 : memref<128x128xf32, #tpu.memory_space<vmem>>[vector<16xi32>, vector<16xi32>], vector<16xf32>,
        %parallel_loop3A_138 = arith.constant 48 : i32
        %parallel_loop3A_139 = vector.broadcast %parallel_loop3A_138 : i32 to vector<16xi32>
        %parallel_loop3A_140 = arith.addi %iota3A, %parallel_loop3A_139 : vector<16xi32>
        %parallel_loop3A_141 = tpu.vector_load_idx %arg19[%parallel_loop3A_121, %parallel_loop3A_140] : memref<128x128xf32, #tpu.memory_space<vmem>>[vector<16xi32>, vector<16xi32>], vector<16xf32>,
        %parallel_loop3A_142 = arith.mulf %parallel_loop3A_141, %parallel_loop3A_122 : vector<16xf32>
        tpu.vector_store_idx %arg19[%parallel_loop3A_121, %parallel_loop3A_140], %parallel_loop3A_142 : memref<128x128xf32, #tpu.memory_space<vmem>>[vector<16xi32>, vector<16xi32>], vector<16xf32>,
        %parallel_loop3A_143 = arith.constant 64 : i32
        %parallel_loop3A_144 = vector.broadcast %parallel_loop3A_143 : i32 to vector<16xi32>
        %parallel_loop3A_145 = arith.addi %iota3A, %parallel_loop3A_144 : vector<16xi32>
        %parallel_loop3A_146 = tpu.vector_load_idx %arg19[%parallel_loop3A_121, %parallel_loop3A_145] : memref<128x128xf32, #tpu.memory_space<vmem>>[vector<16xi32>, vector<16xi32>], vector<16xf32>,
        %parallel_loop3A_147 = arith.mulf %parallel_loop3A_146, %parallel_loop3A_122 : vector<16xf32>
        tpu.vector_store_idx %arg19[%parallel_loop3A_121, %parallel_loop3A_145], %parallel_loop3A_147 : memref<128x128xf32, #tpu.memory_space<vmem>>[vector<16xi32>, vector<16xi32>], vector<16xf32>,
        %parallel_loop3A_148 = arith.constant 80 : i32
        %parallel_loop3A_149 = vector.broadcast %parallel_loop3A_148 : i32 to vector<16xi32>
        %parallel_loop3A_150 = arith.addi %iota3A, %parallel_loop3A_149 : vector<16xi32>
        %parallel_loop3A_151 = tpu.vector_load_idx %arg19[%parallel_loop3A_121, %parallel_loop3A_150] : memref<128x128xf32, #tpu.memory_space<vmem>>[vector<16xi32>, vector<16xi32>], vector<16xf32>,
        %parallel_loop3A_152 = arith.mulf %parallel_loop3A_151, %parallel_loop3A_122 : vector<16xf32>
        tpu.vector_store_idx %arg19[%parallel_loop3A_121, %parallel_loop3A_150], %parallel_loop3A_152 : memref<128x128xf32, #tpu.memory_space<vmem>>[vector<16xi32>, vector<16xi32>], vector<16xf32>,
        %parallel_loop3A_153 = arith.constant 96 : i32
        %parallel_loop3A_154 = vector.broadcast %parallel_loop3A_153 : i32 to vector<16xi32>
        %parallel_loop3A_155 = arith.addi %iota3A, %parallel_loop3A_154 : vector<16xi32>
        %parallel_loop3A_156 = tpu.vector_load_idx %arg19[%parallel_loop3A_121, %parallel_loop3A_155] : memref<128x128xf32, #tpu.memory_space<vmem>>[vector<16xi32>, vector<16xi32>], vector<16xf32>,
        %parallel_loop3A_157 = arith.mulf %parallel_loop3A_156, %parallel_loop3A_122 : vector<16xf32>
        tpu.vector_store_idx %arg19[%parallel_loop3A_121, %parallel_loop3A_155], %parallel_loop3A_157 : memref<128x128xf32, #tpu.memory_space<vmem>>[vector<16xi32>, vector<16xi32>], vector<16xf32>,
        %parallel_loop3A_158 = arith.constant 112 : i32
        %parallel_loop3A_159 = vector.broadcast %parallel_loop3A_158 : i32 to vector<16xi32>
        %parallel_loop3A_160 = arith.addi %iota3A, %parallel_loop3A_159 : vector<16xi32>
        %parallel_loop3A_161 = tpu.vector_load_idx %arg19[%parallel_loop3A_121, %parallel_loop3A_160] : memref<128x128xf32, #tpu.memory_space<vmem>>[vector<16xi32>, vector<16xi32>], vector<16xf32>,
        %parallel_loop3A_162 = arith.mulf %parallel_loop3A_161, %parallel_loop3A_122 : vector<16xf32>
        tpu.vector_store_idx %arg19[%parallel_loop3A_121, %parallel_loop3A_160], %parallel_loop3A_162 : memref<128x128xf32, #tpu.memory_space<vmem>>[vector<16xi32>, vector<16xi32>], vector<16xf32>,
      } {sc.loop_unroll_factor = 4 : i64, sc.parallel_access}
      "tpu.region"() ({
        %run_scoped3A = tpu.sem_alloc : memref<!tpu.dma_semaphore, #tpu.memory_space<semaphore_mem>>
        %dma_start3A = arith.constant 0 : i32
        %dma_start3A_120 = arith.constant 0 : i32
        %dma_start3A_121 = tpu.memref_slice %arg22[%dma_start3A, %dma_start3A_120] : memref<10240x128xf32, #tpu.memory_space<vmem_shared>> -> memref<10240x128xf32, #tpu.memory_space<vmem_shared>>
        tpu.enqueue_indirect_dma source(%arg19 : memref<128x128xf32, #tpu.memory_space<vmem>>) target(%dma_start3A_121 : memref<10240x128xf32, #tpu.memory_space<vmem_shared>>) offsets(%arg13 : memref<128xi32, #tpu.memory_space<vmem>>) semaphore(%run_scoped3A : memref<!tpu.dma_semaphore, #tpu.memory_space<semaphore_mem>>) {add = true}
        %dma_wait3A_122 = arith.constant 0 : i32
        %dma_wait3A_123 = arith.constant 0 : i32
        %dma_wait3A_124 = tpu.memref_slice %arg22[%dma_wait3A_122, %dma_wait3A_123] : memref<10240x128xf32, #tpu.memory_space<vmem_shared>> -> memref<10240x128xf32, #tpu.memory_space<vmem_shared>>
        tpu.wait_indirect_dma semaphore(%run_scoped3A : memref<!tpu.dma_semaphore, #tpu.memory_space<semaphore_mem>>) src(%arg19 : memref<128x128xf32, #tpu.memory_space<vmem>>) dst(%dma_wait3A_124 : memref<10240x128xf32, #tpu.memory_space<vmem_shared>>)
        tpu.yield
      }) : () -> ()
      %lt3A_103 = arith.constant 38 : i32
      %lt3A_104 = arith.cmpi slt, %scan3A_75, %lt3A_103 : i32
      %convert_element_type3A_105 = arith.extui %lt3A_104 : i1 to i32
      %cond3A_106 = arith.constant 0 : i32
      %cond3A_107 = arith.cmpi ne, %convert_element_type3A_105, %cond3A_106 : i32
      scf.if %cond3A_107 {
        %add3A_120 = arith.constant 2 : i32
        %add3A_121 = arith.addi %add3A_78, %add3A_120 : i32
        %mul3A_122 = arith.constant 128 : i32
        %mul3A_123 = arith.muli %add3A_121, %mul3A_122 : i32
        "tpu.region"() ({
          %run_scoped3A = tpu.sem_alloc : memref<!tpu.dma_semaphore, #tpu.memory_space<semaphore_mem>>
          %dma_start3A = tpu.memref_slice %arg4[%mul3A_123] : memref<160000xi32, #tpu.memory_space<hbm>> -> memref<128xi32, #tpu.memory_space<hbm>>
          %dma_start3A_134 = tpu.memref_slice %arg4[%mul3A_123] : memref<160000xi32, #tpu.memory_space<hbm>> -> memref<128xi32, #tpu.memory_space<hbm>>
          tpu.enqueue_dma source(%dma_start3A_134 : memref<128xi32, #tpu.memory_space<hbm>>) target(%arg12 : memref<128xi32, #tpu.memory_space<vmem>>) target_semaphore(%run_scoped3A : memref<!tpu.dma_semaphore, #tpu.memory_space<semaphore_mem>>)
          %dma_wait3A_135 = tpu.memref_slice %arg4[%mul3A_123] : memref<160000xi32, #tpu.memory_space<hbm>> -> memref<128xi32, #tpu.memory_space<hbm>>
          %dma_wait3A_136 = tpu.memref_slice %arg4[%mul3A_123] : memref<160000xi32, #tpu.memory_space<hbm>> -> memref<128xi32, #tpu.memory_space<hbm>>
          tpu.wait_dma2 semaphore(%run_scoped3A : memref<!tpu.dma_semaphore, #tpu.memory_space<semaphore_mem>>) src(%dma_wait3A_136 : memref<128xi32, #tpu.memory_space<hbm>>) dst(%arg12 : memref<128xi32, #tpu.memory_space<vmem>>)
          tpu.yield
        }) : () -> ()
        "tpu.region"() ({
          %run_scoped3A = tpu.sem_alloc : memref<!tpu.dma_semaphore, #tpu.memory_space<semaphore_mem>>
          %dma_start3A = tpu.memref_slice %arg5[%mul3A_123] : memref<160000xi32, #tpu.memory_space<hbm>> -> memref<128xi32, #tpu.memory_space<hbm>>
          %dma_start3A_134 = tpu.memref_slice %arg5[%mul3A_123] : memref<160000xi32, #tpu.memory_space<hbm>> -> memref<128xi32, #tpu.memory_space<hbm>>
          tpu.enqueue_dma source(%dma_start3A_134 : memref<128xi32, #tpu.memory_space<hbm>>) target(%arg13 : memref<128xi32, #tpu.memory_space<vmem>>) target_semaphore(%run_scoped3A : memref<!tpu.dma_semaphore, #tpu.memory_space<semaphore_mem>>)
          %dma_wait3A_135 = tpu.memref_slice %arg5[%mul3A_123] : memref<160000xi32, #tpu.memory_space<hbm>> -> memref<128xi32, #tpu.memory_space<hbm>>
          %dma_wait3A_136 = tpu.memref_slice %arg5[%mul3A_123] : memref<160000xi32, #tpu.memory_space<hbm>> -> memref<128xi32, #tpu.memory_space<hbm>>
          tpu.wait_dma2 semaphore(%run_scoped3A : memref<!tpu.dma_semaphore, #tpu.memory_space<semaphore_mem>>) src(%dma_wait3A_136 : memref<128xi32, #tpu.memory_space<hbm>>) dst(%arg13 : memref<128xi32, #tpu.memory_space<vmem>>)
          tpu.yield
        }) : () -> ()
        "tpu.region"() ({
          %run_scoped3A = tpu.sem_alloc : memref<!tpu.dma_semaphore, #tpu.memory_space<semaphore_mem>>
          %dma_start3A = tpu.memref_slice %arg6[%mul3A_123] : memref<160000xf32, #tpu.memory_space<hbm>> -> memref<128xf32, #tpu.memory_space<hbm>>
          %dma_start3A_134 = tpu.memref_slice %arg6[%mul3A_123] : memref<160000xf32, #tpu.memory_space<hbm>> -> memref<128xf32, #tpu.memory_space<hbm>>
          tpu.enqueue_dma source(%dma_start3A_134 : memref<128xf32, #tpu.memory_space<hbm>>) target(%arg14 : memref<128xf32, #tpu.memory_space<vmem>>) target_semaphore(%run_scoped3A : memref<!tpu.dma_semaphore, #tpu.memory_space<semaphore_mem>>)
          %dma_wait3A_135 = tpu.memref_slice %arg6[%mul3A_123] : memref<160000xf32, #tpu.memory_space<hbm>> -> memref<128xf32, #tpu.memory_space<hbm>>
          %dma_wait3A_136 = tpu.memref_slice %arg6[%mul3A_123] : memref<160000xf32, #tpu.memory_space<hbm>> -> memref<128xf32, #tpu.memory_space<hbm>>
          tpu.wait_dma2 semaphore(%run_scoped3A : memref<!tpu.dma_semaphore, #tpu.memory_space<semaphore_mem>>) src(%dma_wait3A_136 : memref<128xf32, #tpu.memory_space<hbm>>) dst(%arg14 : memref<128xf32, #tpu.memory_space<vmem>>)
          tpu.yield
        }) : () -> ()
        %eq3A_124 = arith.constant 0 : i32
        %eq3A_125 = arith.cmpi eq, %arg0, %eq3A_124 : i32
        %convert_element_type3A_126 = arith.extui %eq3A_125 : i1 to i32
        %cond3A_127 = arith.constant 0 : i32
        %cond3A_128 = arith.cmpi ne, %convert_element_type3A_126, %cond3A_127 : i32
        scf.if %cond3A_128 {
          %dma_start3A = arith.constant 0 : i32
          %dma_start3A_134 = arith.constant 0 : i32
          %dma_start3A_135 = tpu.memref_slice %arg2[%dma_start3A, %dma_start3A_134] : memref<10000x128xf32, #tpu.memory_space<hbm>> -> memref<10000x128xf32, #tpu.memory_space<hbm>>
          tpu.enqueue_indirect_dma source(%dma_start3A_135 : memref<10000x128xf32, #tpu.memory_space<hbm>>) target(%arg19 : memref<128x128xf32, #tpu.memory_space<vmem>>) offsets(%arg12 : memref<128xi32, #tpu.memory_space<vmem>>) semaphore(%arg24 : memref<!tpu.dma_semaphore, #tpu.memory_space<semaphore_mem>>)
        } else {
        }
        %eq3A_129 = arith.constant 1 : i32
        %eq3A_130 = arith.cmpi eq, %arg0, %eq3A_129 : i32
        %convert_element_type3A_131 = arith.extui %eq3A_130 : i1 to i32
        %cond3A_132 = arith.constant 0 : i32
        %cond3A_133 = arith.cmpi ne, %convert_element_type3A_131, %cond3A_132 : i32
        scf.if %cond3A_133 {
          %dma_start3A = arith.constant 0 : i32
          %dma_start3A_134 = arith.constant 0 : i32
          %dma_start3A_135 = tpu.memref_slice %arg3[%dma_start3A, %dma_start3A_134] : memref<10000x128xf32, #tpu.memory_space<hbm>> -> memref<10000x128xf32, #tpu.memory_space<hbm>>
          tpu.enqueue_indirect_dma source(%dma_start3A_135 : memref<10000x128xf32, #tpu.memory_space<hbm>>) target(%arg19 : memref<128x128xf32, #tpu.memory_space<vmem>>) offsets(%arg12 : memref<128xi32, #tpu.memory_space<vmem>>) semaphore(%arg24 : memref<!tpu.dma_semaphore, #tpu.memory_space<semaphore_mem>>)
        } else {
        }
      } else {
      }
      %scan3A_108 = arith.constant 0 : i32
      %scan3A_109 = arith.constant 0 : i32
      %scan3A_110 = arith.constant 64 : i32
      %scan3A_111 = arith.addi %scan3A_109, %scan3A_110 : i32
      %scan3A_112 = arith.constant 1 : i32
      scf.for %scan3A_120 = %scan3A_109 to %scan3A_111 step %scan3A_112  : i32 {
        %mul3A_121 = arith.constant 64 : i32
        %mul3A_122 = arith.muli %arg0, %mul3A_121 : i32
        %add3A_123 = arith.addi %scan3A_120, %mul3A_122 : i32
        %broadcast_in_dim3A = vector.broadcast %add3A_123 : i32 to vector<16xi32>
        %gather3A = tpu.vector_load_idx %arg16[%broadcast_in_dim3A] : memref<128xi32, #tpu.memory_space<vmem>>[vector<16xi32>], vector<16xi32>,
        %shift_right_logical3A = arith.constant 7 : i32
        %shift_right_logical3A_124 = vector.broadcast %shift_right_logical3A : i32 to vector<16xi32>
        %shift_right_logical3A_125 = arith.shrui %gather3A, %shift_right_logical3A_124 : vector<16xi32>
        %and3A_126 = arith.constant 127 : i32
        %and3A_127 = vector.broadcast %and3A_126 : i32 to vector<16xi32>
        %and3A_128 = arith.andi %gather3A, %and3A_127 : vector<16xi32>
        %gather3A_129 = tpu.vector_load_idx %arg21[%shift_right_logical3A_125, %and3A_128] : memref<80x128xf32, #tpu.memory_space<vmem>>[vector<16xi32>, vector<16xi32>], vector<16xf32>,
        %add3A_130 = arith.constant 1.000000e+00 : f32
        %add3A_131 = vector.broadcast %add3A_130 : f32 to vector<16xf32>
        %add3A_132 = arith.addf %gather3A_129, %add3A_131 : vector<16xf32>
        tpu.vector_store_idx %arg21[%shift_right_logical3A_125, %and3A_128], %add3A_132 : memref<80x128xf32, #tpu.memory_space<vmem>>[vector<16xi32>, vector<16xi32>], vector<16xf32>,
      }
      %scan3A_113 = arith.constant 64 : i32
      %dma_wait3A_114 = arith.constant 0 : i32
      %dma_wait3A_115 = arith.constant 0 : i32
      %dma_wait3A_116 = tpu.memref_slice %arg2[%dma_wait3A_114, %dma_wait3A_115] : memref<10000x128xf32, #tpu.memory_space<hbm>> -> memref<10000x128xf32, #tpu.memory_space<hbm>>
      tpu.wait_indirect_dma semaphore(%arg25 : memref<!tpu.dma_semaphore, #tpu.memory_space<semaphore_mem>>) src(%dma_wait3A_116 : memref<10000x128xf32, #tpu.memory_space<hbm>>) dst(%arg20 : memref<128x128xf32, #tpu.memory_space<vmem>>)
      %parallel_loop3A_117 = arith.constant 0 : i32
      %parallel_loop3A_118 = arith.constant 128 : i32
      %parallel_loop3A_119 = arith.constant 1 : i32
      scf.for %parallel_loop3A_120 = %parallel_loop3A_117 to %parallel_loop3A_118 step %parallel_loop3A_119  : i32 {
        %parallel_loop3A_121 = vector.broadcast %parallel_loop3A_120 : i32 to vector<16xi32>
        %parallel_loop3A_122 = tpu.vector_load_idx %arg17[%parallel_loop3A_121] : memref<128xf32, #tpu.memory_space<vmem>>[vector<16xi32>], vector<16xf32>,
        %parallel_loop3A_123 = arith.constant 0 : i32
        %parallel_loop3A_124 = vector.broadcast %parallel_loop3A_123 : i32 to vector<16xi32>
        %parallel_loop3A_125 = arith.addi %iota3A, %parallel_loop3A_124 : vector<16xi32>
        %parallel_loop3A_126 = tpu.vector_load_idx %arg20[%parallel_loop3A_121, %parallel_loop3A_125] : memref<128x128xf32, #tpu.memory_space<vmem>>[vector<16xi32>, vector<16xi32>], vector<16xf32>,
        %parallel_loop3A_127 = arith.mulf %parallel_loop3A_126, %parallel_loop3A_122 : vector<16xf32>
        tpu.vector_store_idx %arg20[%parallel_loop3A_121, %parallel_loop3A_125], %parallel_loop3A_127 : memref<128x128xf32, #tpu.memory_space<vmem>>[vector<16xi32>, vector<16xi32>], vector<16xf32>,
        %parallel_loop3A_128 = arith.constant 16 : i32
        %parallel_loop3A_129 = vector.broadcast %parallel_loop3A_128 : i32 to vector<16xi32>
        %parallel_loop3A_130 = arith.addi %iota3A, %parallel_loop3A_129 : vector<16xi32>
        %parallel_loop3A_131 = tpu.vector_load_idx %arg20[%parallel_loop3A_121, %parallel_loop3A_130] : memref<128x128xf32, #tpu.memory_space<vmem>>[vector<16xi32>, vector<16xi32>], vector<16xf32>,
        %parallel_loop3A_132 = arith.mulf %parallel_loop3A_131, %parallel_loop3A_122 : vector<16xf32>
        tpu.vector_store_idx %arg20[%parallel_loop3A_121, %parallel_loop3A_130], %parallel_loop3A_132 : memref<128x128xf32, #tpu.memory_space<vmem>>[vector<16xi32>, vector<16xi32>], vector<16xf32>,
        %parallel_loop3A_133 = arith.constant 32 : i32
        %parallel_loop3A_134 = vector.broadcast %parallel_loop3A_133 : i32 to vector<16xi32>
        %parallel_loop3A_135 = arith.addi %iota3A, %parallel_loop3A_134 : vector<16xi32>
        %parallel_loop3A_136 = tpu.vector_load_idx %arg20[%parallel_loop3A_121, %parallel_loop3A_135] : memref<128x128xf32, #tpu.memory_space<vmem>>[vector<16xi32>, vector<16xi32>], vector<16xf32>,
        %parallel_loop3A_137 = arith.mulf %parallel_loop3A_136, %parallel_loop3A_122 : vector<16xf32>
        tpu.vector_store_idx %arg20[%parallel_loop3A_121, %parallel_loop3A_135], %parallel_loop3A_137 : memref<128x128xf32, #tpu.memory_space<vmem>>[vector<16xi32>, vector<16xi32>], vector<16xf32>,
        %parallel_loop3A_138 = arith.constant 48 : i32
        %parallel_loop3A_139 = vector.broadcast %parallel_loop3A_138 : i32 to vector<16xi32>
        %parallel_loop3A_140 = arith.addi %iota3A, %parallel_loop3A_139 : vector<16xi32>
        %parallel_loop3A_141 = tpu.vector_load_idx %arg20[%parallel_loop3A_121, %parallel_loop3A_140] : memref<128x128xf32, #tpu.memory_space<vmem>>[vector<16xi32>, vector<16xi32>], vector<16xf32>,
        %parallel_loop3A_142 = arith.mulf %parallel_loop3A_141, %parallel_loop3A_122 : vector<16xf32>
        tpu.vector_store_idx %arg20[%parallel_loop3A_121, %parallel_loop3A_140], %parallel_loop3A_142 : memref<128x128xf32, #tpu.memory_space<vmem>>[vector<16xi32>, vector<16xi32>], vector<16xf32>,
        %parallel_loop3A_143 = arith.constant 64 : i32
        %parallel_loop3A_144 = vector.broadcast %parallel_loop3A_143 : i32 to vector<16xi32>
        %parallel_loop3A_145 = arith.addi %iota3A, %parallel_loop3A_144 : vector<16xi32>
        %parallel_loop3A_146 = tpu.vector_load_idx %arg20[%parallel_loop3A_121, %parallel_loop3A_145] : memref<128x128xf32, #tpu.memory_space<vmem>>[vector<16xi32>, vector<16xi32>], vector<16xf32>,
        %parallel_loop3A_147 = arith.mulf %parallel_loop3A_146, %parallel_loop3A_122 : vector<16xf32>
        tpu.vector_store_idx %arg20[%parallel_loop3A_121, %parallel_loop3A_145], %parallel_loop3A_147 : memref<128x128xf32, #tpu.memory_space<vmem>>[vector<16xi32>, vector<16xi32>], vector<16xf32>,
        %parallel_loop3A_148 = arith.constant 80 : i32
        %parallel_loop3A_149 = vector.broadcast %parallel_loop3A_148 : i32 to vector<16xi32>
        %parallel_loop3A_150 = arith.addi %iota3A, %parallel_loop3A_149 : vector<16xi32>
        %parallel_loop3A_151 = tpu.vector_load_idx %arg20[%parallel_loop3A_121, %parallel_loop3A_150] : memref<128x128xf32, #tpu.memory_space<vmem>>[vector<16xi32>, vector<16xi32>], vector<16xf32>,
        %parallel_loop3A_152 = arith.mulf %parallel_loop3A_151, %parallel_loop3A_122 : vector<16xf32>
        tpu.vector_store_idx %arg20[%parallel_loop3A_121, %parallel_loop3A_150], %parallel_loop3A_152 : memref<128x128xf32, #tpu.memory_space<vmem>>[vector<16xi32>, vector<16xi32>], vector<16xf32>,
        %parallel_loop3A_153 = arith.constant 96 : i32
        %parallel_loop3A_154 = vector.broadcast %parallel_loop3A_153 : i32 to vector<16xi32>
        %parallel_loop3A_155 = arith.addi %iota3A, %parallel_loop3A_154 : vector<16xi32>
        %parallel_loop3A_156 = tpu.vector_load_idx %arg20[%parallel_loop3A_121, %parallel_loop3A_155] : memref<128x128xf32, #tpu.memory_space<vmem>>[vector<16xi32>, vector<16xi32>], vector<16xf32>,
        %parallel_loop3A_157 = arith.mulf %parallel_loop3A_156, %parallel_loop3A_122 : vector<16xf32>
        tpu.vector_store_idx %arg20[%parallel_loop3A_121, %parallel_loop3A_155], %parallel_loop3A_157 : memref<128x128xf32, #tpu.memory_space<vmem>>[vector<16xi32>, vector<16xi32>], vector<16xf32>,
        %parallel_loop3A_158 = arith.constant 112 : i32
        %parallel_loop3A_159 = vector.broadcast %parallel_loop3A_158 : i32 to vector<16xi32>
        %parallel_loop3A_160 = arith.addi %iota3A, %parallel_loop3A_159 : vector<16xi32>
        %parallel_loop3A_161 = tpu.vector_load_idx %arg20[%parallel_loop3A_121, %parallel_loop3A_160] : memref<128x128xf32, #tpu.memory_space<vmem>>[vector<16xi32>, vector<16xi32>], vector<16xf32>,
        %parallel_loop3A_162 = arith.mulf %parallel_loop3A_161, %parallel_loop3A_122 : vector<16xf32>
        tpu.vector_store_idx %arg20[%parallel_loop3A_121, %parallel_loop3A_160], %parallel_loop3A_162 : memref<128x128xf32, #tpu.memory_space<vmem>>[vector<16xi32>, vector<16xi32>], vector<16xf32>,
      } {sc.loop_unroll_factor = 4 : i64, sc.parallel_access}
      "tpu.region"() ({
        %run_scoped3A = tpu.sem_alloc : memref<!tpu.dma_semaphore, #tpu.memory_space<semaphore_mem>>
        %dma_start3A = arith.constant 0 : i32
        %dma_start3A_120 = arith.constant 0 : i32
        %dma_start3A_121 = tpu.memref_slice %arg22[%dma_start3A, %dma_start3A_120] : memref<10240x128xf32, #tpu.memory_space<vmem_shared>> -> memref<10240x128xf32, #tpu.memory_space<vmem_shared>>
        tpu.enqueue_indirect_dma source(%arg20 : memref<128x128xf32, #tpu.memory_space<vmem>>) target(%dma_start3A_121 : memref<10240x128xf32, #tpu.memory_space<vmem_shared>>) offsets(%arg16 : memref<128xi32, #tpu.memory_space<vmem>>) semaphore(%run_scoped3A : memref<!tpu.dma_semaphore, #tpu.memory_space<semaphore_mem>>) {add = true}
        %dma_wait3A_122 = arith.constant 0 : i32
        %dma_wait3A_123 = arith.constant 0 : i32
        %dma_wait3A_124 = tpu.memref_slice %arg22[%dma_wait3A_122, %dma_wait3A_123] : memref<10240x128xf32, #tpu.memory_space<vmem_shared>> -> memref<10240x128xf32, #tpu.memory_space<vmem_shared>>
        tpu.wait_indirect_dma semaphore(%run_scoped3A : memref<!tpu.dma_semaphore, #tpu.memory_space<semaphore_mem>>) src(%arg20 : memref<128x128xf32, #tpu.memory_space<vmem>>) dst(%dma_wait3A_124 : memref<10240x128xf32, #tpu.memory_space<vmem_shared>>)
        tpu.yield
      }) : () -> ()
    }
    %scan3A_44 = arith.constant 39 : i32
    %lt3A = arith.constant 2 : i32
    %lt3A_45 = arith.cmpi slt, %arg1, %lt3A : i32
    %convert_element_type3A_46 = arith.extui %lt3A_45 : i1 to i32
    %cond3A_47 = arith.constant 0 : i32
    %cond3A_48 = arith.cmpi ne, %convert_element_type3A_46, %cond3A_47 : i32
    scf.if %cond3A_48 {
      %add3A_75 = arith.constant 1248 : i32
      %add3A_76 = arith.addi %add3A_75, %arg1 : i32
      %mul3A_77 = arith.constant 128 : i32
      %mul3A_78 = arith.muli %add3A_76, %mul3A_77 : i32
      "tpu.region"() ({
        %run_scoped3A = tpu.sem_alloc : memref<!tpu.dma_semaphore, #tpu.memory_space<semaphore_mem>>
        %dma_start3A = tpu.memref_slice %arg4[%mul3A_78] : memref<160000xi32, #tpu.memory_space<hbm>> -> memref<128xi32, #tpu.memory_space<hbm>>
        %dma_start3A_99 = tpu.memref_slice %arg4[%mul3A_78] : memref<160000xi32, #tpu.memory_space<hbm>> -> memref<128xi32, #tpu.memory_space<hbm>>
        tpu.enqueue_dma source(%dma_start3A_99 : memref<128xi32, #tpu.memory_space<hbm>>) target(%arg12 : memref<128xi32, #tpu.memory_space<vmem>>) target_semaphore(%run_scoped3A : memref<!tpu.dma_semaphore, #tpu.memory_space<semaphore_mem>>)
        %dma_wait3A_100 = tpu.memref_slice %arg4[%mul3A_78] : memref<160000xi32, #tpu.memory_space<hbm>> -> memref<128xi32, #tpu.memory_space<hbm>>
        %dma_wait3A_101 = tpu.memref_slice %arg4[%mul3A_78] : memref<160000xi32, #tpu.memory_space<hbm>> -> memref<128xi32, #tpu.memory_space<hbm>>
        tpu.wait_dma2 semaphore(%run_scoped3A : memref<!tpu.dma_semaphore, #tpu.memory_space<semaphore_mem>>) src(%dma_wait3A_101 : memref<128xi32, #tpu.memory_space<hbm>>) dst(%arg12 : memref<128xi32, #tpu.memory_space<vmem>>)
        tpu.yield
      }) : () -> ()
      "tpu.region"() ({
        %run_scoped3A = tpu.sem_alloc : memref<!tpu.dma_semaphore, #tpu.memory_space<semaphore_mem>>
        %dma_start3A = tpu.memref_slice %arg5[%mul3A_78] : memref<160000xi32, #tpu.memory_space<hbm>> -> memref<128xi32, #tpu.memory_space<hbm>>
        %dma_start3A_99 = tpu.memref_slice %arg5[%mul3A_78] : memref<160000xi32, #tpu.memory_space<hbm>> -> memref<128xi32, #tpu.memory_space<hbm>>
        tpu.enqueue_dma source(%dma_start3A_99 : memref<128xi32, #tpu.memory_space<hbm>>) target(%arg13 : memref<128xi32, #tpu.memory_space<vmem>>) target_semaphore(%run_scoped3A : memref<!tpu.dma_semaphore, #tpu.memory_space<semaphore_mem>>)
        %dma_wait3A_100 = tpu.memref_slice %arg5[%mul3A_78] : memref<160000xi32, #tpu.memory_space<hbm>> -> memref<128xi32, #tpu.memory_space<hbm>>
        %dma_wait3A_101 = tpu.memref_slice %arg5[%mul3A_78] : memref<160000xi32, #tpu.memory_space<hbm>> -> memref<128xi32, #tpu.memory_space<hbm>>
        tpu.wait_dma2 semaphore(%run_scoped3A : memref<!tpu.dma_semaphore, #tpu.memory_space<semaphore_mem>>) src(%dma_wait3A_101 : memref<128xi32, #tpu.memory_space<hbm>>) dst(%arg13 : memref<128xi32, #tpu.memory_space<vmem>>)
        tpu.yield
      }) : () -> ()
      "tpu.region"() ({
        %run_scoped3A = tpu.sem_alloc : memref<!tpu.dma_semaphore, #tpu.memory_space<semaphore_mem>>
        %dma_start3A = tpu.memref_slice %arg6[%mul3A_78] : memref<160000xf32, #tpu.memory_space<hbm>> -> memref<128xf32, #tpu.memory_space<hbm>>
        %dma_start3A_99 = tpu.memref_slice %arg6[%mul3A_78] : memref<160000xf32, #tpu.memory_space<hbm>> -> memref<128xf32, #tpu.memory_space<hbm>>
        tpu.enqueue_dma source(%dma_start3A_99 : memref<128xf32, #tpu.memory_space<hbm>>) target(%arg14 : memref<128xf32, #tpu.memory_space<vmem>>) target_semaphore(%run_scoped3A : memref<!tpu.dma_semaphore, #tpu.memory_space<semaphore_mem>>)
        %dma_wait3A_100 = tpu.memref_slice %arg6[%mul3A_78] : memref<160000xf32, #tpu.memory_space<hbm>> -> memref<128xf32, #tpu.memory_space<hbm>>
        %dma_wait3A_101 = tpu.memref_slice %arg6[%mul3A_78] : memref<160000xf32, #tpu.memory_space<hbm>> -> memref<128xf32, #tpu.memory_space<hbm>>
        tpu.wait_dma2 semaphore(%run_scoped3A : memref<!tpu.dma_semaphore, #tpu.memory_space<semaphore_mem>>) src(%dma_wait3A_101 : memref<128xf32, #tpu.memory_space<hbm>>) dst(%arg14 : memref<128xf32, #tpu.memory_space<vmem>>)
        tpu.yield
      }) : () -> ()
      %eq3A_79 = arith.constant 0 : i32
      %eq3A_80 = arith.cmpi eq, %arg0, %eq3A_79 : i32
      %convert_element_type3A_81 = arith.extui %eq3A_80 : i1 to i32
      %cond3A_82 = arith.constant 0 : i32
      %cond3A_83 = arith.cmpi ne, %convert_element_type3A_81, %cond3A_82 : i32
      scf.if %cond3A_83 {
        %dma_start3A = arith.constant 0 : i32
        %dma_start3A_99 = arith.constant 0 : i32
        %dma_start3A_100 = tpu.memref_slice %arg2[%dma_start3A, %dma_start3A_99] : memref<10000x128xf32, #tpu.memory_space<hbm>> -> memref<10000x128xf32, #tpu.memory_space<hbm>>
        tpu.enqueue_indirect_dma source(%dma_start3A_100 : memref<10000x128xf32, #tpu.memory_space<hbm>>) target(%arg19 : memref<128x128xf32, #tpu.memory_space<vmem>>) offsets(%arg12 : memref<128xi32, #tpu.memory_space<vmem>>) semaphore(%arg24 : memref<!tpu.dma_semaphore, #tpu.memory_space<semaphore_mem>>)
      } else {
      }
      %eq3A_84 = arith.constant 1 : i32
      %eq3A_85 = arith.cmpi eq, %arg0, %eq3A_84 : i32
      %convert_element_type3A_86 = arith.extui %eq3A_85 : i1 to i32
      %cond3A_87 = arith.constant 0 : i32
      %cond3A_88 = arith.cmpi ne, %convert_element_type3A_86, %cond3A_87 : i32
      scf.if %cond3A_88 {
        %dma_start3A = arith.constant 0 : i32
        %dma_start3A_99 = arith.constant 0 : i32
        %dma_start3A_100 = tpu.memref_slice %arg3[%dma_start3A, %dma_start3A_99] : memref<10000x128xf32, #tpu.memory_space<hbm>> -> memref<10000x128xf32, #tpu.memory_space<hbm>>
        tpu.enqueue_indirect_dma source(%dma_start3A_100 : memref<10000x128xf32, #tpu.memory_space<hbm>>) target(%arg19 : memref<128x128xf32, #tpu.memory_space<vmem>>) offsets(%arg12 : memref<128xi32, #tpu.memory_space<vmem>>) semaphore(%arg24 : memref<!tpu.dma_semaphore, #tpu.memory_space<semaphore_mem>>)
      } else {
      }
      %scan3A_89 = arith.constant 0 : i32
      %scan3A_90 = arith.constant 0 : i32
      %scan3A_91 = arith.constant 64 : i32
      %scan3A_92 = arith.addi %scan3A_90, %scan3A_91 : i32
      %scan3A_93 = arith.constant 1 : i32
      scf.for %scan3A_99 = %scan3A_90 to %scan3A_92 step %scan3A_93  : i32 {
        %mul3A_100 = arith.constant 64 : i32
        %mul3A_101 = arith.muli %arg0, %mul3A_100 : i32
        %add3A_102 = arith.addi %scan3A_99, %mul3A_101 : i32
        %broadcast_in_dim3A = vector.broadcast %add3A_102 : i32 to vector<16xi32>
        %gather3A = tpu.vector_load_idx %arg13[%broadcast_in_dim3A] : memref<128xi32, #tpu.memory_space<vmem>>[vector<16xi32>], vector<16xi32>,
        %shift_right_logical3A = arith.constant 7 : i32
        %shift_right_logical3A_103 = vector.broadcast %shift_right_logical3A : i32 to vector<16xi32>
        %shift_right_logical3A_104 = arith.shrui %gather3A, %shift_right_logical3A_103 : vector<16xi32>
        %and3A_105 = arith.constant 127 : i32
        %and3A_106 = vector.broadcast %and3A_105 : i32 to vector<16xi32>
        %and3A_107 = arith.andi %gather3A, %and3A_106 : vector<16xi32>
        %gather3A_108 = tpu.vector_load_idx %arg21[%shift_right_logical3A_104, %and3A_107] : memref<80x128xf32, #tpu.memory_space<vmem>>[vector<16xi32>, vector<16xi32>], vector<16xf32>,
        %add3A_109 = arith.constant 1.000000e+00 : f32
        %add3A_110 = vector.broadcast %add3A_109 : f32 to vector<16xf32>
        %add3A_111 = arith.addf %gather3A_108, %add3A_110 : vector<16xf32>
        tpu.vector_store_idx %arg21[%shift_right_logical3A_104, %and3A_107], %add3A_111 : memref<80x128xf32, #tpu.memory_space<vmem>>[vector<16xi32>, vector<16xi32>], vector<16xf32>,
      }
      %scan3A_94 = arith.constant 64 : i32
      %dma_wait3A = arith.constant 0 : i32
      %dma_wait3A_95 = arith.constant 0 : i32
      %dma_wait3A_96 = tpu.memref_slice %arg2[%dma_wait3A, %dma_wait3A_95] : memref<10000x128xf32, #tpu.memory_space<hbm>> -> memref<10000x128xf32, #tpu.memory_space<hbm>>
      tpu.wait_indirect_dma semaphore(%arg24 : memref<!tpu.dma_semaphore, #tpu.memory_space<semaphore_mem>>) src(%dma_wait3A_96 : memref<10000x128xf32, #tpu.memory_space<hbm>>) dst(%arg19 : memref<128x128xf32, #tpu.memory_space<vmem>>)
      %parallel_loop3A = arith.constant 0 : i32
      %parallel_loop3A_97 = arith.constant 128 : i32
      %parallel_loop3A_98 = arith.constant 1 : i32
      scf.for %parallel_loop3A_99 = %parallel_loop3A to %parallel_loop3A_97 step %parallel_loop3A_98  : i32 {
        %parallel_loop3A_100 = vector.broadcast %parallel_loop3A_99 : i32 to vector<16xi32>
        %parallel_loop3A_101 = tpu.vector_load_idx %arg14[%parallel_loop3A_100] : memref<128xf32, #tpu.memory_space<vmem>>[vector<16xi32>], vector<16xf32>,
        %parallel_loop3A_102 = arith.constant 0 : i32
        %parallel_loop3A_103 = vector.broadcast %parallel_loop3A_102 : i32 to vector<16xi32>
        %parallel_loop3A_104 = arith.addi %iota3A, %parallel_loop3A_103 : vector<16xi32>
        %parallel_loop3A_105 = tpu.vector_load_idx %arg19[%parallel_loop3A_100, %parallel_loop3A_104] : memref<128x128xf32, #tpu.memory_space<vmem>>[vector<16xi32>, vector<16xi32>], vector<16xf32>,
        %parallel_loop3A_106 = arith.mulf %parallel_loop3A_105, %parallel_loop3A_101 : vector<16xf32>
        tpu.vector_store_idx %arg19[%parallel_loop3A_100, %parallel_loop3A_104], %parallel_loop3A_106 : memref<128x128xf32, #tpu.memory_space<vmem>>[vector<16xi32>, vector<16xi32>], vector<16xf32>,
        %parallel_loop3A_107 = arith.constant 16 : i32
        %parallel_loop3A_108 = vector.broadcast %parallel_loop3A_107 : i32 to vector<16xi32>
        %parallel_loop3A_109 = arith.addi %iota3A, %parallel_loop3A_108 : vector<16xi32>
        %parallel_loop3A_110 = tpu.vector_load_idx %arg19[%parallel_loop3A_100, %parallel_loop3A_109] : memref<128x128xf32, #tpu.memory_space<vmem>>[vector<16xi32>, vector<16xi32>], vector<16xf32>,
        %parallel_loop3A_111 = arith.mulf %parallel_loop3A_110, %parallel_loop3A_101 : vector<16xf32>
        tpu.vector_store_idx %arg19[%parallel_loop3A_100, %parallel_loop3A_109], %parallel_loop3A_111 : memref<128x128xf32, #tpu.memory_space<vmem>>[vector<16xi32>, vector<16xi32>], vector<16xf32>,
        %parallel_loop3A_112 = arith.constant 32 : i32
        %parallel_loop3A_113 = vector.broadcast %parallel_loop3A_112 : i32 to vector<16xi32>
        %parallel_loop3A_114 = arith.addi %iota3A, %parallel_loop3A_113 : vector<16xi32>
        %parallel_loop3A_115 = tpu.vector_load_idx %arg19[%parallel_loop3A_100, %parallel_loop3A_114] : memref<128x128xf32, #tpu.memory_space<vmem>>[vector<16xi32>, vector<16xi32>], vector<16xf32>,
        %parallel_loop3A_116 = arith.mulf %parallel_loop3A_115, %parallel_loop3A_101 : vector<16xf32>
        tpu.vector_store_idx %arg19[%parallel_loop3A_100, %parallel_loop3A_114], %parallel_loop3A_116 : memref<128x128xf32, #tpu.memory_space<vmem>>[vector<16xi32>, vector<16xi32>], vector<16xf32>,
        %parallel_loop3A_117 = arith.constant 48 : i32
        %parallel_loop3A_118 = vector.broadcast %parallel_loop3A_117 : i32 to vector<16xi32>
        %parallel_loop3A_119 = arith.addi %iota3A, %parallel_loop3A_118 : vector<16xi32>
        %parallel_loop3A_120 = tpu.vector_load_idx %arg19[%parallel_loop3A_100, %parallel_loop3A_119] : memref<128x128xf32, #tpu.memory_space<vmem>>[vector<16xi32>, vector<16xi32>], vector<16xf32>,
        %parallel_loop3A_121 = arith.mulf %parallel_loop3A_120, %parallel_loop3A_101 : vector<16xf32>
        tpu.vector_store_idx %arg19[%parallel_loop3A_100, %parallel_loop3A_119], %parallel_loop3A_121 : memref<128x128xf32, #tpu.memory_space<vmem>>[vector<16xi32>, vector<16xi32>], vector<16xf32>,
        %parallel_loop3A_122 = arith.constant 64 : i32
        %parallel_loop3A_123 = vector.broadcast %parallel_loop3A_122 : i32 to vector<16xi32>
        %parallel_loop3A_124 = arith.addi %iota3A, %parallel_loop3A_123 : vector<16xi32>
        %parallel_loop3A_125 = tpu.vector_load_idx %arg19[%parallel_loop3A_100, %parallel_loop3A_124] : memref<128x128xf32, #tpu.memory_space<vmem>>[vector<16xi32>, vector<16xi32>], vector<16xf32>,
        %parallel_loop3A_126 = arith.mulf %parallel_loop3A_125, %parallel_loop3A_101 : vector<16xf32>
        tpu.vector_store_idx %arg19[%parallel_loop3A_100, %parallel_loop3A_124], %parallel_loop3A_126 : memref<128x128xf32, #tpu.memory_space<vmem>>[vector<16xi32>, vector<16xi32>], vector<16xf32>,
        %parallel_loop3A_127 = arith.constant 80 : i32
        %parallel_loop3A_128 = vector.broadcast %parallel_loop3A_127 : i32 to vector<16xi32>
        %parallel_loop3A_129 = arith.addi %iota3A, %parallel_loop3A_128 : vector<16xi32>
        %parallel_loop3A_130 = tpu.vector_load_idx %arg19[%parallel_loop3A_100, %parallel_loop3A_129] : memref<128x128xf32, #tpu.memory_space<vmem>>[vector<16xi32>, vector<16xi32>], vector<16xf32>,
        %parallel_loop3A_131 = arith.mulf %parallel_loop3A_130, %parallel_loop3A_101 : vector<16xf32>
        tpu.vector_store_idx %arg19[%parallel_loop3A_100, %parallel_loop3A_129], %parallel_loop3A_131 : memref<128x128xf32, #tpu.memory_space<vmem>>[vector<16xi32>, vector<16xi32>], vector<16xf32>,
        %parallel_loop3A_132 = arith.constant 96 : i32
        %parallel_loop3A_133 = vector.broadcast %parallel_loop3A_132 : i32 to vector<16xi32>
        %parallel_loop3A_134 = arith.addi %iota3A, %parallel_loop3A_133 : vector<16xi32>
        %parallel_loop3A_135 = tpu.vector_load_idx %arg19[%parallel_loop3A_100, %parallel_loop3A_134] : memref<128x128xf32, #tpu.memory_space<vmem>>[vector<16xi32>, vector<16xi32>], vector<16xf32>,
        %parallel_loop3A_136 = arith.mulf %parallel_loop3A_135, %parallel_loop3A_101 : vector<16xf32>
        tpu.vector_store_idx %arg19[%parallel_loop3A_100, %parallel_loop3A_134], %parallel_loop3A_136 : memref<128x128xf32, #tpu.memory_space<vmem>>[vector<16xi32>, vector<16xi32>], vector<16xf32>,
        %parallel_loop3A_137 = arith.constant 112 : i32
        %parallel_loop3A_138 = vector.broadcast %parallel_loop3A_137 : i32 to vector<16xi32>
        %parallel_loop3A_139 = arith.addi %iota3A, %parallel_loop3A_138 : vector<16xi32>
        %parallel_loop3A_140 = tpu.vector_load_idx %arg19[%parallel_loop3A_100, %parallel_loop3A_139] : memref<128x128xf32, #tpu.memory_space<vmem>>[vector<16xi32>, vector<16xi32>], vector<16xf32>,
        %parallel_loop3A_141 = arith.mulf %parallel_loop3A_140, %parallel_loop3A_101 : vector<16xf32>
        tpu.vector_store_idx %arg19[%parallel_loop3A_100, %parallel_loop3A_139], %parallel_loop3A_141 : memref<128x128xf32, #tpu.memory_space<vmem>>[vector<16xi32>, vector<16xi32>], vector<16xf32>,
      } {sc.loop_unroll_factor = 4 : i64, sc.parallel_access}
      "tpu.region"() ({
        %run_scoped3A = tpu.sem_alloc : memref<!tpu.dma_semaphore, #tpu.memory_space<semaphore_mem>>
        %dma_start3A = arith.constant 0 : i32
        %dma_start3A_99 = arith.constant 0 : i32
        %dma_start3A_100 = tpu.memref_slice %arg22[%dma_start3A, %dma_start3A_99] : memref<10240x128xf32, #tpu.memory_space<vmem_shared>> -> memref<10240x128xf32, #tpu.memory_space<vmem_shared>>
        tpu.enqueue_indirect_dma source(%arg19 : memref<128x128xf32, #tpu.memory_space<vmem>>) target(%dma_start3A_100 : memref<10240x128xf32, #tpu.memory_space<vmem_shared>>) offsets(%arg13 : memref<128xi32, #tpu.memory_space<vmem>>) semaphore(%run_scoped3A : memref<!tpu.dma_semaphore, #tpu.memory_space<semaphore_mem>>) {add = true}
        %dma_wait3A_101 = arith.constant 0 : i32
        %dma_wait3A_102 = arith.constant 0 : i32
        %dma_wait3A_103 = tpu.memref_slice %arg22[%dma_wait3A_101, %dma_wait3A_102] : memref<10240x128xf32, #tpu.memory_space<vmem_shared>> -> memref<10240x128xf32, #tpu.memory_space<vmem_shared>>
        tpu.wait_indirect_dma semaphore(%run_scoped3A : memref<!tpu.dma_semaphore, #tpu.memory_space<semaphore_mem>>) src(%arg19 : memref<128x128xf32, #tpu.memory_space<vmem>>) dst(%dma_wait3A_103 : memref<10240x128xf32, #tpu.memory_space<vmem_shared>>)
        tpu.yield
      }) : () -> ()
    } else {
    }
    "tpu.region"() ({
      %run_scoped3A = tpu.sem_alloc : memref<!tpu.dma_semaphore, #tpu.memory_space<semaphore_mem>>
      %dma_start3A = arith.constant 0 : i32
      %dma_start3A_75 = arith.constant 0 : i32
      %dma_start3A_76 = tpu.memref_slice %arg23[%dma_start3A, %dma_start3A_75] : memref<80x128xf32, #tpu.memory_space<vmem_shared>> -> memref<80x128xf32, #tpu.memory_space<vmem_shared>>
      tpu.enqueue_indirect_dma source(%arg21 : memref<80x128xf32, #tpu.memory_space<vmem>>) target(%dma_start3A_76 : memref<80x128xf32, #tpu.memory_space<vmem_shared>>) offsets(%arg18 : memref<80xi32, #tpu.memory_space<vmem>>) semaphore(%run_scoped3A : memref<!tpu.dma_semaphore, #tpu.memory_space<semaphore_mem>>) {add = true}
      %dma_wait3A = arith.constant 0 : i32
      %dma_wait3A_77 = arith.constant 0 : i32
      %dma_wait3A_78 = tpu.memref_slice %arg23[%dma_wait3A, %dma_wait3A_77] : memref<80x128xf32, #tpu.memory_space<vmem_shared>> -> memref<80x128xf32, #tpu.memory_space<vmem_shared>>
      tpu.wait_indirect_dma semaphore(%run_scoped3A : memref<!tpu.dma_semaphore, #tpu.memory_space<semaphore_mem>>) src(%arg21 : memref<80x128xf32, #tpu.memory_space<vmem>>) dst(%dma_wait3A_78 : memref<80x128xf32, #tpu.memory_space<vmem_shared>>)
      tpu.yield
    }) : () -> ()
    %barrier3A_49 = arith.constant 0 : index
    tpu.barrier barrier_id(%barrier3A_49)
    %eq3A_50 = arith.constant 0 : i32
    %eq3A_51 = arith.cmpi eq, %arg0, %eq3A_50 : i32
    %convert_element_type3A_52 = arith.extui %eq3A_51 : i1 to i32
    %cond3A_53 = arith.constant 0 : i32
    %cond3A_54 = arith.cmpi ne, %convert_element_type3A_52, %cond3A_53 : i32
    scf.if %cond3A_54 {
      "tpu.region"() ({
        %run_scoped3A = tpu.sem_alloc : memref<!tpu.dma_semaphore, #tpu.memory_space<semaphore_mem>>
        %dma_start3A = arith.constant 0 : i32
        %dma_start3A_75 = tpu.memref_slice %arg8[%mul3A_0, %dma_start3A] : memref<10240x128xf32, #tpu.memory_space<hbm>> -> memref<640x128xf32, #tpu.memory_space<hbm>>
        %dma_start3A_76 = arith.constant 0 : i32
        %dma_start3A_77 = tpu.memref_slice %arg22[%mul3A_0, %dma_start3A_76] : memref<10240x128xf32, #tpu.memory_space<vmem_shared>> -> memref<640x128xf32, #tpu.memory_space<vmem_shared>>
        tpu.enqueue_dma source(%dma_start3A_77 : memref<640x128xf32, #tpu.memory_space<vmem_shared>>) target(%dma_start3A_75 : memref<640x128xf32, #tpu.memory_space<hbm>>) target_semaphore(%run_scoped3A : memref<!tpu.dma_semaphore, #tpu.memory_space<semaphore_mem>>)
        %dma_wait3A = arith.constant 0 : i32
        %dma_wait3A_78 = tpu.memref_slice %arg8[%mul3A_0, %dma_wait3A] : memref<10240x128xf32, #tpu.memory_space<hbm>> -> memref<640x128xf32, #tpu.memory_space<hbm>>
        %dma_wait3A_79 = arith.constant 0 : i32
        %dma_wait3A_80 = tpu.memref_slice %arg22[%mul3A_0, %dma_wait3A_79] : memref<10240x128xf32, #tpu.memory_space<vmem_shared>> -> memref<640x128xf32, #tpu.memory_space<vmem_shared>>
        tpu.wait_dma2 semaphore(%run_scoped3A : memref<!tpu.dma_semaphore, #tpu.memory_space<semaphore_mem>>) src(%dma_wait3A_80 : memref<640x128xf32, #tpu.memory_space<vmem_shared>>) dst(%dma_wait3A_78 : memref<640x128xf32, #tpu.memory_space<hbm>>)
        tpu.yield
      }) : () -> ()
    } else {
    }
    %eq3A_55 = arith.constant 1 : i32
    %eq3A_56 = arith.cmpi eq, %arg0, %eq3A_55 : i32
    %convert_element_type3A_57 = arith.extui %eq3A_56 : i1 to i32
    %cond3A_58 = arith.constant 0 : i32
    %cond3A_59 = arith.cmpi ne, %convert_element_type3A_57, %cond3A_58 : i32
    scf.if %cond3A_59 {
      "tpu.region"() ({
        %run_scoped3A = tpu.sem_alloc : memref<!tpu.dma_semaphore, #tpu.memory_space<semaphore_mem>>
        %dma_start3A = arith.constant 0 : i32
        %dma_start3A_75 = tpu.memref_slice %arg9[%mul3A_0, %dma_start3A] : memref<10240x128xf32, #tpu.memory_space<hbm>> -> memref<640x128xf32, #tpu.memory_space<hbm>>
        %dma_start3A_76 = arith.constant 0 : i32
        %dma_start3A_77 = tpu.memref_slice %arg22[%mul3A_0, %dma_start3A_76] : memref<10240x128xf32, #tpu.memory_space<vmem_shared>> -> memref<640x128xf32, #tpu.memory_space<vmem_shared>>
        tpu.enqueue_dma source(%dma_start3A_77 : memref<640x128xf32, #tpu.memory_space<vmem_shared>>) target(%dma_start3A_75 : memref<640x128xf32, #tpu.memory_space<hbm>>) target_semaphore(%run_scoped3A : memref<!tpu.dma_semaphore, #tpu.memory_space<semaphore_mem>>)
        %dma_wait3A = arith.constant 0 : i32
        %dma_wait3A_78 = tpu.memref_slice %arg9[%mul3A_0, %dma_wait3A] : memref<10240x128xf32, #tpu.memory_space<hbm>> -> memref<640x128xf32, #tpu.memory_space<hbm>>
        %dma_wait3A_79 = arith.constant 0 : i32
        %dma_wait3A_80 = tpu.memref_slice %arg22[%mul3A_0, %dma_wait3A_79] : memref<10240x128xf32, #tpu.memory_space<vmem_shared>> -> memref<640x128xf32, #tpu.memory_space<vmem_shared>>
        tpu.wait_dma2 semaphore(%run_scoped3A : memref<!tpu.dma_semaphore, #tpu.memory_space<semaphore_mem>>) src(%dma_wait3A_80 : memref<640x128xf32, #tpu.memory_space<vmem_shared>>) dst(%dma_wait3A_78 : memref<640x128xf32, #tpu.memory_space<hbm>>)
        tpu.yield
      }) : () -> ()
    } else {
    }
    %eq3A_60 = arith.constant 0 : i32
    %eq3A_61 = arith.cmpi eq, %arg0, %eq3A_60 : i32
    %eq3A_62 = arith.constant 0 : i32
    %eq3A_63 = arith.cmpi eq, %arg1, %eq3A_62 : i32
    %and3A = arith.andi %eq3A_61, %eq3A_63 : i1
    %convert_element_type3A_64 = arith.extui %and3A : i1 to i32
    %cond3A_65 = arith.constant 0 : i32
    %cond3A_66 = arith.cmpi ne, %convert_element_type3A_64, %cond3A_65 : i32
    scf.if %cond3A_66 {
      "tpu.region"() ({
        %run_scoped3A = tpu.sem_alloc : memref<!tpu.dma_semaphore, #tpu.memory_space<semaphore_mem>>
        tpu.enqueue_dma source(%arg23 : memref<80x128xf32, #tpu.memory_space<vmem_shared>>) target(%arg10 : memref<80x128xf32, #tpu.memory_space<hbm>>) target_semaphore(%run_scoped3A : memref<!tpu.dma_semaphore, #tpu.memory_space<semaphore_mem>>)
        tpu.wait_dma2 semaphore(%run_scoped3A : memref<!tpu.dma_semaphore, #tpu.memory_space<semaphore_mem>>) src(%arg23 : memref<80x128xf32, #tpu.memory_space<vmem_shared>>) dst(%arg10 : memref<80x128xf32, #tpu.memory_space<hbm>>)
        tpu.yield
      }) : () -> ()
    } else {
    }
    %eq3A_67 = arith.constant 1 : i32
    %eq3A_68 = arith.cmpi eq, %arg0, %eq3A_67 : i32
    %eq3A_69 = arith.constant 0 : i32
    %eq3A_70 = arith.cmpi eq, %arg1, %eq3A_69 : i32
    %and3A_71 = arith.andi %eq3A_68, %eq3A_70 : i1
    %convert_element_type3A_72 = arith.extui %and3A_71 : i1 to i32
    %cond3A_73 = arith.constant 0 : i32
    %cond3A_74 = arith.cmpi ne, %convert_element_type3A_72, %cond3A_73 : i32
    scf.if %cond3A_74 {
      "tpu.region"() ({
        %run_scoped3A = tpu.sem_alloc : memref<!tpu.dma_semaphore, #tpu.memory_space<semaphore_mem>>
        tpu.enqueue_dma source(%arg23 : memref<80x128xf32, #tpu.memory_space<vmem_shared>>) target(%arg11 : memref<80x128xf32, #tpu.memory_space<hbm>>) target_semaphore(%run_scoped3A : memref<!tpu.dma_semaphore, #tpu.memory_space<semaphore_mem>>)
        tpu.wait_dma2 semaphore(%run_scoped3A : memref<!tpu.dma_semaphore, #tpu.memory_space<semaphore_mem>>) src(%arg23 : memref<80x128xf32, #tpu.memory_space<vmem_shared>>) dst(%arg11 : memref<80x128xf32, #tpu.memory_space<hbm>>)
        tpu.yield
      }) : () -> ()
    } else {
    }
    return
  }
}

module attributes {stable_mosaic.version = 14 : i64} {
  func.func @_t1_body(%arg0: i32, %arg1: memref<1000x128xf32, #tpu.memory_space<vmem>>, %arg2: memref<1000x128xf32, #tpu.memory_space<vmem>>, %arg3: memref<1000x128xf32, #tpu.memory_space<vmem>>, %arg4: memref<1000x128xf32, #tpu.memory_space<vmem>>, %arg5: memref<256x256xf32, #tpu.memory_space<vmem>>, %arg6: memref<1x256xf32, #tpu.memory_space<vmem>>, %arg7: memref<1x256xf32, #tpu.memory_space<vmem>>, %arg8: memref<1x256xf32, #tpu.memory_space<vmem>>, %arg9: memref<1000x256xf32, #tpu.memory_space<vmem>>, %arg10: memref<2x256xf32, #tpu.memory_space<vmem>>, %arg11: memref<2x256xf32, #tpu.memory_space<vmem>>) attributes {dimension_semantics = [#tpu.dimension_semantics<arbitrary>], iteration_bounds = array<i64: 10>, scalar_prefetch = 0 : i64, scratch_operands = 1 : i64, tpu.core_type = #tpu.core_type<tc>, window_params = [{transform_indices = @transform_0, window_bounds = array<i64: 1000, 128>}, {transform_indices = @transform_1, window_bounds = array<i64: 1000, 128>}, {transform_indices = @transform_2, window_bounds = array<i64: 1000, 128>}, {transform_indices = @transform_3, window_bounds = array<i64: 1000, 128>}, {pipeline_mode = #tpu.pipeline_mode<synchronous>, transform_indices = @transform_4, window_bounds = array<i64: 256, 256>}, {pipeline_mode = #tpu.pipeline_mode<synchronous>, transform_indices = @transform_5, window_bounds = array<i64: 1, 256>}, {pipeline_mode = #tpu.pipeline_mode<synchronous>, transform_indices = @transform_6, window_bounds = array<i64: 1, 256>}, {pipeline_mode = #tpu.pipeline_mode<synchronous>, transform_indices = @transform_7, window_bounds = array<i64: 1, 256>}, {transform_indices = @transform_8, window_bounds = array<i64: 1000, 256>}, {pipeline_mode = #tpu.pipeline_mode<synchronous>, transform_indices = @transform_9, window_bounds = array<i64: 2, 256>}]} {
    %eq3A = arith.constant 0 : i32
    %eq3A_0 = arith.cmpi eq, %arg0, %eq3A : i32
    %convert_element_type3A = arith.extui %eq3A_0 : i1 to i32
    %cond3A = arith.constant 0 : i32
    %cond3A_1 = arith.cmpi ne, %convert_element_type3A, %cond3A : i32
    scf.if %cond3A_1 {
      %broadcast_in_dim3A_51 = arith.constant 0.000000e+00 : f32
      %broadcast_in_dim3A_52 = vector.broadcast %broadcast_in_dim3A_51 : f32 to vector<2x256xf32>
      %swap3A_53 = arith.constant 0 : index
      %swap3A_54 = arith.constant 0 : index
      %swap3A_55 = vector.load %arg11[%swap3A_53, %swap3A_54] : memref<2x256xf32, #tpu.memory_space<vmem>>, vector<2x256xf32>
      tpu.vector_store %arg11[%swap3A_53, %swap3A_54], %broadcast_in_dim3A_52 {strides = array<i32>} : memref<2x256xf32, #tpu.memory_space<vmem>>, vector<2x256xf32>,
    } else {
    }
    %get3A = arith.constant 0 : index
    %get3A_2 = arith.constant 0 : index
    %get3A_3 = vector.load %arg1[%get3A, %get3A_2] : memref<1000x128xf32, #tpu.memory_space<vmem>>, vector<1000x128xf32>
    %get3A_4 = arith.constant 0 : index
    %get3A_5 = arith.constant 0 : index
    %get3A_6 = vector.load %arg2[%get3A_4, %get3A_5] : memref<1000x128xf32, #tpu.memory_space<vmem>>, vector<1000x128xf32>
    %concatenate3A = tpu.concatenate %get3A_3, %get3A_6 in 1 : vector<1000x128xf32>, vector<1000x128xf32> -> vector<1000x256xf32>
    %get3A_7 = arith.constant 0 : index
    %get3A_8 = arith.constant 0 : index
    %get3A_9 = vector.load %arg3[%get3A_7, %get3A_8] : memref<1000x128xf32, #tpu.memory_space<vmem>>, vector<1000x128xf32>
    %slice3A = vector.extract_strided_slice %get3A_9 {offsets = [0, 0], sizes = [1000, 1], strides = [1, 1]} : vector<1000x128xf32> to vector<1000x1xf32>
    %get3A_10 = arith.constant 0 : index
    %get3A_11 = arith.constant 0 : index
    %get3A_12 = vector.load %arg4[%get3A_10, %get3A_11] : memref<1000x128xf32, #tpu.memory_space<vmem>>, vector<1000x128xf32>
    %slice3A_13 = vector.extract_strided_slice %get3A_12 {offsets = [0, 0], sizes = [1000, 1], strides = [1, 1]} : vector<1000x128xf32> to vector<1000x1xf32>
    %add3A = arith.addf %slice3A, %slice3A_13 : vector<1000x1xf32>
    %max3A = arith.constant 1.000000e+00 : f32
    %max3A_14 = vector.broadcast %max3A : f32 to vector<1000x1xf32>
    %max3A_15 = arith.maximumf %add3A, %max3A_14 : vector<1000x1xf32>
    %div3A = vector.broadcast %max3A_15 : vector<1000x1xf32> to vector<1000x256xf32>
    %div3A_16 = arith.divf %concatenate3A, %div3A : vector<1000x256xf32>
    %get3A_17 = arith.constant 0 : index
    %get3A_18 = arith.constant 0 : index
    %get3A_19 = vector.load %arg5[%get3A_17, %get3A_18] : memref<256x256xf32, #tpu.memory_space<vmem>>, vector<256x256xf32>
    %dot_general3A = arith.constant dense<0.000000e+00> : vector<1000x256xf32>
    %dot_general3A_20 = tpu.matmul %div3A_16, %get3A_19, %dot_general3A {dimension_numbers = #tpu.dot_dimension_numbers<[1], [1], [0], [0], [0, 0, 1, 0], [], []>, transpose_lhs_hint = false} : vector<1000x256xf32>, vector<256x256xf32>, vector<1000x256xf32> -> vector<1000x256xf32>
    %get3A_21 = arith.constant 0 : index
    %get3A_22 = arith.constant 0 : index
    %get3A_23 = vector.load %arg6[%get3A_21, %get3A_22] : memref<1x256xf32, #tpu.memory_space<vmem>>, vector<1x256xf32>
    %add3A_24 = vector.broadcast %get3A_23 : vector<1x256xf32> to vector<1000x256xf32>
    %add3A_25 = arith.addf %dot_general3A_20, %add3A_24 : vector<1000x256xf32>
    %swap3A = arith.constant 0 : index
    %swap3A_26 = arith.constant 0 : index
    %swap3A_27 = vector.load %arg9[%swap3A, %swap3A_26] : memref<1000x256xf32, #tpu.memory_space<vmem>>, vector<1000x256xf32>
    tpu.vector_store %arg9[%swap3A, %swap3A_26], %add3A_25 {strides = array<i32>} : memref<1000x256xf32, #tpu.memory_space<vmem>>, vector<1000x256xf32>,
    %get3A_28 = arith.constant 0 : index
    %get3A_29 = arith.constant 0 : index
    %get3A_30 = vector.load %arg11[%get3A_28, %get3A_29] : memref<2x256xf32, #tpu.memory_space<vmem>>, vector<1x256xf32>
    %reduce_sum3A = arith.constant dense<0.000000e+00> : vector<256xf32>
    %reduce_sum3A_31 = vector.multi_reduction <add>, %add3A_25, %reduce_sum3A [0] : vector<1000x256xf32> to vector<256xf32>
    %broadcast_in_dim3A = vector.shape_cast %reduce_sum3A_31 : vector<256xf32> to vector<1x256xf32>
    %add3A_32 = arith.addf %get3A_30, %broadcast_in_dim3A : vector<1x256xf32>
    %swap3A_33 = arith.constant 0 : index
    %swap3A_34 = arith.constant 0 : index
    %swap3A_35 = vector.load %arg11[%swap3A_33, %swap3A_34] : memref<2x256xf32, #tpu.memory_space<vmem>>, vector<1x256xf32>
    tpu.vector_store %arg11[%swap3A_33, %swap3A_34], %add3A_32 {strides = array<i32>} : memref<2x256xf32, #tpu.memory_space<vmem>>, vector<1x256xf32>,
    %get3A_36 = arith.constant 1 : index
    %get3A_37 = arith.constant 0 : index
    %get3A_38 = vector.load %arg11[%get3A_36, %get3A_37] : memref<2x256xf32, #tpu.memory_space<vmem>>, vector<1x256xf32>
    %mul3A = arith.mulf %add3A_25, %add3A_25 : vector<1000x256xf32>
    %reduce_sum3A_39 = arith.constant dense<0.000000e+00> : vector<256xf32>
    %reduce_sum3A_40 = vector.multi_reduction <add>, %mul3A, %reduce_sum3A_39 [0] : vector<1000x256xf32> to vector<256xf32>
    %broadcast_in_dim3A_41 = vector.shape_cast %reduce_sum3A_40 : vector<256xf32> to vector<1x256xf32>
    %add3A_42 = arith.addf %get3A_38, %broadcast_in_dim3A_41 : vector<1x256xf32>
    %swap3A_43 = arith.constant 1 : index
    %swap3A_44 = arith.constant 0 : index
    %swap3A_45 = vector.load %arg11[%swap3A_43, %swap3A_44] : memref<2x256xf32, #tpu.memory_space<vmem>>, vector<1x256xf32>
    tpu.vector_store %arg11[%swap3A_43, %swap3A_44], %add3A_42 {strides = array<i32>} : memref<2x256xf32, #tpu.memory_space<vmem>>, vector<1x256xf32>,
    %eq3A_46 = arith.constant 9 : i32
    %eq3A_47 = arith.cmpi eq, %arg0, %eq3A_46 : i32
    %convert_element_type3A_48 = arith.extui %eq3A_47 : i1 to i32
    %cond3A_49 = arith.constant 0 : i32
    %cond3A_50 = arith.cmpi ne, %convert_element_type3A_48, %cond3A_49 : i32
    scf.if %cond3A_50 {
      %get3A_51 = arith.constant 0 : index
      %get3A_52 = arith.constant 0 : index
      %get3A_53 = vector.load %arg11[%get3A_51, %get3A_52] : memref<2x256xf32, #tpu.memory_space<vmem>>, vector<1x256xf32>
      %div3A_54 = arith.constant 1.000000e+04 : f32
      %div3A_55 = vector.broadcast %div3A_54 : f32 to vector<1x256xf32>
      %div3A_56 = arith.divf %get3A_53, %div3A_55 : vector<1x256xf32>
      %get3A_57 = arith.constant 1 : index
      %get3A_58 = arith.constant 0 : index
      %get3A_59 = vector.load %arg11[%get3A_57, %get3A_58] : memref<2x256xf32, #tpu.memory_space<vmem>>, vector<1x256xf32>
      %div3A_60 = arith.constant 1.000000e+04 : f32
      %div3A_61 = vector.broadcast %div3A_60 : f32 to vector<1x256xf32>
      %div3A_62 = arith.divf %get3A_59, %div3A_61 : vector<1x256xf32>
      %mul3A_63 = arith.mulf %div3A_56, %div3A_56 : vector<1x256xf32>
      %sub3A = arith.subf %div3A_62, %mul3A_63 : vector<1x256xf32>
      %get3A_64 = arith.constant 0 : index
      %get3A_65 = arith.constant 0 : index
      %get3A_66 = vector.load %arg7[%get3A_64, %get3A_65] : memref<1x256xf32, #tpu.memory_space<vmem>>, vector<1x256xf32>
      %add3A_67 = arith.constant 9.99999974E-6 : f32
      %add3A_68 = vector.broadcast %add3A_67 : f32 to vector<1x256xf32>
      %add3A_69 = arith.addf %sub3A, %add3A_68 : vector<1x256xf32>
      %rsqrt3A = math.rsqrt %add3A_69 : vector<1x256xf32>
      %mul3A_70 = arith.mulf %get3A_66, %rsqrt3A : vector<1x256xf32>
      %get3A_71 = arith.constant 0 : index
      %get3A_72 = arith.constant 0 : index
      %get3A_73 = vector.load %arg8[%get3A_71, %get3A_72] : memref<1x256xf32, #tpu.memory_space<vmem>>, vector<1x256xf32>
      %mul3A_74 = arith.mulf %div3A_56, %mul3A_70 : vector<1x256xf32>
      %sub3A_75 = arith.subf %get3A_73, %mul3A_74 : vector<1x256xf32>
      %concatenate3A_76 = tpu.concatenate %mul3A_70, %sub3A_75 in 0 : vector<1x256xf32>, vector<1x256xf32> -> vector<2x256xf32>
      %swap3A_77 = arith.constant 0 : index
      %swap3A_78 = arith.constant 0 : index
      %swap3A_79 = vector.load %arg10[%swap3A_77, %swap3A_78] : memref<2x256xf32, #tpu.memory_space<vmem>>, vector<2x256xf32>
      tpu.vector_store %arg10[%swap3A_77, %swap3A_78], %concatenate3A_76 {strides = array<i32>} : memref<2x256xf32, #tpu.memory_space<vmem>>, vector<2x256xf32>,
    } else {
    }
    return
  }
  func.func @transform_0(%arg0: i32) -> (i32, i32) {
    %c0_i32 = arith.constant 0 : i32
    %c0_i32_0 = arith.constant 0 : i32
    return %arg0, %c0_i32 : i32, i32
  }
  func.func @transform_1(%arg0: i32) -> (i32, i32) {
    %c0_i32 = arith.constant 0 : i32
    %c0_i32_0 = arith.constant 0 : i32
    return %arg0, %c0_i32 : i32, i32
  }
  func.func @transform_2(%arg0: i32) -> (i32, i32) {
    %c0_i32 = arith.constant 0 : i32
    %c0_i32_0 = arith.constant 0 : i32
    return %arg0, %c0_i32 : i32, i32
  }
  func.func @transform_3(%arg0: i32) -> (i32, i32) {
    %c0_i32 = arith.constant 0 : i32
    %c0_i32_0 = arith.constant 0 : i32
    return %arg0, %c0_i32 : i32, i32
  }
  func.func @transform_4(%arg0: i32) -> (i32, i32) {
    %c0_i32 = arith.constant 0 : i32
    %c0_i32_0 = arith.constant 0 : i32
    %c0_i32_1 = arith.constant 0 : i32
    return %c0_i32, %c0_i32_0 : i32, i32
  }
  func.func @transform_5(%arg0: i32) -> (i32, i32) {
    %c0_i32 = arith.constant 0 : i32
    %c0_i32_0 = arith.constant 0 : i32
    %c0_i32_1 = arith.constant 0 : i32
    return %c0_i32, %c0_i32_0 : i32, i32
  }
  func.func @transform_6(%arg0: i32) -> (i32, i32) {
    %c0_i32 = arith.constant 0 : i32
    %c0_i32_0 = arith.constant 0 : i32
    %c0_i32_1 = arith.constant 0 : i32
    return %c0_i32, %c0_i32_0 : i32, i32
  }
  func.func @transform_7(%arg0: i32) -> (i32, i32) {
    %c0_i32 = arith.constant 0 : i32
    %c0_i32_0 = arith.constant 0 : i32
    %c0_i32_1 = arith.constant 0 : i32
    return %c0_i32, %c0_i32_0 : i32, i32
  }
  func.func @transform_8(%arg0: i32) -> (i32, i32) {
    %c0_i32 = arith.constant 0 : i32
    %c0_i32_0 = arith.constant 0 : i32
    return %arg0, %c0_i32 : i32, i32
  }
  func.func @transform_9(%arg0: i32) -> (i32, i32) {
    %c0_i32 = arith.constant 0 : i32
    %c0_i32_0 = arith.constant 0 : i32
    %c0_i32_1 = arith.constant 0 : i32
    return %c0_i32, %c0_i32_0 : i32, i32
  }
}

module attributes {stable_mosaic.version = 14 : i64} {
  func.func @_t2_body(%arg0: i32, %arg1: memref<1000x256xf32, #tpu.memory_space<vmem>>, %arg2: memref<2x256xf32, #tpu.memory_space<vmem>>, %arg3: memref<1000x256xf32, #tpu.memory_space<vmem>>) attributes {dimension_semantics = [#tpu.dimension_semantics<arbitrary>], iteration_bounds = array<i64: 10>, scalar_prefetch = 0 : i64, scratch_operands = 0 : i64, tpu.core_type = #tpu.core_type<tc>, window_params = [{transform_indices = @transform_0, window_bounds = array<i64: 1000, 256>}, {pipeline_mode = #tpu.pipeline_mode<synchronous>, transform_indices = @transform_1, window_bounds = array<i64: 2, 256>}, {transform_indices = @transform_2, window_bounds = array<i64: 1000, 256>}]} {
    %get3A = arith.constant 0 : index
    %get3A_0 = arith.constant 0 : index
    %get3A_1 = vector.load %arg1[%get3A, %get3A_0] : memref<1000x256xf32, #tpu.memory_space<vmem>>, vector<1000x256xf32>
    %get3A_2 = arith.constant 0 : index
    %get3A_3 = arith.constant 0 : index
    %get3A_4 = vector.load %arg2[%get3A_2, %get3A_3] : memref<2x256xf32, #tpu.memory_space<vmem>>, vector<1x256xf32>
    %mul3A = vector.broadcast %get3A_4 : vector<1x256xf32> to vector<1000x256xf32>
    %mul3A_5 = arith.mulf %get3A_1, %mul3A : vector<1000x256xf32>
    %get3A_6 = arith.constant 1 : index
    %get3A_7 = arith.constant 0 : index
    %get3A_8 = vector.load %arg2[%get3A_6, %get3A_7] : memref<2x256xf32, #tpu.memory_space<vmem>>, vector<1x256xf32>
    %add3A = vector.broadcast %get3A_8 : vector<1x256xf32> to vector<1000x256xf32>
    %add3A_9 = arith.addf %mul3A_5, %add3A : vector<1000x256xf32>
    %max3A = arith.constant 0.000000e+00 : f32
    %max3A_10 = vector.broadcast %max3A : f32 to vector<1000x256xf32>
    %max3A_11 = arith.maximumf %add3A_9, %max3A_10 : vector<1000x256xf32>
    %swap3A = arith.constant 0 : index
    %swap3A_12 = arith.constant 0 : index
    %swap3A_13 = vector.load %arg3[%swap3A, %swap3A_12] : memref<1000x256xf32, #tpu.memory_space<vmem>>, vector<1000x256xf32>
    tpu.vector_store %arg3[%swap3A, %swap3A_12], %max3A_11 {strides = array<i32>} : memref<1000x256xf32, #tpu.memory_space<vmem>>, vector<1000x256xf32>,
    return
  }
  func.func @transform_0(%arg0: i32) -> (i32, i32) {
    %c0_i32 = arith.constant 0 : i32
    %c0_i32_0 = arith.constant 0 : i32
    return %arg0, %c0_i32 : i32, i32
  }
  func.func @transform_1(%arg0: i32) -> (i32, i32) {
    %c0_i32 = arith.constant 0 : i32
    %c0_i32_0 = arith.constant 0 : i32
    %c0_i32_1 = arith.constant 0 : i32
    return %c0_i32, %c0_i32_0 : i32, i32
  }
  func.func @transform_2(%arg0: i32) -> (i32, i32) {
    %c0_i32 = arith.constant 0 : i32
    %c0_i32_0 = arith.constant 0 : i32
    return %arg0, %c0_i32 : i32, i32
  }
}

</mosaic_0001>

<sc_bundles>
// kernel: kernel.5.cloned.1.call-start
scs
__scs_entry_jumppad:
0x0: {  	(pc) =	sbr.rel $0x88, $3  }
0x1: {  	(tag) =	ssettag $0x0;
	lr =	simm.s32 $0x1  }
0x2: {  	[smem:$0x3F9A] =	sst lr;
	_ =	strace $0xD0000000  }
0x3: {  	_ = 	snop  }
0x4: {  	_ = 	snop  }
0x5: {  	_ = 	snop  }
0x6: {  	_ = 	snop  }
0x7: {  	_ = 	snop  }
__scs_overlays_trampoline_lowered:
0x8: {  	[smem:$0x3FA9] =	sst s0  }
0x9: {  	[smem:$0x3FAA] =	sst s1  }
0xa: {  	[smem:$0x3FAB] =	sst s2  }
0xb: {  	[smem:$0x3FAC] =	sst s3  }
0xc: {  	[smem:$0x3FAD] =	sst s4  }
0xd: {  	[smem:$0x3FAE] =	sst s5  }
0xe: {  	[smem:$0x3FAF] =	sst s6  }
0xf: {  	[smem:$0x3FB0] =	sst s7  }
0x10: {  	[smem:$0x3FB1] =	sst s8  }
0x11: {  	[smem:$0x3FB2] =	sst s9;
	s0 =	simm.s32 @!p0 $0x0  }
0x12: {  	s1 =	sld [smem:$0x3F98];
	s0 =	simm.s32 @p0 $0x1  }
0x13: {  	[smem:$0x3FB3] =	sst s0;
	s0 =	simm.s32 @!p1 $0x0  }
0x14: {  	s2 =	sld [smem:$0x3F97];
	s0 =	simm.s32 @p1 $0x1  }
0x15: {  	[smem:$0x3FB4] =	sst s0;
	s0 =	simm.s32 @!p2 $0x0  }
0x16: {  	s3 =	sld [smem:$0x3FDB];
	s0 =	simm.s32 @p2 $0x1  }
0x17: {  	s4 =	simm.s32 $0x1BF5;
	[smem:$0x3FB6] =	sst s0  }
0x18: {  	s0 =	sld [smem:$0x3F99];
	_ =	swait.ge [sflag:s4], $0x0  }
0x19: {  	s7 =	sld [smem:$0x3F9A]  }
0x1a: {  	s8 =	sadd.s32 $0xFFFFE003, lr  }
0x1b: {  	s9 =	sadd.s32 $0xFFFFFEF7, lr;
	s5 =	simm.s32 $0xFFFFFFFF;
	p2 =	slt.u32 s8, $0xFFFFF086  }
0x1c: {  	p1 =	slt.u32 s9, $0xF7A;
	s5 =	simm.s32 @!p2 $0x0  }
0x1d: {  	s5 =	simm.s32 @p1 $0x1;
	p0 =	seq.s32 s7, s2  }
0x1e: {  	s7 =	smul.u32 @!p0 $0xF7A, s2;
	p2 =	seq.s32 @!p0 s5, $0x0  }
0x1f: {  	s9 =	smul.u32 $0xF7A, s1;
	s8 =	simm.s32 @!p0 $0x1BF5;
	p2 =	por !p2, p0  }
0x20: {  	[sflag:s8] =	ssyncset.s32 @!p0 $0xFFFFF086;
	s6 =	sadd.s32 @!p0 s3, s7;
	s7 =	simm.s32 @!p0 $0x108  }
0x21: {  	s3 =	sadd.s32 s3, s9;
	s6 =	sadd.s32 @!p0 $0x88, s6;
	s7 =	simm.s32 @p2 $0x1082  }
0x22: {  	[simem:s7], [sflag:s8] =	dma.local @!p0 [hbm:s6], $0xF7A  }
0x23: {  	s9 =	sor.u32 $0xD0000000, s2;
	s6 =	simm.s32 $0x108;
	_ =	swait.ge @!p0 [sflag:s8], $0x0  }
0x24: {  	s3 =	sadd.s32 $0x88, s3;
	s6 =	simm.s32 @!p1 $0x1082;
	[sflag:s4] =	ssyncset.s32 $0xFFFFF086  }
0x25: {  	[simem:s6], [sflag:s4] =	dma.local [hbm:s3], $0xF7A  }
0x26: {  	[smem:$0x3F9A] =	sst s1;
	(tag) =	ssettag s2;
	_ =	strace s9  }
0x27: {  	s1 =	sld [smem:$0x3FAA]  }
0x28: {  	s2 =	sld [smem:$0x3FAB]  }
0x29: {  	s4 =	sld [smem:$0x3FAD]  }
0x2a: {  	p0 =	seq.s32 s5, $0x0;
	s5 =	sld [smem:$0x3FAE]  }
0x2b: {  	s6 =	sld [smem:$0x3FAF]  }
0x2c: {  	s7 =	sld [smem:$0x3FB0]  }
0x2d: {  	s3 =	simm.s32 $0x108;
	s8 =	sld [smem:$0x3FB1]  }
0x2e: {  	s3 =	simm.s32 @!p0 $0x1082;
	s9 =	sld [smem:$0x3FB2]  }
0x2f: {  	lr =	sadd.s32 s0, s3;
	s0 =	sld [smem:$0x3FA9]  }
0x30: {  	s3 =	sld [smem:$0x3FAC]  }
0x31: {  	[smem:$0x3FB5] =	sst s10  }
0x32: {  	s10 =	sld [smem:$0x3FB3];
	_ =	sdelay $0x3  }
0x33: {  	p0 =	seq.s32 s10, $0x1;
	s10 =	sld [smem:$0x3FB5];
	_ =	sdelay $0x3  }
0x34: {  	[smem:$0x3FB5] =	sst s10  }
0x35: {  	s10 =	sld [smem:$0x3FB4];
	_ =	sdelay $0x3  }
0x36: {  	p1 =	seq.s32 s10, $0x1;
	s10 =	sld [smem:$0x3FB5];
	_ =	sdelay $0x3  }
0x37: {  	[smem:$0x3FB5] =	sst s10  }
0x38: {  	s10 =	sld [smem:$0x3FB6]  }
0x39: {  	_ = 	snop;
	(pc) =	sbr.ind lr, $3  }
0x3a: {  	_ = 	snop  }
0x3b: {  	_ = 	snop  }
0x3c: {  	p2 =	seq.s32 s10, $0x1;
	s10 =	sld [smem:$0x3FB5]  }
0x3d: {  	_ =	shalt  }
0x3e: {  	_ =	shalt  }
0x3f: {  	_ =	shalt  }
0x40: {  	_ =	shalt  }
0x41: {  	_ =	shalt  }
0x42: {  	_ =	shalt  }
0x43: {  	_ =	shalt  }
0x44: {  	_ =	shalt  }
0x45: {  	_ =	shalt  }
0x46: {  	_ =	shalt  }
0x47: {  	_ =	shalt  }
0x48: {  	_ =	shalt  }
0x49: {  	_ =	shalt  }
0x4a: {  	_ =	shalt  }
0x4b: {  	_ =	shalt  }
0x4c: {  	_ =	shalt  }
0x4d: {  	_ =	shalt  }
0x4e: {  	_ =	shalt  }
0x4f: {  	_ =	shalt  }
0x50: {  	_ =	shalt  }
0x51: {  	_ =	shalt  }
0x52: {  	_ =	shalt  }
0x53: {  	_ =	shalt  }
0x54: {  	_ =	shalt  }
0x55: {  	_ =	shalt  }
0x56: {  	_ =	shalt  }
0x57: {  	_ =	shalt  }
0x58: {  	_ =	shalt  }
0x59: {  	_ =	shalt  }
0x5a: {  	_ =	shalt  }
0x5b: {  	_ =	shalt  }
0x5c: {  	_ =	shalt  }
0x5d: {  	_ =	shalt  }
0x5e: {  	_ =	shalt  }
0x5f: {  	_ =	shalt  }
0x60: {  	_ =	shalt  }
0x61: {  	_ =	shalt  }
0x62: {  	_ =	shalt  }
0x63: {  	_ =	shalt  }
0x64: {  	_ =	shalt  }
0x65: {  	_ =	shalt  }
0x66: {  	_ =	shalt  }
0x67: {  	_ =	shalt  }
0x68: {  	_ =	shalt  }
0x69: {  	_ =	shalt  }
0x6a: {  	_ =	shalt  }
0x6b: {  	_ =	shalt  }
0x6c: {  	_ =	shalt  }
0x6d: {  	_ =	shalt  }
0x6e: {  	_ =	shalt  }
0x6f: {  	_ =	shalt  }
0x70: {  	_ =	shalt  }
0x71: {  	_ =	shalt  }
0x72: {  	_ =	shalt  }
0x73: {  	_ =	shalt  }
0x74: {  	_ =	shalt  }
0x75: {  	_ =	shalt  }
0x76: {  	_ =	shalt  }
0x77: {  	_ =	shalt  }
0x78: {  	_ =	shalt  }
0x79: {  	_ =	shalt  }
0x7a: {  	_ =	shalt  }
0x7b: {  	_ =	shalt  }
0x7c: {  	_ =	shalt  }
0x7d: {  	_ =	shalt  }
0x7e: {  	_ =	shalt  }
0x7f: {  	_ =	shalt  }
0x80: {  	_ =	shalt  }
0x81: {  	_ =	shalt  }
0x82: {  	_ =	shalt  }
0x83: {  	_ =	shalt  }
0x84: {  	_ =	shalt  }
0x85: {  	_ =	shalt  }
0x86: {  	_ =	shalt  }
0x87: {  	_ =	shalt  }
.Lfunc_end0:
.L_simem_size_0:
called_computation_lowered:
.L_overlay_start_0:
0x88: {  	s2 =	sld [smem:$0x3FD9]  }
0x89: {  	s3 =	sld [smem:$0x3FFE];
	_ =	sdelay $0x1  }
0x8a: {  	s1 =	srdreg.scid  }
0x8b: {  	s0 =	sand.u32 $0x1, s1  }
0x8c: {  	s17 =	sshll.u32 s0, $0xA;
	s2 =	sadd.s32 s3, s2  }
0x8d: {  	s2 =	sadd.s32 s2, s17  }
0x8e: {  	[smem:$0x3FC1] =	sst s2  }
0x8f: {  	_ = 	snop  }
0x90: {  	s2 =	sld [smem:$0x3FC7]  }
0x91: {  	s18 =	sld [smem:$0x3FD0];
	(tm) =	ssettm $0x1  }
0x92: {  	s4 =	sld [smem:$0x3FFB];
	_ =	sdelay $0x3  }
0x93: {  	_ =	strace s4  }
0x94: {  	s4 =	sld [smem:$0x3FFC];
	_ =	sdelay $0x3  }
0x95: {  	_ =	strace s4  }
0x96: {  	s4 =	sld [smem:$0x3FFD];
	_ =	sdelay $0x3  }
0x97: {  	_ =	strace s4  }
0x98: {  	_ =	strace $0x8FFFFFFF  }
0x99: {  	s19 =	sld [smem:$0x3FDB];
	_ =	sdelay $0x1  }
0x9a: {  	s5 =	simm.s32 $_scs_section_size  }
0x9b: {  	s6 =	simm.s32 $_size__tile_overlayer_lowered;
	s7 =	simm.s32 $_tile_overlayer_lowered  }
0x9c: {  	s22 =	simm.s32 $0x1BFF;
	s21 =	sshll.u32 s7, $0x1;
	s4 =	sadd.s32 s5, s19  }
0x9d: {  	s8 =	simm.s32 $0x0;
	s20 =	sshll.u32 s6, $0x1;
	s6 =	sadd.s32 s21, s4  }
0x9e: {  	[timem:s8], [sflag:s22] =	dma.local [hbm:s6], s20  }
0x9f: {  	_ =	swait.ge [sflag:s22], s20  }
0xa0: {  	s5 =	ssub.s32 $0x0, s20;
	[sflag:s22] =	ssyncset.done $0x0  }
0xa1: {  	[sflag:s22] =	ssyncadd.s32 s5;
	_ =	sdelay $0x1  }
0xa2: {  	s23 =	simm.s32 $0x1B8B  }
0xa3: {  	_ =	swait.ge [sflag:s23], $0x1  }
0xa4: {  	[sflag:s23] =	ssyncset.done $0x0  }
0xa5: {  	s25 =	simm.s32 $0x1B8E;
	s24 =	sld [smem:$0x3FFE];
	[sflag:s23] =	ssyncadd.s32 $0xFFFFFFFF  }
0xa6: {  	s26 =	simm.s32 $execute0_lowered;
	[smem:$0x3FD2] =	sst s25  }
0xa7: {  	s6 =	sshll.u32 s26, $0x1;
	_ =	strace $0x80000046;
	[dreg:$0x1] =	wrdreg $0xFFFFFFFF  }
0xa8: {  	s28 =	simm.s32 $_size_execute0_lowered;
	s4 =	sadd.s32 s4, s6;
	[dreg:$0x0] =	wrdreg $0x0  }
0xa9: {  	s6 =	sshll.u32 s28, $0x1;
	[dreg:$0x2] =	wrdreg s4  }
0xaa: {  	[dreg:$0x3] =	wrdreg s6  }
0xab: {  	[dreg:$0x4] =	wrdreg $0xC0  }
0xac: {  	_ =	task [dreg:s8], $0x5FFFF  }
0xad: {  	[dreg:$0x1] =	wrdreg $0xFFFFFFFF  }
0xae: {  	[dreg:$0x0] =	wrdreg $0x60  }
0xaf: {  	[dreg:$0x2] =	wrdreg s24  }
0xb0: {  	[dreg:$0x3] =	wrdreg s2  }
0xb1: {  	[dreg:$0x4] =	wrdreg s18  }
0xb2: {  	[dreg:$0x5] =	wrdreg $0xAB800  }
0xb3: {  	[dreg:$0x6] =	wrdreg $0x1EB800  }
0xb4: {  	[dreg:$0x7] =	wrdreg $0x9  }
0xb5: {  	_ =	task.clear_ibuf [dreg:s8], $0x8FFFF;
	_ =	strace $0x90000046  }
0xb6: {  	s29 =	simm.s32 $0x9;
	_ =	strace $0x80000048  }
0xb7: {  	_ =	swait.ge [sflag:s29], $0x1  }
0xb8: {  	[sflag:s29] =	ssyncadd.s32 $0xFFFFFFFF  }
0xb9: {  	_ =	strace $0x90000048  }
0xba: {  	_ =	sfence  }
0xbb: {  	s30 =	sld [smem:$0x0];
	_ =	sdelay $0x2  }
0xbc: {  	s31 =	sshll.u32 s1, $0xD;
	s1 =	sshrl.u32 s1, $0x2  }
0xbd: {  	s3 =	sand.u32 $0x4000, s31;
	s1 =	sadd.s32 s1, s30  }
0xbe: {  	s0 =	sor.u32 s3, s0;
	s1 =	sshll.u32 s1, $0x11  }
0xbf: {  	s0 =	sor.u32 s1, s0  }
0xc0: {  	s0 =	sadd.s32 $0x8F2B, s0  }
0xc1: {  	[sflag:s0] =	ssyncadd.remote.s32 $0x1  }
0xc2: {  	_ =	sfence.sel $0xFFFF  }
0xc3: {  	[dreg:$0x0] =	wrdreg $0xFFFFFFFF;
	(pc) =	sbr.abs _section_cstart, $3  }
0xc4: {  	[dreg:$0x1] =	wrdreg $0xFFFFFFFF  }
0xc5: {  	_ =	task.clear_ibuf [dreg:s8], $0x2FFFF;
	_ =	strace $0x9FFFFFFF  }
0xc6: {  	(tm) =	ssettm $0x7FFFFFFF  }
0xc7: {  	_ =	shalt  }
tec
execute0_lowered:
.L_overlay_start_1:
0x0: {  	(tag) =	ssettag $0x1  }
0x1: {  	s0 =	rddreg [dreg:$0x0]  }
0x2: {  	s1 =	rddreg [dreg:$0x1]  }
0x3: {  	s4 =	rddreg [dreg:$0x2]  }
0x4: {  	s3 =	rddreg [dreg:$0x3]  }
0x5: {  	s18 =	rddreg [dreg:$0x4]  }
0x6: {  	s5 =	simm.s32 $0x0;
	s15 =	stileid.u32;
	s6 =	srdreg.scid  }
0x7: {  	s28 =	simm.s32 $0x3;
	s29 =	simm.s32 $0x80;
	s30 =	simm.s32 $0x100  }
0x8: {  	s31 =	simm.s32 $0x8380;
	[smem:$0x7FF] =	sst s5;
	s7 =	sadd.s32 $0x31A00, s0  }
0x9: {  	s2 =	smul.u32 $0x2800, s15;
	s8 =	sadd.s32 $0xA800, s0;
	s9 =	sadd.s32 $0x5800, s0  }
0xa: {  	s10 =	sadd.s32 $0x800, s0;
	s11 =	sand.u32 $0x1, s6;
	s13 =	smul.u32 $0x4E0, s15  }
0xb: {  	s21 =	sadd.s32 $0x80C00, s0;
	s14 =	smul.u32 $0x50000, s15;
	s17 =	sshll.u32 s15, $0x4  }
0xc: {  	p2 =	seq.s32 s15, $0x0;
	p5 =	sgt.u32 s15, $0x1;
	s6 =	simm.s32 $0x380  }
0xd: {  	_ =	strace $0x80000047;
	[dreg:$0x6] =	wrdreg s21;
	s22 =	ssub.s32 $0x2, s11  }
0xe: {  	p0 =	seq.s32 s11, $0x1;
	s12 =	sadd.s32 s2, s0;
	s0 =	sadd.s32 $0x81200, s0  }
0xf: {  	s19 =	sor.u32 $0x4E00, s17;
	s24 =	sadd.s32 s9, s13;
	[dreg:$0x7] =	wrdreg s0  }
0x10: {  	p4 =	sne.s32 s11, $0x0;
	s25 =	sadd.s32 s10, s13;
	[dreg:$0x8] =	wrdreg s24  }
0x11: {  	s23 =	sshrl.u32 s22, $0x1;
	s26 =	sadd.s32 s1, s13;
	[dreg:$0x9] =	wrdreg s25  }
0x12: {  	s16 =	sshrl.u32 s14, $0x2;
	s2 =	sadd.s32 s4, s2;
	[dreg:$0xa] =	wrdreg s26  }
0x13: {  	s20 =	sadd.s32 s9, s19;
	s21 =	sadd.s32 s10, s19;
	[dreg:$0xc] =	wrdreg s2  }
0x14: {  	p2 =	por !p2, !p0;
	s0 =	ssub.s32 s22, s23;
	[dreg:$0xd] =	wrdreg s20  }
0x15: {  	s23 =	sadd.s32 s16, s3;
	[dreg:$0xe] =	wrdreg s21;
	s22 =	sadd.s32 s1, s19  }
0x16: {  	s24 =	sor.u32 s15, s11;
	s25 =	sadd.s32 $0x58C00, s12;
	s26 =	sadd.s32 $0x81800, s12  }
0x17: {  	p3 =	por !p2, !p2;
	p2 =	sne.s32 s15, $0x0;
	s20 =	simm.s32 $0x200  }
0x18: {  	s21 =	simm.s32 $0x280;
	s2 =	simm.s32 $0x2;
	[dreg:$0xf] =	wrdreg s22  }
.Ltmp0:
0x19: {  	s12 =	simm.s32 $0x4380;
	[dreg:$0x10] =	wrdreg s25;
	(pc) =	sbr.rel .LBB2_1-.Ltmp0, $4  }
0x1a: {  	v0 =	vlaneseq.u32;
	s16 =	simm.s32 $0x0;
	[dreg:$0x11] =	wrdreg s26;
	s0 =	smax.u32 s0, $0x1  }
0x1b: {  	v1 =	vor.u32 $0x10, v0;
	p1 =	sne.s32 s24, $0x0;
	[dreg:$0x12] =	wrdreg s0;
	s0 =	simm.s32 @!p5 $0x0  }
0x1c: {  	v2 =	vor.u32 $0x20, v0;
	v3 =	vor.u32 $0x30, v0;
	v4 =	vor.u32 $0x40, v0;
	s26 =	sshll.u32 s11, $0x6;
	[dreg:$0xb] =	wrdreg s23;
	s0 =	simm.s32 @p5 $0x1  }
0x1d: {  	v5 =	vor.u32 $0x50, v0;
	v6 =	vor.u32 $0x60, v0;
	v7 =	vor.u32 $0x70, v0;
	s22 =	simm.s32 $0x1;
	[smem:$0x7FD] =	sst s0;
	s0 =	simm.s32 $0x180  }
.LBB2_17:
0x1e: {  	s18 =	rddreg [dreg:$0x4];
	s4 =	simm.s32 $0x50;
	s14 =	simm.s32 $0x300  }
0x1f: {  	[spmem:s18] =	stream.indirect.scatter.add.f32 [tilespmem:s31], [sflag:$0x3], $0x80, s14, s4, $0xb8;
	[tilespmem:$0x1EE00] =	vst v63  }
0x20: {  	_ =	swait.ge [sflag:s28], $0x2800  }
0x21: {  	[sflag:s28] =	ssyncset.done $0x0  }
0x22: {  	[sflag:s28] =	ssyncadd.s32 $0xFFFFD800  }
0x23: {  	[bflag:$0x0] =	sbarrier.arrive $0xFFFF  }
0x24: {  	s4 =	sshrl.u32 @!p4 s23, $0x3;
	s14 =	rddreg [dreg:$0x10]  }
0x25: {  	[hbm:s14], [sflag:s15] =	dma.local @!p4 [spmem:s4], $0x2800  }
0x26: {  	s4 =	simm.s32 @!p4 $0x3  }
0x27: {  	_ =	swait.ge @!p4 [sflag:s4], $0x2800  }
0x28: {  	[sflag:s4] =	ssyncset.done @!p4 $0x0  }
0x29: {  	s14 =	rddreg [dreg:$0x11];
	[sflag:s4] =	ssyncadd.s32 @!p4 $0xFFFFD800;
	s4 =	sshrl.u32 @p0 s23, $0x3  }
0x2a: {  	[hbm:s14], [sflag:s15] =	dma.local @p0 [spmem:s4], $0x2800  }
0x2b: {  	s4 =	simm.s32 @p0 $0x3  }
0x2c: {  	_ =	swait.ge @p0 [sflag:s4], $0x2800  }
0x2d: {  	[sflag:s4] =	ssyncset.done @p0 $0x0  }
0x2e: {  	s14 =	rddreg [dreg:$0x6];
	[sflag:s4] =	ssyncadd.s32 @p0 $0xFFFFD800;
	s4 =	sshrl.u32 @!p1 s18, $0x3  }
0x2f: {  	[hbm:s14], [sflag:s15] =	dma.local @!p1 [spmem:s4], $0x500  }
0x30: {  	s4 =	simm.s32 @!p1 $0x3  }
0x31: {  	_ =	swait.ge @!p1 [sflag:s4], $0x500  }
0x32: {  	[sflag:s4] =	ssyncset.done @!p1 $0x0  }
0x33: {  	s14 =	rddreg [dreg:$0x7];
	[sflag:s4] =	ssyncadd.s32 @!p1 $0xFFFFFB00;
	s4 =	sshrl.u32 @p3 s18, $0x3  }
0x34: {  	[hbm:s14], [sflag:s15] =	dma.local @p3 [spmem:s4], $0x500  }
0x35: {  	s4 =	simm.s32 @p3 $0x3  }
0x36: {  	_ =	swait.ge @p3 [sflag:s4], $0x500  }
0x37: {  	s16 =	sadd.s32 $0x1, s16;
	s25 =	rddreg [dreg:$0x12]  }
0x38: {  	p5 =	sne.s32 s16, s25  }
.Ltmp1:
0x39: {  	_ = 	snop;
	(pc) =	sbr.rel @!p5 .LBB2_18-.Ltmp1, $3  }
0x3a: {  	_ =	sdelay $0x1  }
0x3b: {  	[sflag:s4] =	ssyncset.done @p3 $0x0  }
0x3c: {  	[sflag:s4] =	ssyncadd.s32 @p3 $0xFFFFFB00  }
.LBB2_1:
0x3d: {  	[dreg:$0x13] =	wrdreg s16  }
0x3e: {  	s4 =	rddreg [dreg:$0x8]  }
0x3f: {  	[tilespmem:s5], [sflag:$0x3] =	stream.linear.gather [hbm4b:s4+s5], $0x80, $0x38;
	[tilespmem:$0x1EE00] =	vst v63  }
0x40: {  	_ =	swait.ge [sflag:s28], $0x80  }
0x41: {  	[sflag:s28] =	ssyncset.done $0x0  }
0x42: {  	s25 =	rddreg [dreg:$0x9];
	[sflag:s28] =	ssyncadd.s32 $0xFFFFFF80  }
0x43: {  	[tilespmem:s29], [sflag:$0x3] =	stream.linear.gather [hbm4b:s25+s5], $0x80, $0x38;
	[tilespmem:$0x1EE00] =	vst v63  }
0x44: {  	_ =	swait.ge [sflag:s28], $0x80  }
0x45: {  	[sflag:s28] =	ssyncset.done $0x0  }
0x46: {  	s14 =	rddreg [dreg:$0xa];
	[sflag:s28] =	ssyncadd.s32 $0xFFFFFF80  }
0x47: {  	[tilespmem:s30], [sflag:$0x3] =	stream.linear.gather [hbm4b:s14+s5], $0x80, $0x38;
	[tilespmem:$0x1EE00] =	vst v63  }
0x48: {  	_ =	swait.ge [sflag:s28], $0x80  }
0x49: {  	s16 =	simm.s32 @!p4 $0x80;
	[sflag:s28] =	ssyncset.done $0x0  }
0x4a: {  	s15 =	simm.s32 @!p4 $0x0;
	s17 =	simm.s32 @!p4 $0x380;
	[sflag:s28] =	ssyncadd.s32 $0xFFFFFF80  }
0x4b: {  	[tilespmem:s17], [sflag:$0x1] =	stream.indirect.gather @!p4 [hbm4b:s7+s16], $0x80, s15, s16, $0xb8;
	[tilespmem:$0x1EE00] =	vst v63  }
0x4c: {  	s19 =	simm.s32 @p0 $0x380;
	s17 =	simm.s32 @p0 $0x80;
	s15 =	simm.s32 @p0 $0x0  }
0x4d: {  	[tilespmem:s19], [sflag:$0x1] =	stream.indirect.gather @p0 [hbm4b:s8+s17], $0x80, s15, s17, $0xb8;
	[tilespmem:$0x1EE00] =	vst v63  }
0x4e: {  	s15 =	stileid.u32  }
0x4f: {  	s19 =	sshll.u32 s15, $0x6  }
0x50: {  	s24 =	sshrl.u32 s23, $0x3;
	s25 =	rddreg [dreg:$0xc];
	s15 =	sor.u32 $0x1C03, s19  }
0x51: {  	[spmem:s24], [sflag:s15] =	dma.local [hbm:s25], $0x2800  }
0x52: {  	_ =	swait.ge [sflag:s28], $0x2800  }
0x53: {  	[sflag:s28] =	ssyncset.done $0x0  }
0x54: {  	[sflag:s28] =	ssyncadd.s32 $0xFFFFD800  }
0x55: {  	s4 =	rddreg [dreg:$0x2]  }
0x56: {  	[tilespmem:s31], [sflag:$0x3] =	stream.linear.gather [hbm4b:s4+s5], $0x2800, $0x38;
	[tilespmem:$0x1EE00] =	vst v63  }
0x57: {  	_ =	swait.ge [sflag:s28], $0x2800  }
0x58: {  	[sflag:s28] =	ssyncset.done $0x0  }
0x59: {  	s19 =	sshrl.u32 @!p2 s18, $0x3;
	[sflag:s28] =	ssyncadd.s32 $0xFFFFD800  }
0x5a: {  	[spmem:s19], [sflag:s15] =	dma.local @!p2 [hbm:s4], $0x500  }
0x5b: {  	s19 =	simm.s32 @!p2 $0x3  }
0x5c: {  	_ =	swait.ge @!p2 [sflag:s19], $0x500  }
0x5d: {  	[sflag:s19] =	ssyncset.done @!p2 $0x0  }
0x5e: {  	[sflag:s19] =	ssyncadd.s32 @!p2 $0xFFFFFB00  }
0x5f: {  	[tilespmem:$0x300] =	vst v0  }
0x60: {  	[tilespmem:$0x310] =	vst v1  }
0x61: {  	[tilespmem:$0x320] =	vst v2  }
0x62: {  	[tilespmem:$0x330] =	vst v3  }
0x63: {  	[tilespmem:$0x340] =	vst v4  }
0x64: {  	s19 =	simm.s32 $0x0;
	[bflag:$0x0] =	sbarrier.arrive $0xFFFF  }
.LBB2_2:
0x65: {  	s23 =	sshll.u32 s19, $0x5  }
0x66: {  	s23 =	sadd.s32 s13, s23  }
0x67: {  	s24 =	sor.u32 $0x10, s23  }
0x68: {  	s25 =	sadd.s32 s9, s24  }
0x69: {  	[tilespmem:s0], [sflag:$0x3] =	stream.linear.gather [hbm4b:s25+s5], $0x80, $0x38;
	[tilespmem:$0x1EE00] =	vst v63  }
0x6a: {  	_ =	swait.ge [sflag:s28], $0x80  }
0x6b: {  	[sflag:s28] =	ssyncset.done $0x0  }
0x6c: {  	s18 =	sadd.s32 s10, s24;
	[sflag:s28] =	ssyncadd.s32 $0xFFFFFF80  }
0x6d: {  	[tilespmem:s20], [sflag:$0x3] =	stream.linear.gather [hbm4b:s18+s5], $0x80, $0x38;
	[tilespmem:$0x1EE00] =	vst v63  }
0x6e: {  	_ =	swait.ge [sflag:s28], $0x80  }
0x6f: {  	[sflag:s28] =	ssyncset.done $0x0  }
0x70: {  	s24 =	sadd.s32 s1, s24;
	[sflag:s28] =	ssyncadd.s32 $0xFFFFFF80  }
0x71: {  	[tilespmem:s21], [sflag:$0x3] =	stream.linear.gather [hbm4b:s24+s5], $0x80, $0x38;
	[tilespmem:$0x1EE00] =	vst v63  }
0x72: {  	s25 =	sadd.s32 $0x0, s26;
	_ =	swait.ge [sflag:s28], $0x80  }
0x73: {  	v8 =	vmov s25;
	[sflag:s28] =	ssyncset.done $0x0  }
0x74: {  	s25 =	simm.s32 @!p4 $0x4380;
	s24 =	simm.s32 @!p4 $0x180;
	[sflag:s28] =	ssyncadd.s32 $0xFFFFFF80  }
0x75: {  	[tilespmem:s25], [sflag:$0x2] =	stream.indirect.gather @!p4 [hbm4b:s7+s16], $0x80, s24, s16, $0xb8;
	[tilespmem:$0x1EE00] =	vst v63  }
0x76: {  	s24 =	simm.s32 @p0 $0x180;
	s25 =	simm.s32 @p0 $0x4380  }
0x77: {  	[tilespmem:s25], [sflag:$0x2] =	stream.indirect.gather @p0 [hbm4b:s8+s17], $0x80, s24, s17, $0xb8;
	[tilespmem:$0x1EE00] =	vst v63  }
0x78: {  	v8 =	vld.idx.msk [tilespmem:v8+s29+$0x0], $0xffff;
	_ =	sdelay $0x7  }
0x79: {  	v9 =	vld.idx.msk [tilespmem:v8+s31+$0x0], $0xffff;
	_ =	sdelay $0x1  }
0x7a: {  	s25 =	sadd.s32 $0x1, s26;
	s24 =	simm.s32 $0x2  }
.LBB2_3:
0x7b: {  	p6 =	sne.s32 s24, $0x3F;
	v10 =	vmov s25;
	_ =	sdelay $0x1  }
0x7c: {  	v9 =	vadd.f32 $1.000000000e+00, v9;
	_ =	sdelay $0x1  }
0x7d: {  	[tilespmem:v8+s31+$0x0] =	vst.idx.msk $0xffff, v9  }
0x7e: {  	v8 =	vld.idx.msk [tilespmem:v10+s29+$0x0], $0xffff;
	_ =	sdelay $0x6  }
.Ltmp2:
0x7f: {  	(pc) =	sbr.rel @p6 .LBB2_3-.Ltmp2, $2  }
0x80: {  	v9 =	vld.idx.msk [tilespmem:v8+s31+$0x0], $0xffff;
	_ =	sdelay $0x2  }
0x81: {  	s25 =	sadd.s32 s24, s26;
	s24 =	sadd.s32 $0x1, s24  }
0x82: {  	v10 =	vmov s25;
	_ =	sdelay $0x1  }
0x83: {  	v9 =	vadd.f32 $1.000000000e+00, v9;
	_ =	sdelay $0x1  }
0x84: {  	[tilespmem:v8+s31+$0x0] =	vst.idx.msk $0xffff, v9  }
0x85: {  	v8 =	vld.idx.msk [tilespmem:v10+s29+$0x0], $0xffff;
	_ =	sdelay $0x7  }
0x86: {  	v9 =	vld.idx.msk [tilespmem:v8+s31+$0x0], $0xffff;
	_ =	sdelay $0x4  }
0x87: {  	s24 =	simm.s32 $0x1;
	v9 =	vadd.f32 $1.000000000e+00, v9  }
0x88: {  	s18 =	simm.s32 $0x2;
	v10 =	vmov s24  }
0x89: {  	s4 =	simm.s32 $0x3;
	v11 =	vmov s18;
	[tilespmem:v8+s31+$0x0] =	vst.idx.msk $0xffff, v9  }
0x8a: {  	v33 =	vshll.u32 v11, $0x7;
	v8 =	vmov s4;
	_ =	swait.ge [sflag:s22], $0x4000  }
0x8b: {  	s24 =	simm.s32 $0x0;
	v9 =	vor.u32 v0, v33;
	[sflag:s22] =	ssyncset.done $0x0  }
0x8c: {  	v12 =	vmov s24;
	v34 =	vshll.u32 v8, $0x7;
	[sflag:s22] =	ssyncadd.s32 $0xFFFFC000  }
0x8d: {  	v32 =	vshll.u32 v10, $0x7;
	v15 =	vor.u32 v0, v34;
	v14 =	vld.idx.msk [tilespmem:v10+s30+$0x0], $0xffff  }
0x8e: {  	v31 =	vshll.u32 v12, $0x7;
	v13 =	vor.u32 v0, v32;
	v16 =	vld.idx.msk [tilespmem:v11+s30+$0x0], $0xffff  }
0x8f: {  	v10 =	vor.u32 v0, v31;
	v18 =	vld.idx.msk [tilespmem:v8+s30+$0x0], $0xffff  }
0x90: {  	v8 =	vld.idx.msk [tilespmem:v9+s6+$0x0], $0xffff  }
0x91: {  	v19 =	vld.idx.msk [tilespmem:v12+s30+$0x0], $0xffff  }
0x92: {  	v20 =	vld.idx.msk [tilespmem:v15+s6+$0x0], $0xffff  }
0x93: {  	v12 =	vld.idx.msk [tilespmem:v13+s6+$0x0], $0xffff  }
0x94: {  	v17 =	vor.u32 v1, v33;
	v11 =	vld.idx.msk [tilespmem:v10+s6+$0x0], $0xffff  }
0x95: {  	v23 =	vor.u32 v1, v34;
	v8 =	vmul.f32 v8, v16  }
0x96: {  	v22 =	vor.u32 v1, v32  }
0x97: {  	v21 =	vor.u32 v1, v31;
	[tilespmem:v9+s6+$0x0] =	vst.idx.msk $0xffff, v8;
	v9 =	vmul.f32 v20, v18  }
0x98: {  	v12 =	vmul.f32 v12, v14  }
0x99: {  	v8 =	vld.idx.msk [tilespmem:v17+s6+$0x0], $0xffff;
	v11 =	vmul.f32 v11, v19;
	[tilespmem:v15+s6+$0x0] =	vst.idx.msk $0xffff, v9  }
0x9a: {  	[tilespmem:v13+s6+$0x0] =	vst.idx.msk $0xffff, v12;
	v9 =	vld.idx.msk [tilespmem:v23+s6+$0x0], $0xffff  }
0x9b: {  	[tilespmem:v10+s6+$0x0] =	vst.idx.msk $0xffff, v11;
	v11 =	vld.idx.msk [tilespmem:v22+s6+$0x0], $0xffff  }
0x9c: {  	v20 =	vor.u32 v2, v33;
	v10 =	vld.idx.msk [tilespmem:v21+s6+$0x0], $0xffff  }
0x9d: {  	v26 =	vor.u32 v2, v34  }
0x9e: {  	v25 =	vor.u32 v2, v32;
	v8 =	vmul.f32 v8, v16  }
0x9f: {  	s25 =	simm.s32 $0x5;
	v24 =	vor.u32 v2, v31;
	v9 =	vmul.f32 v9, v18  }
0xa0: {  	s14 =	simm.s32 $0x6;
	s18 =	simm.s32 $0x7;
	[tilespmem:v17+s6+$0x0] =	vst.idx.msk $0xffff, v8;
	v8 =	vmov s25;
	v11 =	vmul.f32 v11, v14  }
0xa1: {  	v27 =	vmov s14;
	s24 =	simm.s32 $0x4;
	v17 =	vmov s18;
	v28 =	vld.idx.msk [tilespmem:v20+s6+$0x0], $0xffff;
	v10 =	vmul.f32 v10, v19;
	[tilespmem:v23+s6+$0x0] =	vst.idx.msk $0xffff, v9  }
0xa2: {  	v12 =	vshll.u32 v27, $0x7;
	v23 =	vmov s24;
	[tilespmem:v22+s6+$0x0] =	vst.idx.msk $0xffff, v11;
	v29 =	vld.idx.msk [tilespmem:v26+s6+$0x0], $0xffff  }
0xa3: {  	[tilespmem:v21+s6+$0x0] =	vst.idx.msk $0xffff, v10;
	v21 =	vor.u32 v0, v12;
	v22 =	vld.idx.msk [tilespmem:v25+s6+$0x0], $0xffff  }
0xa4: {  	v15 =	vshll.u32 v8, $0x7;
	v11 =	vld.idx.msk [tilespmem:v24+s6+$0x0], $0xffff  }
0xa5: {  	v36 =	vor.u32 v0, v15;
	v13 =	vshll.u32 v23, $0x7;
	v9 =	vld.idx.msk [tilespmem:v8+s30+$0x0], $0xffff  }
0xa6: {  	v30 =	vor.u32 v0, v13;
	v10 =	vld.idx.msk [tilespmem:v17+s30+$0x0], $0xffff  }
0xa7: {  	v35 =	vor.u32 v3, v31;
	v8 =	vld.idx.msk [tilespmem:v23+s30+$0x0], $0xffff  }
0xa8: {  	v17 =	vshll.u32 v17, $0x7;
	v23 =	vor.u32 v3, v33;
	v37 =	vld.idx.msk [tilespmem:v21+s6+$0x0], $0xffff  }
0xa9: {  	v38 =	vmul.f32 v11, v19;
	v11 =	vld.idx.msk [tilespmem:v27+s30+$0x0], $0xffff;
	v27 =	vor.u32 v0, v17  }
0xaa: {  	v39 =	vor.u32 v3, v34;
	v28 =	vmul.f32 v28, v16;
	v41 =	vld.idx.msk [tilespmem:v36+s6+$0x0], $0xffff  }
0xab: {  	v40 =	vld.idx.msk [tilespmem:v30+s6+$0x0], $0xffff;
	[tilespmem:v24+s6+$0x0] =	vst.idx.msk $0xffff, v38  }
0xac: {  	[tilespmem:v20+s6+$0x0] =	vst.idx.msk $0xffff, v28;
	v24 =	vmul.f32 v29, v18;
	v29 =	vor.u32 v1, v12;
	v38 =	vld.idx.msk [tilespmem:v35+s6+$0x0], $0xffff  }
0xad: {  	v42 =	vor.u32 v3, v32;
	v22 =	vmul.f32 v22, v14;
	v44 =	vld.idx.msk [tilespmem:v23+s6+$0x0], $0xffff  }
0xae: {  	v61 =	vor.u32 v1, v13;
	[tilespmem:v26+s6+$0x0] =	vst.idx.msk $0xffff, v24;
	v24 =	vmul.f32 v37, v11;
	v26 =	vld.idx.msk [tilespmem:v27+s6+$0x0], $0xffff  }
0xaf: {  	v28 =	vor.u32 v4, v31;
	[tilespmem:v25+s6+$0x0] =	vst.idx.msk $0xffff, v22;
	v25 =	vmul.f32 v41, v9;
	v20 =	vld.idx.msk [tilespmem:v39+s6+$0x0], $0xffff  }
0xb0: {  	v43 =	vor.u32 v1, v15;
	v40 =	vmul.f32 v40, v8;
	[tilespmem:v21+s6+$0x0] =	vst.idx.msk $0xffff, v24  }
0xb1: {  	v63 =	vor.u32 v4, v33;
	[tilespmem:v36+s6+$0x0] =	vst.idx.msk $0xffff, v25;
	v21 =	vmul.f32 v38, v19;
	v22 =	vld.idx.msk [tilespmem:v29+s6+$0x0], $0xffff  }
0xb2: {  	v62 =	vld.idx.msk [tilespmem:v42+s6+$0x0], $0xffff;
	[tilespmem:v30+s6+$0x0] =	vst.idx.msk $0xffff, v40;
	v24 =	vor.u32 v1, v17;
	v57 =	vmul.f32 v44, v16  }
0xb3: {  	v30 =	vor.u32 v4, v34;
	v26 =	vmul.f32 v26, v10;
	[tilespmem:v35+s6+$0x0] =	vst.idx.msk $0xffff, v21;
	v21 =	vld.idx.msk [tilespmem:v61+s6+$0x0], $0xffff  }
0xb4: {  	v36 =	vor.u32 v2, v12;
	[tilespmem:v23+s6+$0x0] =	vst.idx.msk $0xffff, v57;
	v20 =	vmul.f32 v20, v18;
	v25 =	vld.idx.msk [tilespmem:v28+s6+$0x0], $0xffff  }
0xb5: {  	v56 =	vld.idx.msk [tilespmem:v43+s6+$0x0], $0xffff;
	[tilespmem:v27+s6+$0x0] =	vst.idx.msk $0xffff, v26;
	v26 =	vor.u32 v4, v32  }
0xb6: {  	v41 =	vld.idx.msk [tilespmem:v63+s6+$0x0], $0xffff;
	[tilespmem:v39+s6+$0x0] =	vst.idx.msk $0xffff, v20;
	v39 =	vor.u32 v2, v13;
	v22 =	vmul.f32 v22, v11  }
0xb7: {  	v44 =	vor.u32 v5, v31;
	v27 =	vmul.f32 v62, v14;
	v20 =	vld.idx.msk [tilespmem:v24+s6+$0x0], $0xffff  }
0xb8: {  	s25 =	simm.s32 $0x9;
	v45 =	vor.u32 v2, v15;
	v58 =	vld.idx.msk [tilespmem:v30+s6+$0x0], $0xffff;
	v21 =	vmul.f32 v21, v8;
	[tilespmem:v29+s6+$0x0] =	vst.idx.msk $0xffff, v22  }
0xb9: {  	s14 =	simm.s32 $0xB;
	[tilespmem:v42+s6+$0x0] =	vst.idx.msk $0xffff, v27;
	v27 =	vmov s25;
	v22 =	vld.idx.msk [tilespmem:v36+s6+$0x0], $0xffff;
	v23 =	vmul.f32 v25, v19  }
0xba: {  	v59 =	vmov s14;
	v25 =	vmul.f32 v56, v9;
	v29 =	vld.idx.msk [tilespmem:v26+s6+$0x0], $0xffff;
	[tilespmem:v61+s6+$0x0] =	vst.idx.msk $0xffff, v21  }
0xbb: {  	s18 =	simm.s32 $0xA;
	v46 =	vor.u32 v2, v17;
	s25 =	simm.s32 $0x8;
	[tilespmem:v28+s6+$0x0] =	vst.idx.msk $0xffff, v23;
	v60 =	vld.idx.msk [tilespmem:v39+s6+$0x0], $0xffff  }
0xbc: {  	v40 =	vmov s18;
	v61 =	vmov s25;
	v20 =	vmul.f32 v20, v10;
	[tilespmem:v43+s6+$0x0] =	vst.idx.msk $0xffff, v25;
	v47 =	vld.idx.msk [tilespmem:v44+s6+$0x0], $0xffff  }
0xbd: {  	v43 =	vor.u32 v5, v34;
	v23 =	vshll.u32 v40, $0x7;
	v21 =	vmul.f32 v58, v18;
	v49 =	vld.idx.msk [tilespmem:v45+s6+$0x0], $0xffff  }
0xbe: {  	v25 =	vshll.u32 v27, $0x7;
	v48 =	vor.u32 v0, v23;
	[tilespmem:v24+s6+$0x0] =	vst.idx.msk $0xffff, v20;
	v20 =	vld.idx.msk [tilespmem:v27+s30+$0x0], $0xffff  }
0xbf: {  	v51 =	vor.u32 v0, v25;
	[tilespmem:v30+s6+$0x0] =	vst.idx.msk $0xffff, v21;
	v21 =	vld.idx.msk [tilespmem:v59+s30+$0x0], $0xffff  }
0xc0: {  	v38 =	vld.idx.msk [tilespmem:v46+s6+$0x0], $0xffff  }
0xc1: {  	v50 =	vor.u32 v5, v32;
	v30 =	vmul.f32 v41, v16;
	v62 =	vmul.f32 v22, v11;
	v22 =	vld.idx.msk [tilespmem:v61+s30+$0x0], $0xffff  }
0xc2: {  	v53 =	vor.u32 v5, v33;
	v57 =	vor.u32 v3, v13;
	v28 =	vor.u32 v5, v13;
	v52 =	vld.idx.msk [tilespmem:v43+s6+$0x0], $0xffff  }
0xc3: {  	v27 =	vshll.u32 v59, $0x7;
	v24 =	vmul.f32 v29, v14;
	v29 =	vshll.u32 v61, $0x7;
	[tilespmem:v63+s6+$0x0] =	vst.idx.msk $0xffff, v30;
	v54 =	vld.idx.msk [tilespmem:v48+s6+$0x0], $0xffff  }
0xc4: {  	v55 =	vor.u32 v0, v29;
	v30 =	vmul.f32 v60, v8;
	[tilespmem:v36+s6+$0x0] =	vst.idx.msk $0xffff, v62;
	v63 =	vld.idx.msk [tilespmem:v51+s6+$0x0], $0xffff  }
0xc5: {  	v41 =	vor.u32 v0, v27;
	[tilespmem:v26+s6+$0x0] =	vst.idx.msk $0xffff, v24;
	v60 =	vmul.f32 v47, v19;
	v24 =	vld.idx.msk [tilespmem:v40+s30+$0x0], $0xffff  }
0xc6: {  	v47 =	vor.u32 v3, v17;
	v40 =	vmul.f32 v49, v9;
	v56 =	vld.idx.msk [tilespmem:v50+s6+$0x0], $0xffff;
	[tilespmem:v39+s6+$0x0] =	vst.idx.msk $0xffff, v30  }
0xc7: {  	v59 =	vor.u32 v6, v34;
	v42 =	vld.idx.msk [tilespmem:v53+s6+$0x0], $0xffff;
	v38 =	vmul.f32 v38, v10;
	[tilespmem:v44+s6+$0x0] =	vst.idx.msk $0xffff, v60  }
0xc8: {  	v49 =	vor.u32 v3, v12;
	v39 =	vld.idx.msk [tilespmem:v57+s6+$0x0], $0xffff;
	[tilespmem:v45+s6+$0x0] =	vst.idx.msk $0xffff, v40;
	v61 =	vmul.f32 v52, v18  }
0xc9: {  	v58 =	vor.u32 v1, v23;
	v52 =	vld.idx.msk [tilespmem:v55+s6+$0x0], $0xffff;
	[tilespmem:v46+s6+$0x0] =	vst.idx.msk $0xffff, v38;
	v35 =	vmul.f32 v63, v20  }
0xca: {  	v38 =	vor.u32 v1, v25;
	v37 =	vmul.f32 v54, v24;
	v54 =	vld.idx.msk [tilespmem:v41+s6+$0x0], $0xffff;
	[tilespmem:v43+s6+$0x0] =	vst.idx.msk $0xffff, v61  }
0xcb: {  	v30 =	vmul.f32 v56, v14;
	v56 =	vor.u32 v3, v15;
	v43 =	vld.idx.msk [tilespmem:v47+s6+$0x0], $0xffff;
	[tilespmem:v51+s6+$0x0] =	vst.idx.msk $0xffff, v35  }
0xcc: {  	v36 =	vor.u32 v1, v29;
	v60 =	vor.u32 v6, v32;
	v51 =	vld.idx.msk [tilespmem:v59+s6+$0x0], $0xffff;
	[tilespmem:v48+s6+$0x0] =	vst.idx.msk $0xffff, v37  }
0xcd: {  	v26 =	vor.u32 v5, v29;
	v46 =	vor.u32 v6, v33;
	[tilespmem:v50+s6+$0x0] =	vst.idx.msk $0xffff, v30;
	v50 =	vld.idx.msk [tilespmem:v49+s6+$0x0], $0xffff  }
0xce: {  	v44 =	vor.u32 v4, v13;
	v45 =	vor.u32 v1, v27;
	v35 =	vmul.f32 v42, v16;
	v48 =	vld.idx.msk [tilespmem:v58+s6+$0x0], $0xffff  }
0xcf: {  	v30 =	vor.u32 v7, v33;
	v33 =	vor.u32 v7, v34;
	v34 =	vmul.f32 v39, v8;
	v61 =	vld.idx.msk [tilespmem:v38+s6+$0x0], $0xffff  }
0xd0: {  	v42 =	vor.u32 v6, v31;
	v52 =	vmul.f32 v52, v22;
	[tilespmem:v53+s6+$0x0] =	vst.idx.msk $0xffff, v35;
	v39 =	vld.idx.msk [tilespmem:v56+s6+$0x0], $0xffff  }
0xd1: {  	v63 =	vmul.f32 v54, v21;
	[tilespmem:v57+s6+$0x0] =	vst.idx.msk $0xffff, v34;
	v62 =	vmul.f32 v43, v10;
	v43 =	vld.idx.msk [tilespmem:v60+s6+$0x0], $0xffff  }
0xd2: {  	v40 =	vor.u32 v4, v17;
	v37 =	vor.u32 v4, v12;
	[tilespmem:v55+s6+$0x0] =	vst.idx.msk $0xffff, v52;
	v52 =	vld.idx.msk [tilespmem:v46+s6+$0x0], $0xffff  }
0xd3: {  	v35 =	vor.u32 v7, v32;
	v57 =	vld.idx.msk [tilespmem:v44+s6+$0x0], $0xffff;
	[tilespmem:v41+s6+$0x0] =	vst.idx.msk $0xffff, v63;
	v53 =	vmul.f32 v51, v18  }
0xd4: {  	v32 =	vor.u32 v2, v23;
	v54 =	vld.idx.msk [tilespmem:v36+s6+$0x0], $0xffff;
	v50 =	vmul.f32 v50, v11;
	[tilespmem:v47+s6+$0x0] =	vst.idx.msk $0xffff, v62  }
0xd5: {  	v34 =	vor.u32 v7, v31;
	v63 =	vmul.f32 v48, v24;
	[tilespmem:v59+s6+$0x0] =	vst.idx.msk $0xffff, v53;
	v53 =	vld.idx.msk [tilespmem:v45+s6+$0x0], $0xffff  }
0xd6: {  	v55 =	vmul.f32 v61, v20;
	[tilespmem:v49+s6+$0x0] =	vst.idx.msk $0xffff, v50;
	v61 =	vmul.f32 v39, v9;
	v39 =	vld.idx.msk [tilespmem:v42+s6+$0x0], $0xffff  }
0xd7: {  	v31 =	vor.u32 v5, v17;
	v51 =	vld.idx.msk [tilespmem:v40+s6+$0x0], $0xffff;
	[tilespmem:v58+s6+$0x0] =	vst.idx.msk $0xffff, v63;
	v62 =	vmul.f32 v43, v14  }
0xd8: {  	v47 =	vor.u32 v2, v27;
	[tilespmem:v38+s6+$0x0] =	vst.idx.msk $0xffff, v55;
	v38 =	vor.u32 v4, v15;
	v50 =	vld.idx.msk [tilespmem:v37+s6+$0x0], $0xffff  }
0xd9: {  	v55 =	vmul.f32 v52, v16;
	v43 =	vor.u32 v2, v29;
	v52 =	vld.idx.msk [tilespmem:v32+s6+$0x0], $0xffff;
	[tilespmem:v60+s6+$0x0] =	vst.idx.msk $0xffff, v62  }
0xda: {  	s24 =	simm.s32 $0xC;
	v41 =	vmul.f32 v57, v8;
	v54 =	vmul.f32 v54, v22;
	[tilespmem:v56+s6+$0x0] =	vst.idx.msk $0xffff, v61;
	v49 =	vld.idx.msk [tilespmem:v35+s6+$0x0], $0xffff  }
.LBB2_5:
0xdb: {  	s4 =	sadd.s32 $0x1, s24;
	v48 =	vor.u32 v2, v25;
	v56 =	vmul.f32 v39, v19;
	[tilespmem:v46+s6+$0x0] =	vst.idx.msk $0xffff, v55  }
0xdc: {  	s18 =	sadd.s32 $0x3, s24;
	v46 =	vld.idx.msk [tilespmem:v33+s6+$0x0], $0xffff;
	v39 =	vmovc v15;
	v15 =	vmovc v25;
	v55 =	vmov v12;
	v12 =	vmov v23;
	v57 =	vmov v17;
	s14 =	smov.u32 s24;
	s25 =	sadd.s32 $0x4, s24  }
0xdd: {  	p6 =	slt.u32 s24, $0x7C;
	v53 =	vmul.f32 v53, v21;
	v17 =	vmovc v27;
	v58 =	vmov s4;
	s4 =	sadd.s32 $0x2, s14;
	v59 =	vmov s18;
	[tilespmem:v44+s6+$0x0] =	vst.idx.msk $0xffff, v41;
	v44 =	vld.idx.msk [tilespmem:v38+s6+$0x0], $0xffff;
	v41 =	vmovc v13  }
0xde: {  	v51 =	vmul.f32 v51, v10;
	v13 =	vmovc v29;
	v25 =	vshll.u32 v58, $0x7;
	v60 =	vmov s4;
	[tilespmem:v42+s6+$0x0] =	vst.idx.msk $0xffff, v56;
	v42 =	vld.idx.msk [tilespmem:v30+s6+$0x0], $0xffff  }
0xdf: {  	v56 =	vor.u32 v0, v25;
	v23 =	vshll.u32 v60, $0x7;
	[tilespmem:v36+s6+$0x0] =	vst.idx.msk $0xffff, v54;
	v29 =	vld.idx.msk [tilespmem:v34+s6+$0x0], $0xffff  }
0xe0: {  	v27 =	vshll.u32 v59, $0x7;
	v49 =	vmul.f32 v49, v14;
	v14 =	vmovc v9;
	v54 =	vor.u32 v0, v23;
	v36 =	vld.idx.msk [tilespmem:v43+s6+$0x0], $0xffff  }
0xe1: {  	v50 =	vmul.f32 v50, v11;
	v52 =	vmul.f32 v52, v24;
	v61 =	vld.idx.msk [tilespmem:v28+s6+$0x0], $0xffff;
	[tilespmem:v40+s6+$0x0] =	vst.idx.msk $0xffff, v51  }
0xe2: {  	v9 =	vmov v20;
	v40 =	vld.idx.msk [tilespmem:v48+s6+$0x0], $0xffff;
	[tilespmem:v45+s6+$0x0] =	vst.idx.msk $0xffff, v53;
	v45 =	vmul.f32 v46, v18;
	v18 =	vmov v10  }
0xe3: {  	v51 =	vor.u32 v5, v39;
	v44 =	vmul.f32 v44, v14;
	v46 =	vld.idx.msk [tilespmem:v47+s6+$0x0], $0xffff;
	[tilespmem:v37+s6+$0x0] =	vst.idx.msk $0xffff, v50  }
0xe4: {  	v10 =	vmov v21;
	v37 =	vmul.f32 v42, v16;
	v16 =	vmov v11;
	v20 =	vld.idx.msk [tilespmem:v58+s30+$0x0], $0xffff;
	[tilespmem:v33+s6+$0x0] =	vst.idx.msk $0xffff, v45  }
0xe5: {  	v33 =	vmov s14;
	v19 =	vmul.f32 v29, v19;
	v21 =	vld.idx.msk [tilespmem:v59+s30+$0x0], $0xffff;
	[tilespmem:v38+s6+$0x0] =	vst.idx.msk $0xffff, v44;
	v38 =	vor.u32 v5, v55  }
0xe6: {  	v11 =	vmov v24;
	v29 =	vshll.u32 v33, $0x7;
	v36 =	vmul.f32 v36, v22;
	v42 =	vld.idx.msk [tilespmem:v31+s6+$0x0], $0xffff;
	[tilespmem:v35+s6+$0x0] =	vst.idx.msk $0xffff, v49  }
0xe7: {  	v35 =	vor.u32 v0, v29;
	v24 =	vmul.f32 v61, v8;
	v44 =	vld.idx.msk [tilespmem:v54+s6+$0x0], $0xffff;
	[tilespmem:v30+s6+$0x0] =	vst.idx.msk $0xffff, v37  }
0xe8: {  	v30 =	vor.u32 v5, v29;
	v37 =	vmul.f32 v40, v9;
	v40 =	vld.idx.msk [tilespmem:v51+s6+$0x0], $0xffff;
	[tilespmem:v34+s6+$0x0] =	vst.idx.msk $0xffff, v19  }
0xe9: {  	v49 =	vor.u32 v3, v13;
	v45 =	vmul.f32 v46, v10;
	v34 =	vld.idx.msk [tilespmem:v56+s6+$0x0], $0xffff;
	[tilespmem:v28+s6+$0x0] =	vst.idx.msk $0xffff, v24  }
0xea: {  	v50 =	vor.u32 v3, v17;
	v19 =	vmovc v8;
	v8 =	vmovc v22;
	v28 =	vmov v26;
	v26 =	vmov v30;
	v24 =	vld.idx.msk [tilespmem:v60+s30+$0x0], $0xffff  }
0xeb: {  	v53 =	vor.u32 v0, v27;
	v58 =	vor.u32 v3, v12;
	v22 =	vld.idx.msk [tilespmem:v33+s30+$0x0], $0xffff  }
0xec: {  	v59 =	vor.u32 v1, v23;
	v30 =	vmul.f32 v42, v18;
	[tilespmem:v47+s6+$0x0] =	vst.idx.msk $0xffff, v45;
	v33 =	vld.idx.msk [tilespmem:v38+s6+$0x0], $0xffff  }
0xed: {  	v47 =	vor.u32 v1, v25;
	v42 =	vld.idx.msk [tilespmem:v35+s6+$0x0], $0xffff;
	[tilespmem:v43+s6+$0x0] =	vst.idx.msk $0xffff, v36;
	v43 =	vor.u32 v6, v57  }
0xee: {  	v36 =	vmul.f32 v40, v14;
	v45 =	vld.idx.msk [tilespmem:v49+s6+$0x0], $0xffff;
	[tilespmem:v31+s6+$0x0] =	vst.idx.msk $0xffff, v30  }
0xef: {  	v60 =	vor.u32 v3, v15;
	v31 =	vmul.f32 v34, v20;
	[tilespmem:v32+s6+$0x0] =	vst.idx.msk $0xffff, v52;
	v32 =	vld.idx.msk [tilespmem:v50+s6+$0x0], $0xffff  }
0xf0: {  	v34 =	vmul.f32 v44, v24;
	v52 =	vor.u32 v6, v39;
	v40 =	vld.idx.msk [tilespmem:v53+s6+$0x0], $0xffff;
	[tilespmem:v51+s6+$0x0] =	vst.idx.msk $0xffff, v36  }
0xf1: {  	v30 =	vor.u32 v7, v55;
	v36 =	vor.u32 v1, v29;
	v51 =	vld.idx.msk [tilespmem:v58+s6+$0x0], $0xffff  }
0xf2: {  	v46 =	vor.u32 v6, v55;
	[tilespmem:v56+s6+$0x0] =	vst.idx.msk $0xffff, v31;
	v31 =	vmul.f32 v33, v16;
	v55 =	vld.idx.msk [tilespmem:v43+s6+$0x0], $0xffff  }
0xf3: {  	v56 =	vmul.f32 v42, v22;
	v33 =	vor.u32 v7, v57;
	v61 =	vld.idx.msk [tilespmem:v47+s6+$0x0], $0xffff;
	[tilespmem:v48+s6+$0x0] =	vst.idx.msk $0xffff, v37  }
0xf4: {  	v44 =	vor.u32 v4, v13;
	v37 =	vmul.f32 v45, v8;
	v48 =	vld.idx.msk [tilespmem:v60+s6+$0x0], $0xffff;
	[tilespmem:v38+s6+$0x0] =	vst.idx.msk $0xffff, v31  }
0xf5: {  	v42 =	vor.u32 v6, v41;
	v31 =	vmul.f32 v32, v10;
	[tilespmem:v54+s6+$0x0] =	vst.idx.msk $0xffff, v34;
	v38 =	vld.idx.msk [tilespmem:v52+s6+$0x0], $0xffff  }
0xf6: {  	v45 =	vor.u32 v1, v27;
	v32 =	vmul.f32 v40, v21;
	v54 =	vld.idx.msk [tilespmem:v59+s6+$0x0], $0xffff;
	[tilespmem:v49+s6+$0x0] =	vst.idx.msk $0xffff, v37  }
0xf7: {  	v40 =	vor.u32 v4, v17;
	v49 =	vmul.f32 v51, v11;
	[tilespmem:v35+s6+$0x0] =	vst.idx.msk $0xffff, v56;
	v56 =	vld.idx.msk [tilespmem:v46+s6+$0x0], $0xffff  }
0xf8: {  	v37 =	vor.u32 v4, v12;
	v34 =	vmul.f32 v55, v18;
	v57 =	vld.idx.msk [tilespmem:v36+s6+$0x0], $0xffff;
	[tilespmem:v53+s6+$0x0] =	vst.idx.msk $0xffff, v32  }
0xf9: {  	v35 =	vor.u32 v7, v39;
	v51 =	vmul.f32 v61, v20;
	v61 =	vld.idx.msk [tilespmem:v44+s6+$0x0], $0xffff;
	[tilespmem:v50+s6+$0x0] =	vst.idx.msk $0xffff, v31  }
0xfa: {  	v32 =	vor.u32 v2, v23;
	v48 =	vmul.f32 v48, v9;
	v39 =	vld.idx.msk [tilespmem:v42+s6+$0x0], $0xffff;
	[tilespmem:v43+s6+$0x0] =	vst.idx.msk $0xffff, v34  }
.Ltmp3:
0xfb: {  	v34 =	vor.u32 v7, v41;
	v41 =	vmul.f32 v38, v14;
	[tilespmem:v47+s6+$0x0] =	vst.idx.msk $0xffff, v51;
	v53 =	vld.idx.msk [tilespmem:v45+s6+$0x0], $0xffff;
	(pc) =	sbr.rel @p6 .LBB2_5-.Ltmp3, $4  }
0xfc: {  	v38 =	vor.u32 v4, v15;
	v43 =	vmul.f32 v54, v24;
	[tilespmem:v58+s6+$0x0] =	vst.idx.msk $0xffff, v49;
	v51 =	vld.idx.msk [tilespmem:v40+s6+$0x0], $0xffff  }
0xfd: {  	v31 =	vor.u32 v5, v17;
	v55 =	vmul.f32 v56, v16;
	v50 =	vld.idx.msk [tilespmem:v37+s6+$0x0], $0xffff;
	[tilespmem:v52+s6+$0x0] =	vst.idx.msk $0xffff, v41  }
0xfe: {  	v47 =	vor.u32 v2, v27;
	v54 =	vmul.f32 v57, v22;
	[tilespmem:v59+s6+$0x0] =	vst.idx.msk $0xffff, v43;
	v49 =	vld.idx.msk [tilespmem:v35+s6+$0x0], $0xffff  }
0xff: {  	s24 =	smov.u32 s25;
	v43 =	vor.u32 v2, v29;
	v41 =	vmul.f32 v61, v8;
	v52 =	vld.idx.msk [tilespmem:v32+s6+$0x0], $0xffff;
	[tilespmem:v60+s6+$0x0] =	vst.idx.msk $0xffff, v48  }
0x100: {  	_ =	sdelay $0x1  }
0x101: {  	v48 =	vor.u32 v2, v25;
	v53 =	vmul.f32 v53, v21;
	_ =	sdelay $0x1  }
0x102: {  	[tilespmem:v45+s6+$0x0] =	vst.idx.msk $0xffff, v53  }
0x103: {  	v45 =	vld.idx.msk [tilespmem:v47+s6+$0x0], $0xffff;
	_ =	sdelay $0x1  }
0x104: {  	[tilespmem:v36+s6+$0x0] =	vst.idx.msk $0xffff, v54;
	v63 =	vld.idx.msk [tilespmem:v48+s6+$0x0], $0xffff  }
0x105: {  	v54 =	vor.u32 v3, v27;
	v36 =	vld.idx.msk [tilespmem:v43+s6+$0x0], $0xffff  }
0x106: {  	[tilespmem:v46+s6+$0x0] =	vst.idx.msk $0xffff, v55;
	v46 =	vor.u32 v3, v23;
	v39 =	vmul.f32 v39, v19  }
0x107: {  	v56 =	vor.u32 v3, v25;
	[tilespmem:v44+s6+$0x0] =	vst.idx.msk $0xffff, v41;
	v45 =	vmul.f32 v45, v21  }
0x108: {  	v59 =	vld.idx.msk [tilespmem:v33+s6+$0x0], $0xffff;
	v44 =	vor.u32 v3, v29;
	[tilespmem:v42+s6+$0x0] =	vst.idx.msk $0xffff, v39;
	v52 =	vmul.f32 v52, v24  }
0x109: {  	v53 =	vld.idx.msk [tilespmem:v34+s6+$0x0], $0xffff;
	v58 =	vmul.f32 v63, v20;
	[tilespmem:v47+s6+$0x0] =	vst.idx.msk $0xffff, v45  }
0x10a: {  	v36 =	vmul.f32 v36, v22;
	[tilespmem:v32+s6+$0x0] =	vst.idx.msk $0xffff, v52;
	v45 =	vld.idx.msk [tilespmem:v54+s6+$0x0], $0xffff  }
0x10b: {  	v61 =	vmul.f32 v51, v10;
	v62 =	vld.idx.msk [tilespmem:v46+s6+$0x0], $0xffff;
	[tilespmem:v48+s6+$0x0] =	vst.idx.msk $0xffff, v58  }
0x10c: {  	v14 =	vmul.f32 v49, v14;
	[tilespmem:v43+s6+$0x0] =	vst.idx.msk $0xffff, v36;
	v60 =	vld.idx.msk [tilespmem:v56+s6+$0x0], $0xffff  }
0x10d: {  	[tilespmem:v40+s6+$0x0] =	vst.idx.msk $0xffff, v61;
	v18 =	vmul.f32 v59, v18;
	v43 =	vor.u32 v4, v27;
	v48 =	vld.idx.msk [tilespmem:v44+s6+$0x0], $0xffff  }
0x10e: {  	v39 =	vor.u32 v4, v23;
	[tilespmem:v35+s6+$0x0] =	vst.idx.msk $0xffff, v14;
	v63 =	vmul.f32 v50, v11;
	v50 =	vld.idx.msk [tilespmem:v38+s6+$0x0], $0xffff  }
0x10f: {  	v40 =	vor.u32 v4, v25;
	v52 =	vld.idx.msk [tilespmem:v30+s6+$0x0], $0xffff;
	[tilespmem:v33+s6+$0x0] =	vst.idx.msk $0xffff, v18;
	v51 =	vmul.f32 v45, v21  }
0x110: {  	v18 =	vor.u32 v4, v29;
	[tilespmem:v37+s6+$0x0] =	vst.idx.msk $0xffff, v63;
	v36 =	vmul.f32 v62, v24  }
0x111: {  	v37 =	vor.u32 v5, v15;
	v62 =	vld.idx.msk [tilespmem:v31+s6+$0x0], $0xffff;
	v32 =	vmul.f32 v60, v20;
	[tilespmem:v54+s6+$0x0] =	vst.idx.msk $0xffff, v51  }
0x112: {  	v61 =	vmul.f32 v53, v19;
	[tilespmem:v46+s6+$0x0] =	vst.idx.msk $0xffff, v36;
	v42 =	vmul.f32 v48, v22;
	v55 =	vld.idx.msk [tilespmem:v43+s6+$0x0], $0xffff  }
0x113: {  	v47 =	vor.u32 v5, v12;
	v57 =	vmul.f32 v50, v9;
	v59 =	vld.idx.msk [tilespmem:v39+s6+$0x0], $0xffff;
	[tilespmem:v56+s6+$0x0] =	vst.idx.msk $0xffff, v32  }
0x114: {  	v16 =	vmul.f32 v52, v16;
	v52 =	vor.u32 v6, v17;
	[tilespmem:v44+s6+$0x0] =	vst.idx.msk $0xffff, v42;
	v58 =	vld.idx.msk [tilespmem:v40+s6+$0x0], $0xffff  }
0x115: {  	[tilespmem:v38+s6+$0x0] =	vst.idx.msk $0xffff, v57;
	v38 =	vor.u32 v5, v27;
	v60 =	vld.idx.msk [tilespmem:v18+s6+$0x0], $0xffff  }
0x116: {  	[tilespmem:v34+s6+$0x0] =	vst.idx.msk $0xffff, v61;
	v48 =	vor.u32 v5, v23;
	v33 =	vmul.f32 v62, v10;
	v63 =	vld.idx.msk [tilespmem:v37+s6+$0x0], $0xffff  }
0x117: {  	v14 =	vor.u32 v5, v25;
	[tilespmem:v30+s6+$0x0] =	vst.idx.msk $0xffff, v16;
	v51 =	vld.idx.msk [tilespmem:v28+s6+$0x0], $0xffff;
	v46 =	vmul.f32 v55, v21  }
0x118: {  	v49 =	vld.idx.msk [tilespmem:v47+s6+$0x0], $0xffff;
	[tilespmem:v31+s6+$0x0] =	vst.idx.msk $0xffff, v33;
	v42 =	vmul.f32 v59, v24  }
0x119: {  	v53 =	vor.u32 v6, v15;
	v59 =	vld.idx.msk [tilespmem:v52+s6+$0x0], $0xffff;
	v50 =	vmul.f32 v58, v20;
	[tilespmem:v43+s6+$0x0] =	vst.idx.msk $0xffff, v46  }
0x11a: {  	[tilespmem:v39+s6+$0x0] =	vst.idx.msk $0xffff, v42;
	v42 =	vor.u32 v6, v13;
	v32 =	vmul.f32 v60, v22;
	v54 =	vld.idx.msk [tilespmem:v38+s6+$0x0], $0xffff  }
0x11b: {  	v16 =	vmul.f32 v63, v9;
	v56 =	vld.idx.msk [tilespmem:v48+s6+$0x0], $0xffff;
	[tilespmem:v40+s6+$0x0] =	vst.idx.msk $0xffff, v50  }
0x11c: {  	v58 =	vmul.f32 v51, v8;
	[tilespmem:v18+s6+$0x0] =	vst.idx.msk $0xffff, v32;
	v40 =	vor.u32 v6, v12;
	v55 =	vld.idx.msk [tilespmem:v14+s6+$0x0], $0xffff  }
0x11d: {  	v19 =	vmul.f32 v49, v11;
	[tilespmem:v37+s6+$0x0] =	vst.idx.msk $0xffff, v16;
	v32 =	vor.u32 v6, v27;
	v57 =	vld.idx.msk [tilespmem:v26+s6+$0x0], $0xffff  }
0x11e: {  	v37 =	vor.u32 v6, v23;
	v16 =	vmul.f32 v59, v10;
	v60 =	vld.idx.msk [tilespmem:v53+s6+$0x0], $0xffff;
	[tilespmem:v28+s6+$0x0] =	vst.idx.msk $0xffff, v58  }
0x11f: {  	v36 =	vor.u32 v6, v25;
	[tilespmem:v47+s6+$0x0] =	vst.idx.msk $0xffff, v19;
	v63 =	vld.idx.msk [tilespmem:v42+s6+$0x0], $0xffff;
	v34 =	vmul.f32 v54, v21  }
0x120: {  	v39 =	vor.u32 v6, v29;
	[tilespmem:v52+s6+$0x0] =	vst.idx.msk $0xffff, v16;
	v18 =	vmul.f32 v56, v24  }
0x121: {  	v17 =	vor.u32 v7, v17;
	v61 =	vld.idx.msk [tilespmem:v40+s6+$0x0], $0xffff;
	v62 =	vmul.f32 v55, v20;
	[tilespmem:v38+s6+$0x0] =	vst.idx.msk $0xffff, v34  }
0x122: {  	v47 =	vor.u32 v7, v13;
	[tilespmem:v48+s6+$0x0] =	vst.idx.msk $0xffff, v18;
	v31 =	vmul.f32 v57, v22;
	v44 =	vld.idx.msk [tilespmem:v32+s6+$0x0], $0xffff  }
0x123: {  	v19 =	vmul.f32 v60, v9;
	v48 =	vld.idx.msk [tilespmem:v37+s6+$0x0], $0xffff;
	v38 =	vor.u32 v7, v15;
	[tilespmem:v14+s6+$0x0] =	vst.idx.msk $0xffff, v62  }
0x124: {  	v45 =	vor.u32 v7, v12;
	v52 =	vmul.f32 v63, v8;
	[tilespmem:v26+s6+$0x0] =	vst.idx.msk $0xffff, v31;
	v46 =	vld.idx.msk [tilespmem:v36+s6+$0x0], $0xffff  }
0x125: {  	v50 =	vor.u32 v7, v27;
	[tilespmem:v53+s6+$0x0] =	vst.idx.msk $0xffff, v19;
	v51 =	vld.idx.msk [tilespmem:v39+s6+$0x0], $0xffff  }
0x126: {  	v56 =	vor.u32 v7, v23;
	v53 =	vld.idx.msk [tilespmem:v17+s6+$0x0], $0xffff;
	[tilespmem:v42+s6+$0x0] =	vst.idx.msk $0xffff, v52;
	v49 =	vmul.f32 v61, v11  }
0x127: {  	v54 =	vor.u32 v7, v25;
	v59 =	vld.idx.msk [tilespmem:v47+s6+$0x0], $0xffff;
	v14 =	vmul.f32 v44, v21  }
0x128: {  	v58 =	vor.u32 v7, v29;
	v60 =	vmul.f32 v48, v24;
	v55 =	vld.idx.msk [tilespmem:v38+s6+$0x0], $0xffff;
	[tilespmem:v40+s6+$0x0] =	vst.idx.msk $0xffff, v49  }
0x129: {  	v57 =	vld.idx.msk [tilespmem:v45+s6+$0x0], $0xffff;
	v18 =	vmul.f32 v46, v20;
	[tilespmem:v32+s6+$0x0] =	vst.idx.msk $0xffff, v14  }
0x12a: {  	[tilespmem:v37+s6+$0x0] =	vst.idx.msk $0xffff, v60;
	v61 =	vmul.f32 v51, v22;
	v62 =	vld.idx.msk [tilespmem:v50+s6+$0x0], $0xffff  }
0x12b: {  	v10 =	vmul.f32 v53, v10;
	v14 =	vld.idx.msk [tilespmem:v56+s6+$0x0], $0xffff;
	[tilespmem:v36+s6+$0x0] =	vst.idx.msk $0xffff, v18  }
0x12c: {  	v8 =	vmul.f32 v59, v8;
	[tilespmem:v39+s6+$0x0] =	vst.idx.msk $0xffff, v61;
	v63 =	vld.idx.msk [tilespmem:v54+s6+$0x0], $0xffff  }
0x12d: {  	[tilespmem:v17+s6+$0x0] =	vst.idx.msk $0xffff, v10;
	v9 =	vmul.f32 v55, v9;
	v10 =	vld.idx.msk [tilespmem:v58+s6+$0x0], $0xffff  }
0x12e: {  	[tilespmem:v47+s6+$0x0] =	vst.idx.msk $0xffff, v8;
	v11 =	vmul.f32 v57, v11  }
0x12f: {  	[tilespmem:v38+s6+$0x0] =	vst.idx.msk $0xffff, v9;
	v9 =	vmul.f32 v62, v21  }
0x130: {  	[tilespmem:v45+s6+$0x0] =	vst.idx.msk $0xffff, v11;
	v11 =	vmul.f32 v14, v24  }
0x131: {  	v8 =	vmul.f32 v63, v20;
	[tilespmem:v50+s6+$0x0] =	vst.idx.msk $0xffff, v9  }
0x132: {  	v9 =	vmul.f32 v10, v22;
	[tilespmem:v56+s6+$0x0] =	vst.idx.msk $0xffff, v11  }
0x133: {  	[tilespmem:v54+s6+$0x0] =	vst.idx.msk $0xffff, v8  }
0x134: {  	[tilespmem:v58+s6+$0x0] =	vst.idx.msk $0xffff, v9  }
0x135: {  	[spmem:s3] =	stream.indirect.scatter.add.f32 [tilespmem:s6], [sflag:$0x3], $0x80, s29, s29, $0xb8;
	[tilespmem:$0x1EE00] =	vst v63  }
0x136: {  	p6 =	seq.s32 s19, $0x26;
	_ =	swait.ge [sflag:s28], $0x4000  }
0x137: {  	s4 =	sadd.s32 @!p6 $0x20, s23;
	[sflag:s28] =	ssyncset.done $0x0  }
0x138: {  	s18 =	simm.s32 @!p6 $0x0;
	s14 =	sadd.s32 @!p6 s9, s4;
	[sflag:s28] =	ssyncadd.s32 $0xFFFFC000  }
0x139: {  	[tilespmem:s18], [sflag:$0x3] =	stream.linear.gather @!p6 [hbm4b:s14+s18], $0x80, $0x38;
	[tilespmem:$0x1EE00] =	vst v63  }
0x13a: {  	s14 =	simm.s32 @!p6 $0x3  }
0x13b: {  	_ =	swait.ge @!p6 [sflag:s14], $0x80  }
0x13c: {  	[sflag:s14] =	ssyncset.done @!p6 $0x0  }
0x13d: {  	s24 =	simm.s32 @!p6 $0x80;
	s23 =	sadd.s32 @!p6 s10, s4;
	[sflag:s14] =	ssyncadd.s32 @!p6 $0xFFFFFF80  }
0x13e: {  	[tilespmem:s24], [sflag:$0x3] =	stream.linear.gather @!p6 [hbm4b:s23+s18], $0x80, $0x38;
	[tilespmem:$0x1EE00] =	vst v63  }
0x13f: {  	_ =	swait.ge @!p6 [sflag:s14], $0x80  }
0x140: {  	p5 =	sne.s32 @!p6 s11, $0x0;
	[sflag:s14] =	ssyncset.done @!p6 $0x0  }
0x141: {  	s4 =	sadd.s32 @!p6 s1, s4;
	s23 =	simm.s32 @!p6 $0x100;
	[sflag:s14] =	ssyncadd.s32 @!p6 $0xFFFFFF80  }
0x142: {  	[tilespmem:s23], [sflag:$0x3] =	stream.linear.gather @!p6 [hbm4b:s4+s18], $0x80, $0x38;
	[tilespmem:$0x1EE00] =	vst v63  }
0x143: {  	p5 =	por p5, p6;
	_ =	swait.ge @!p6 [sflag:s14], $0x80  }
0x144: {  	s25 =	sadd.s32 $0x0, s26;
	s18 =	simm.s32 @!p5 $0x0;
	[sflag:s14] =	ssyncset.done @!p6 $0x0  }
0x145: {  	v8 =	vmov s25;
	s23 =	simm.s32 @!p5 $0x380;
	[sflag:s14] =	ssyncadd.s32 @!p6 $0xFFFFFF80;
	s14 =	simm.s32 @!p5 $0x80  }
0x146: {  	[tilespmem:s23], [sflag:$0x1] =	stream.indirect.gather @!p5 [hbm4b:s7+s14], $0x80, s18, s14, $0xb8;
	[tilespmem:$0x1EE00] =	vst v63  }
0x147: {  	p5 =	por !p0, p6  }
0x148: {  	s4 =	simm.s32 @!p5 $0x80;
	s14 =	simm.s32 @!p5 $0x0;
	s18 =	simm.s32 @!p5 $0x380  }
0x149: {  	[tilespmem:s18], [sflag:$0x1] =	stream.indirect.gather @!p5 [hbm4b:s8+s4], $0x80, s14, s4, $0xb8;
	[tilespmem:$0x1EE00] =	vst v63  }
0x14a: {  	v8 =	vld.idx.msk [tilespmem:v8+s20+$0x0], $0xffff;
	_ =	sdelay $0x7  }
0x14b: {  	v9 =	vld.idx.msk [tilespmem:v8+s31+$0x0], $0xffff;
	_ =	sdelay $0x1  }
0x14c: {  	s24 =	sadd.s32 $0x1, s26;
	s23 =	simm.s32 $0x2  }
.LBB2_7:
0x14d: {  	p6 =	sne.s32 s23, $0x3F;
	v10 =	vmov s24;
	_ =	sdelay $0x1  }
0x14e: {  	v9 =	vadd.f32 $1.000000000e+00, v9;
	_ =	sdelay $0x1  }
0x14f: {  	[tilespmem:v8+s31+$0x0] =	vst.idx.msk $0xffff, v9  }
0x150: {  	v8 =	vld.idx.msk [tilespmem:v10+s20+$0x0], $0xffff;
	_ =	sdelay $0x6  }
.Ltmp4:
0x151: {  	(pc) =	sbr.rel @p6 .LBB2_7-.Ltmp4, $2  }
0x152: {  	v9 =	vld.idx.msk [tilespmem:v8+s31+$0x0], $0xffff;
	_ =	sdelay $0x2  }
0x153: {  	s24 =	sadd.s32 s23, s26;
	s23 =	sadd.s32 $0x1, s23  }
0x154: {  	v10 =	vmov s24;
	_ =	sdelay $0x1  }
0x155: {  	v9 =	vadd.f32 $1.000000000e+00, v9;
	_ =	sdelay $0x1  }
0x156: {  	[tilespmem:v8+s31+$0x0] =	vst.idx.msk $0xffff, v9  }
0x157: {  	v8 =	vld.idx.msk [tilespmem:v10+s20+$0x0], $0xffff;
	_ =	sdelay $0x7  }
0x158: {  	v9 =	vld.idx.msk [tilespmem:v8+s31+$0x0], $0xffff;
	_ =	sdelay $0x4  }
0x159: {  	s4 =	simm.s32 $0x1;
	v9 =	vadd.f32 $1.000000000e+00, v9  }
0x15a: {  	s14 =	simm.s32 $0x2;
	v10 =	vmov s4  }
0x15b: {  	s18 =	simm.s32 $0x3;
	v11 =	vmov s14;
	[tilespmem:v8+s31+$0x0] =	vst.idx.msk $0xffff, v9  }
0x15c: {  	v33 =	vshll.u32 v11, $0x7;
	v8 =	vmov s18;
	_ =	swait.ge [sflag:s2], $0x4000  }
0x15d: {  	s18 =	simm.s32 $0x0;
	v9 =	vor.u32 v0, v33;
	[sflag:s2] =	ssyncset.done $0x0  }
0x15e: {  	v12 =	vmov s18;
	v34 =	vshll.u32 v8, $0x7;
	[sflag:s2] =	ssyncadd.s32 $0xFFFFC000  }
0x15f: {  	v32 =	vshll.u32 v10, $0x7;
	v15 =	vor.u32 v0, v34;
	v14 =	vld.idx.msk [tilespmem:v10+s21+$0x0], $0xffff  }
0x160: {  	v13 =	vor.u32 v0, v32;
	v31 =	vshll.u32 v12, $0x7;
	v16 =	vld.idx.msk [tilespmem:v11+s21+$0x0], $0xffff  }
0x161: {  	v10 =	vor.u32 v0, v31;
	v18 =	vld.idx.msk [tilespmem:v8+s21+$0x0], $0xffff  }
0x162: {  	v8 =	vld.idx.msk [tilespmem:v9+s12+$0x0], $0xffff  }
0x163: {  	v19 =	vld.idx.msk [tilespmem:v12+s21+$0x0], $0xffff  }
0x164: {  	v20 =	vld.idx.msk [tilespmem:v15+s12+$0x0], $0xffff  }
0x165: {  	v12 =	vld.idx.msk [tilespmem:v13+s12+$0x0], $0xffff  }
0x166: {  	v17 =	vor.u32 v1, v33;
	v11 =	vld.idx.msk [tilespmem:v10+s12+$0x0], $0xffff  }
0x167: {  	v23 =	vor.u32 v1, v34;
	v8 =	vmul.f32 v8, v16  }
0x168: {  	v22 =	vor.u32 v1, v32  }
0x169: {  	v21 =	vor.u32 v1, v31;
	[tilespmem:v9+s12+$0x0] =	vst.idx.msk $0xffff, v8;
	v9 =	vmul.f32 v20, v18  }
0x16a: {  	v12 =	vmul.f32 v12, v14  }
0x16b: {  	v8 =	vld.idx.msk [tilespmem:v17+s12+$0x0], $0xffff;
	v11 =	vmul.f32 v11, v19;
	[tilespmem:v15+s12+$0x0] =	vst.idx.msk $0xffff, v9  }
0x16c: {  	[tilespmem:v13+s12+$0x0] =	vst.idx.msk $0xffff, v12;
	v9 =	vld.idx.msk [tilespmem:v23+s12+$0x0], $0xffff  }
0x16d: {  	[tilespmem:v10+s12+$0x0] =	vst.idx.msk $0xffff, v11;
	v11 =	vld.idx.msk [tilespmem:v22+s12+$0x0], $0xffff  }
0x16e: {  	v20 =	vor.u32 v2, v33;
	v10 =	vld.idx.msk [tilespmem:v21+s12+$0x0], $0xffff  }
0x16f: {  	v26 =	vor.u32 v2, v34  }
0x170: {  	v25 =	vor.u32 v2, v32;
	v8 =	vmul.f32 v8, v16  }
0x171: {  	s23 =	simm.s32 $0x5;
	v24 =	vor.u32 v2, v31;
	v9 =	vmul.f32 v9, v18  }
0x172: {  	s24 =	simm.s32 $0x6;
	s25 =	simm.s32 $0x7;
	[tilespmem:v17+s12+$0x0] =	vst.idx.msk $0xffff, v8;
	v8 =	vmov s23;
	v11 =	vmul.f32 v11, v14  }
0x173: {  	v27 =	vmov s24;
	s14 =	simm.s32 $0x4;
	v17 =	vmov s25;
	v28 =	vld.idx.msk [tilespmem:v20+s12+$0x0], $0xffff;
	v10 =	vmul.f32 v10, v19;
	[tilespmem:v23+s12+$0x0] =	vst.idx.msk $0xffff, v9  }
0x174: {  	v12 =	vshll.u32 v27, $0x7;
	v23 =	vmov s14;
	[tilespmem:v22+s12+$0x0] =	vst.idx.msk $0xffff, v11;
	v29 =	vld.idx.msk [tilespmem:v26+s12+$0x0], $0xffff  }
0x175: {  	[tilespmem:v21+s12+$0x0] =	vst.idx.msk $0xffff, v10;
	v21 =	vor.u32 v0, v12;
	v22 =	vld.idx.msk [tilespmem:v25+s12+$0x0], $0xffff  }
0x176: {  	v15 =	vshll.u32 v8, $0x7;
	v11 =	vld.idx.msk [tilespmem:v24+s12+$0x0], $0xffff  }
0x177: {  	v36 =	vor.u32 v0, v15;
	v13 =	vshll.u32 v23, $0x7;
	v9 =	vld.idx.msk [tilespmem:v8+s21+$0x0], $0xffff  }
0x178: {  	v30 =	vor.u32 v0, v13;
	v10 =	vld.idx.msk [tilespmem:v17+s21+$0x0], $0xffff  }
0x179: {  	v35 =	vor.u32 v3, v31;
	v8 =	vld.idx.msk [tilespmem:v23+s21+$0x0], $0xffff  }
0x17a: {  	v17 =	vshll.u32 v17, $0x7;
	v23 =	vor.u32 v3, v33;
	v37 =	vld.idx.msk [tilespmem:v21+s12+$0x0], $0xffff  }
0x17b: {  	v38 =	vmul.f32 v11, v19;
	v11 =	vld.idx.msk [tilespmem:v27+s21+$0x0], $0xffff;
	v27 =	vor.u32 v0, v17  }
0x17c: {  	v39 =	vor.u32 v3, v34;
	v28 =	vmul.f32 v28, v16;
	v41 =	vld.idx.msk [tilespmem:v36+s12+$0x0], $0xffff  }
0x17d: {  	v40 =	vld.idx.msk [tilespmem:v30+s12+$0x0], $0xffff;
	[tilespmem:v24+s12+$0x0] =	vst.idx.msk $0xffff, v38  }
0x17e: {  	[tilespmem:v20+s12+$0x0] =	vst.idx.msk $0xffff, v28;
	v24 =	vmul.f32 v29, v18;
	v29 =	vor.u32 v1, v12;
	v38 =	vld.idx.msk [tilespmem:v35+s12+$0x0], $0xffff  }
0x17f: {  	v42 =	vor.u32 v3, v32;
	v22 =	vmul.f32 v22, v14;
	v44 =	vld.idx.msk [tilespmem:v23+s12+$0x0], $0xffff  }
0x180: {  	v61 =	vor.u32 v1, v13;
	[tilespmem:v26+s12+$0x0] =	vst.idx.msk $0xffff, v24;
	v24 =	vmul.f32 v37, v11;
	v26 =	vld.idx.msk [tilespmem:v27+s12+$0x0], $0xffff  }
0x181: {  	v28 =	vor.u32 v4, v31;
	[tilespmem:v25+s12+$0x0] =	vst.idx.msk $0xffff, v22;
	v25 =	vmul.f32 v41, v9;
	v20 =	vld.idx.msk [tilespmem:v39+s12+$0x0], $0xffff  }
0x182: {  	v43 =	vor.u32 v1, v15;
	v40 =	vmul.f32 v40, v8;
	[tilespmem:v21+s12+$0x0] =	vst.idx.msk $0xffff, v24  }
0x183: {  	v63 =	vor.u32 v4, v33;
	[tilespmem:v36+s12+$0x0] =	vst.idx.msk $0xffff, v25;
	v21 =	vmul.f32 v38, v19;
	v22 =	vld.idx.msk [tilespmem:v29+s12+$0x0], $0xffff  }
0x184: {  	v62 =	vld.idx.msk [tilespmem:v42+s12+$0x0], $0xffff;
	[tilespmem:v30+s12+$0x0] =	vst.idx.msk $0xffff, v40;
	v24 =	vor.u32 v1, v17;
	v57 =	vmul.f32 v44, v16  }
0x185: {  	v30 =	vor.u32 v4, v34;
	v26 =	vmul.f32 v26, v10;
	[tilespmem:v35+s12+$0x0] =	vst.idx.msk $0xffff, v21;
	v21 =	vld.idx.msk [tilespmem:v61+s12+$0x0], $0xffff  }
0x186: {  	v36 =	vor.u32 v2, v12;
	[tilespmem:v23+s12+$0x0] =	vst.idx.msk $0xffff, v57;
	v20 =	vmul.f32 v20, v18;
	v25 =	vld.idx.msk [tilespmem:v28+s12+$0x0], $0xffff  }
0x187: {  	v56 =	vld.idx.msk [tilespmem:v43+s12+$0x0], $0xffff;
	[tilespmem:v27+s12+$0x0] =	vst.idx.msk $0xffff, v26;
	v26 =	vor.u32 v4, v32  }
0x188: {  	v41 =	vld.idx.msk [tilespmem:v63+s12+$0x0], $0xffff;
	[tilespmem:v39+s12+$0x0] =	vst.idx.msk $0xffff, v20;
	v39 =	vor.u32 v2, v13;
	v22 =	vmul.f32 v22, v11  }
0x189: {  	v44 =	vor.u32 v5, v31;
	v27 =	vmul.f32 v62, v14;
	v20 =	vld.idx.msk [tilespmem:v24+s12+$0x0], $0xffff  }
0x18a: {  	s18 =	simm.s32 $0x9;
	v45 =	vor.u32 v2, v15;
	v58 =	vld.idx.msk [tilespmem:v30+s12+$0x0], $0xffff;
	v21 =	vmul.f32 v21, v8;
	[tilespmem:v29+s12+$0x0] =	vst.idx.msk $0xffff, v22  }
0x18b: {  	s23 =	simm.s32 $0xB;
	[tilespmem:v42+s12+$0x0] =	vst.idx.msk $0xffff, v27;
	v27 =	vmov s18;
	v22 =	vld.idx.msk [tilespmem:v36+s12+$0x0], $0xffff;
	v23 =	vmul.f32 v25, v19  }
0x18c: {  	v59 =	vmov s23;
	v25 =	vmul.f32 v56, v9;
	v29 =	vld.idx.msk [tilespmem:v26+s12+$0x0], $0xffff;
	[tilespmem:v61+s12+$0x0] =	vst.idx.msk $0xffff, v21  }
0x18d: {  	s24 =	simm.s32 $0xA;
	s25 =	simm.s32 $0x8;
	v46 =	vor.u32 v2, v17;
	[tilespmem:v28+s12+$0x0] =	vst.idx.msk $0xffff, v23;
	v60 =	vld.idx.msk [tilespmem:v39+s12+$0x0], $0xffff  }
0x18e: {  	v40 =	vmov s24;
	v61 =	vmov s25;
	v20 =	vmul.f32 v20, v10;
	[tilespmem:v43+s12+$0x0] =	vst.idx.msk $0xffff, v25;
	v47 =	vld.idx.msk [tilespmem:v44+s12+$0x0], $0xffff  }
0x18f: {  	v43 =	vor.u32 v5, v34;
	v23 =	vshll.u32 v40, $0x7;
	v21 =	vmul.f32 v58, v18;
	v49 =	vld.idx.msk [tilespmem:v45+s12+$0x0], $0xffff  }
0x190: {  	v25 =	vshll.u32 v27, $0x7;
	v48 =	vor.u32 v0, v23;
	[tilespmem:v24+s12+$0x0] =	vst.idx.msk $0xffff, v20;
	v20 =	vld.idx.msk [tilespmem:v27+s21+$0x0], $0xffff  }
0x191: {  	v51 =	vor.u32 v0, v25;
	[tilespmem:v30+s12+$0x0] =	vst.idx.msk $0xffff, v21;
	v21 =	vld.idx.msk [tilespmem:v59+s21+$0x0], $0xffff  }
0x192: {  	v38 =	vld.idx.msk [tilespmem:v46+s12+$0x0], $0xffff  }
0x193: {  	v50 =	vor.u32 v5, v32;
	v30 =	vmul.f32 v41, v16;
	v62 =	vmul.f32 v22, v11;
	v22 =	vld.idx.msk [tilespmem:v61+s21+$0x0], $0xffff  }
0x194: {  	v53 =	vor.u32 v5, v33;
	v57 =	vor.u32 v3, v13;
	v28 =	vor.u32 v5, v13;
	v52 =	vld.idx.msk [tilespmem:v43+s12+$0x0], $0xffff  }
0x195: {  	v27 =	vshll.u32 v59, $0x7;
	v24 =	vmul.f32 v29, v14;
	v29 =	vshll.u32 v61, $0x7;
	[tilespmem:v63+s12+$0x0] =	vst.idx.msk $0xffff, v30;
	v54 =	vld.idx.msk [tilespmem:v48+s12+$0x0], $0xffff  }
0x196: {  	v55 =	vor.u32 v0, v29;
	v30 =	vmul.f32 v60, v8;
	[tilespmem:v36+s12+$0x0] =	vst.idx.msk $0xffff, v62;
	v63 =	vld.idx.msk [tilespmem:v51+s12+$0x0], $0xffff  }
0x197: {  	v41 =	vor.u32 v0, v27;
	[tilespmem:v26+s12+$0x0] =	vst.idx.msk $0xffff, v24;
	v60 =	vmul.f32 v47, v19;
	v24 =	vld.idx.msk [tilespmem:v40+s21+$0x0], $0xffff  }
0x198: {  	v47 =	vor.u32 v3, v17;
	v40 =	vmul.f32 v49, v9;
	v56 =	vld.idx.msk [tilespmem:v50+s12+$0x0], $0xffff;
	[tilespmem:v39+s12+$0x0] =	vst.idx.msk $0xffff, v30  }
0x199: {  	v59 =	vor.u32 v6, v34;
	v42 =	vld.idx.msk [tilespmem:v53+s12+$0x0], $0xffff;
	v38 =	vmul.f32 v38, v10;
	[tilespmem:v44+s12+$0x0] =	vst.idx.msk $0xffff, v60  }
0x19a: {  	v49 =	vor.u32 v3, v12;
	v39 =	vld.idx.msk [tilespmem:v57+s12+$0x0], $0xffff;
	[tilespmem:v45+s12+$0x0] =	vst.idx.msk $0xffff, v40;
	v61 =	vmul.f32 v52, v18  }
0x19b: {  	v58 =	vor.u32 v1, v23;
	v52 =	vld.idx.msk [tilespmem:v55+s12+$0x0], $0xffff;
	[tilespmem:v46+s12+$0x0] =	vst.idx.msk $0xffff, v38;
	v35 =	vmul.f32 v63, v20  }
0x19c: {  	v38 =	vor.u32 v1, v25;
	v37 =	vmul.f32 v54, v24;
	v54 =	vld.idx.msk [tilespmem:v41+s12+$0x0], $0xffff;
	[tilespmem:v43+s12+$0x0] =	vst.idx.msk $0xffff, v61  }
0x19d: {  	v30 =	vmul.f32 v56, v14;
	v56 =	vor.u32 v3, v15;
	v43 =	vld.idx.msk [tilespmem:v47+s12+$0x0], $0xffff;
	[tilespmem:v51+s12+$0x0] =	vst.idx.msk $0xffff, v35  }
0x19e: {  	v36 =	vor.u32 v1, v29;
	v60 =	vor.u32 v6, v32;
	v51 =	vld.idx.msk [tilespmem:v59+s12+$0x0], $0xffff;
	[tilespmem:v48+s12+$0x0] =	vst.idx.msk $0xffff, v37  }
0x19f: {  	v26 =	vor.u32 v5, v29;
	v46 =	vor.u32 v6, v33;
	[tilespmem:v50+s12+$0x0] =	vst.idx.msk $0xffff, v30;
	v50 =	vld.idx.msk [tilespmem:v49+s12+$0x0], $0xffff  }
0x1a0: {  	v44 =	vor.u32 v4, v13;
	v45 =	vor.u32 v1, v27;
	v35 =	vmul.f32 v42, v16;
	v48 =	vld.idx.msk [tilespmem:v58+s12+$0x0], $0xffff  }
0x1a1: {  	v30 =	vor.u32 v7, v33;
	v33 =	vor.u32 v7, v34;
	v34 =	vmul.f32 v39, v8;
	v61 =	vld.idx.msk [tilespmem:v38+s12+$0x0], $0xffff  }
0x1a2: {  	v42 =	vor.u32 v6, v31;
	v52 =	vmul.f32 v52, v22;
	[tilespmem:v53+s12+$0x0] =	vst.idx.msk $0xffff, v35;
	v39 =	vld.idx.msk [tilespmem:v56+s12+$0x0], $0xffff  }
0x1a3: {  	v63 =	vmul.f32 v54, v21;
	[tilespmem:v57+s12+$0x0] =	vst.idx.msk $0xffff, v34;
	v62 =	vmul.f32 v43, v10;
	v43 =	vld.idx.msk [tilespmem:v60+s12+$0x0], $0xffff  }
0x1a4: {  	v40 =	vor.u32 v4, v17;
	v37 =	vor.u32 v4, v12;
	[tilespmem:v55+s12+$0x0] =	vst.idx.msk $0xffff, v52;
	v52 =	vld.idx.msk [tilespmem:v46+s12+$0x0], $0xffff  }
0x1a5: {  	v35 =	vor.u32 v7, v32;
	v57 =	vld.idx.msk [tilespmem:v44+s12+$0x0], $0xffff;
	[tilespmem:v41+s12+$0x0] =	vst.idx.msk $0xffff, v63;
	v53 =	vmul.f32 v51, v18  }
0x1a6: {  	v32 =	vor.u32 v2, v23;
	v54 =	vld.idx.msk [tilespmem:v36+s12+$0x0], $0xffff;
	v50 =	vmul.f32 v50, v11;
	[tilespmem:v47+s12+$0x0] =	vst.idx.msk $0xffff, v62  }
0x1a7: {  	v34 =	vor.u32 v7, v31;
	v63 =	vmul.f32 v48, v24;
	[tilespmem:v59+s12+$0x0] =	vst.idx.msk $0xffff, v53;
	v53 =	vld.idx.msk [tilespmem:v45+s12+$0x0], $0xffff  }
0x1a8: {  	v55 =	vmul.f32 v61, v20;
	[tilespmem:v49+s12+$0x0] =	vst.idx.msk $0xffff, v50;
	v61 =	vmul.f32 v39, v9;
	v39 =	vld.idx.msk [tilespmem:v42+s12+$0x0], $0xffff  }
0x1a9: {  	v31 =	vor.u32 v5, v17;
	v51 =	vld.idx.msk [tilespmem:v40+s12+$0x0], $0xffff;
	[tilespmem:v58+s12+$0x0] =	vst.idx.msk $0xffff, v63;
	v62 =	vmul.f32 v43, v14  }
0x1aa: {  	v47 =	vor.u32 v2, v27;
	[tilespmem:v38+s12+$0x0] =	vst.idx.msk $0xffff, v55;
	v38 =	vor.u32 v4, v15;
	v50 =	vld.idx.msk [tilespmem:v37+s12+$0x0], $0xffff  }
0x1ab: {  	v55 =	vmul.f32 v52, v16;
	v43 =	vor.u32 v2, v29;
	v52 =	vld.idx.msk [tilespmem:v32+s12+$0x0], $0xffff;
	[tilespmem:v60+s12+$0x0] =	vst.idx.msk $0xffff, v62  }
0x1ac: {  	s24 =	simm.s32 $0xC;
	v41 =	vmul.f32 v57, v8;
	v54 =	vmul.f32 v54, v22;
	[tilespmem:v56+s12+$0x0] =	vst.idx.msk $0xffff, v61;
	v49 =	vld.idx.msk [tilespmem:v35+s12+$0x0], $0xffff  }
.LBB2_9:
0x1ad: {  	s4 =	sadd.s32 $0x1, s24;
	v48 =	vor.u32 v2, v25;
	v56 =	vmul.f32 v39, v19;
	[tilespmem:v46+s12+$0x0] =	vst.idx.msk $0xffff, v55  }
0x1ae: {  	s14 =	sadd.s32 $0x3, s24;
	v46 =	vld.idx.msk [tilespmem:v33+s12+$0x0], $0xffff;
	v39 =	vmovc v15;
	v15 =	vmovc v25;
	v55 =	vmov v12;
	v12 =	vmov v23;
	v57 =	vmov v17;
	s18 =	smov.u32 s24;
	s23 =	sadd.s32 $0x4, s24  }
0x1af: {  	p6 =	slt.u32 s24, $0x7C;
	v53 =	vmul.f32 v53, v21;
	v17 =	vmovc v27;
	v58 =	vmov s4;
	s4 =	sadd.s32 $0x2, s18;
	v59 =	vmov s14;
	[tilespmem:v44+s12+$0x0] =	vst.idx.msk $0xffff, v41;
	v44 =	vld.idx.msk [tilespmem:v38+s12+$0x0], $0xffff;
	v41 =	vmovc v13  }
0x1b0: {  	v51 =	vmul.f32 v51, v10;
	v13 =	vmovc v29;
	v25 =	vshll.u32 v58, $0x7;
	v60 =	vmov s4;
	[tilespmem:v42+s12+$0x0] =	vst.idx.msk $0xffff, v56;
	v42 =	vld.idx.msk [tilespmem:v30+s12+$0x0], $0xffff  }
0x1b1: {  	v56 =	vor.u32 v0, v25;
	v23 =	vshll.u32 v60, $0x7;
	[tilespmem:v36+s12+$0x0] =	vst.idx.msk $0xffff, v54;
	v29 =	vld.idx.msk [tilespmem:v34+s12+$0x0], $0xffff  }
0x1b2: {  	v27 =	vshll.u32 v59, $0x7;
	v49 =	vmul.f32 v49, v14;
	v14 =	vmovc v9;
	v54 =	vor.u32 v0, v23;
	v36 =	vld.idx.msk [tilespmem:v43+s12+$0x0], $0xffff  }
0x1b3: {  	v50 =	vmul.f32 v50, v11;
	v52 =	vmul.f32 v52, v24;
	v61 =	vld.idx.msk [tilespmem:v28+s12+$0x0], $0xffff;
	[tilespmem:v40+s12+$0x0] =	vst.idx.msk $0xffff, v51  }
0x1b4: {  	v9 =	vmov v20;
	v40 =	vld.idx.msk [tilespmem:v48+s12+$0x0], $0xffff;
	[tilespmem:v45+s12+$0x0] =	vst.idx.msk $0xffff, v53;
	v45 =	vmul.f32 v46, v18;
	v18 =	vmov v10  }
0x1b5: {  	v51 =	vor.u32 v5, v39;
	v44 =	vmul.f32 v44, v14;
	v46 =	vld.idx.msk [tilespmem:v47+s12+$0x0], $0xffff;
	[tilespmem:v37+s12+$0x0] =	vst.idx.msk $0xffff, v50  }
0x1b6: {  	v10 =	vmov v21;
	v37 =	vmul.f32 v42, v16;
	v16 =	vmov v11;
	v20 =	vld.idx.msk [tilespmem:v58+s21+$0x0], $0xffff;
	[tilespmem:v33+s12+$0x0] =	vst.idx.msk $0xffff, v45  }
0x1b7: {  	v33 =	vmov s18;
	v19 =	vmul.f32 v29, v19;
	v21 =	vld.idx.msk [tilespmem:v59+s21+$0x0], $0xffff;
	[tilespmem:v38+s12+$0x0] =	vst.idx.msk $0xffff, v44;
	v38 =	vor.u32 v5, v55  }
0x1b8: {  	v11 =	vmov v24;
	v29 =	vshll.u32 v33, $0x7;
	v36 =	vmul.f32 v36, v22;
	v42 =	vld.idx.msk [tilespmem:v31+s12+$0x0], $0xffff;
	[tilespmem:v35+s12+$0x0] =	vst.idx.msk $0xffff, v49  }
0x1b9: {  	v35 =	vor.u32 v0, v29;
	v24 =	vmul.f32 v61, v8;
	v44 =	vld.idx.msk [tilespmem:v54+s12+$0x0], $0xffff;
	[tilespmem:v30+s12+$0x0] =	vst.idx.msk $0xffff, v37  }
0x1ba: {  	v30 =	vor.u32 v5, v29;
	v37 =	vmul.f32 v40, v9;
	v40 =	vld.idx.msk [tilespmem:v51+s12+$0x0], $0xffff;
	[tilespmem:v34+s12+$0x0] =	vst.idx.msk $0xffff, v19  }
0x1bb: {  	v49 =	vor.u32 v3, v13;
	v45 =	vmul.f32 v46, v10;
	v34 =	vld.idx.msk [tilespmem:v56+s12+$0x0], $0xffff;
	[tilespmem:v28+s12+$0x0] =	vst.idx.msk $0xffff, v24  }
0x1bc: {  	v50 =	vor.u32 v3, v17;
	v19 =	vmovc v8;
	v8 =	vmovc v22;
	v28 =	vmov v26;
	v26 =	vmov v30;
	v24 =	vld.idx.msk [tilespmem:v60+s21+$0x0], $0xffff  }
0x1bd: {  	v53 =	vor.u32 v0, v27;
	v58 =	vor.u32 v3, v12;
	v22 =	vld.idx.msk [tilespmem:v33+s21+$0x0], $0xffff  }
0x1be: {  	v59 =	vor.u32 v1, v23;
	v30 =	vmul.f32 v42, v18;
	[tilespmem:v47+s12+$0x0] =	vst.idx.msk $0xffff, v45;
	v33 =	vld.idx.msk [tilespmem:v38+s12+$0x0], $0xffff  }
0x1bf: {  	v47 =	vor.u32 v1, v25;
	v42 =	vld.idx.msk [tilespmem:v35+s12+$0x0], $0xffff;
	[tilespmem:v43+s12+$0x0] =	vst.idx.msk $0xffff, v36;
	v43 =	vor.u32 v6, v57  }
0x1c0: {  	v36 =	vmul.f32 v40, v14;
	v45 =	vld.idx.msk [tilespmem:v49+s12+$0x0], $0xffff;
	[tilespmem:v31+s12+$0x0] =	vst.idx.msk $0xffff, v30  }
0x1c1: {  	v60 =	vor.u32 v3, v15;
	v31 =	vmul.f32 v34, v20;
	[tilespmem:v32+s12+$0x0] =	vst.idx.msk $0xffff, v52;
	v32 =	vld.idx.msk [tilespmem:v50+s12+$0x0], $0xffff  }
0x1c2: {  	v34 =	vmul.f32 v44, v24;
	v52 =	vor.u32 v6, v39;
	v40 =	vld.idx.msk [tilespmem:v53+s12+$0x0], $0xffff;
	[tilespmem:v51+s12+$0x0] =	vst.idx.msk $0xffff, v36  }
0x1c3: {  	v30 =	vor.u32 v7, v55;
	v36 =	vor.u32 v1, v29;
	v51 =	vld.idx.msk [tilespmem:v58+s12+$0x0], $0xffff  }
0x1c4: {  	v46 =	vor.u32 v6, v55;
	[tilespmem:v56+s12+$0x0] =	vst.idx.msk $0xffff, v31;
	v31 =	vmul.f32 v33, v16;
	v55 =	vld.idx.msk [tilespmem:v43+s12+$0x0], $0xffff  }
0x1c5: {  	v56 =	vmul.f32 v42, v22;
	v33 =	vor.u32 v7, v57;
	v61 =	vld.idx.msk [tilespmem:v47+s12+$0x0], $0xffff;
	[tilespmem:v48+s12+$0x0] =	vst.idx.msk $0xffff, v37  }
0x1c6: {  	v44 =	vor.u32 v4, v13;
	v37 =	vmul.f32 v45, v8;
	v48 =	vld.idx.msk [tilespmem:v60+s12+$0x0], $0xffff;
	[tilespmem:v38+s12+$0x0] =	vst.idx.msk $0xffff, v31  }
0x1c7: {  	v42 =	vor.u32 v6, v41;
	v31 =	vmul.f32 v32, v10;
	[tilespmem:v54+s12+$0x0] =	vst.idx.msk $0xffff, v34;
	v38 =	vld.idx.msk [tilespmem:v52+s12+$0x0], $0xffff  }
0x1c8: {  	v45 =	vor.u32 v1, v27;
	v32 =	vmul.f32 v40, v21;
	v54 =	vld.idx.msk [tilespmem:v59+s12+$0x0], $0xffff;
	[tilespmem:v49+s12+$0x0] =	vst.idx.msk $0xffff, v37  }
0x1c9: {  	v40 =	vor.u32 v4, v17;
	v49 =	vmul.f32 v51, v11;
	[tilespmem:v35+s12+$0x0] =	vst.idx.msk $0xffff, v56;
	v56 =	vld.idx.msk [tilespmem:v46+s12+$0x0], $0xffff  }
0x1ca: {  	v37 =	vor.u32 v4, v12;
	v34 =	vmul.f32 v55, v18;
	v57 =	vld.idx.msk [tilespmem:v36+s12+$0x0], $0xffff;
	[tilespmem:v53+s12+$0x0] =	vst.idx.msk $0xffff, v32  }
0x1cb: {  	v35 =	vor.u32 v7, v39;
	v51 =	vmul.f32 v61, v20;
	v61 =	vld.idx.msk [tilespmem:v44+s12+$0x0], $0xffff;
	[tilespmem:v50+s12+$0x0] =	vst.idx.msk $0xffff, v31  }
0x1cc: {  	v32 =	vor.u32 v2, v23;
	v48 =	vmul.f32 v48, v9;
	v39 =	vld.idx.msk [tilespmem:v42+s12+$0x0], $0xffff;
	[tilespmem:v43+s12+$0x0] =	vst.idx.msk $0xffff, v34  }
.Ltmp5:
0x1cd: {  	v34 =	vor.u32 v7, v41;
	v41 =	vmul.f32 v38, v14;
	[tilespmem:v47+s12+$0x0] =	vst.idx.msk $0xffff, v51;
	v53 =	vld.idx.msk [tilespmem:v45+s12+$0x0], $0xffff;
	(pc) =	sbr.rel @p6 .LBB2_9-.Ltmp5, $4  }
0x1ce: {  	v38 =	vor.u32 v4, v15;
	v43 =	vmul.f32 v54, v24;
	[tilespmem:v58+s12+$0x0] =	vst.idx.msk $0xffff, v49;
	v51 =	vld.idx.msk [tilespmem:v40+s12+$0x0], $0xffff  }
0x1cf: {  	v31 =	vor.u32 v5, v17;
	v55 =	vmul.f32 v56, v16;
	v50 =	vld.idx.msk [tilespmem:v37+s12+$0x0], $0xffff;
	[tilespmem:v52+s12+$0x0] =	vst.idx.msk $0xffff, v41  }
0x1d0: {  	v47 =	vor.u32 v2, v27;
	v54 =	vmul.f32 v57, v22;
	[tilespmem:v59+s12+$0x0] =	vst.idx.msk $0xffff, v43;
	v49 =	vld.idx.msk [tilespmem:v35+s12+$0x0], $0xffff  }
0x1d1: {  	s24 =	smov.u32 s23;
	v43 =	vor.u32 v2, v29;
	v41 =	vmul.f32 v61, v8;
	v52 =	vld.idx.msk [tilespmem:v32+s12+$0x0], $0xffff;
	[tilespmem:v60+s12+$0x0] =	vst.idx.msk $0xffff, v48  }
0x1d2: {  	_ =	sdelay $0x2  }
0x1d3: {  	v48 =	vor.u32 v2, v25;
	v53 =	vmul.f32 v53, v21  }
0x1d4: {  	[tilespmem:v36+s12+$0x0] =	vst.idx.msk $0xffff, v54  }
0x1d5: {  	v36 =	vld.idx.msk [tilespmem:v43+s12+$0x0], $0xffff;
	[tilespmem:v45+s12+$0x0] =	vst.idx.msk $0xffff, v53  }
0x1d6: {  	v45 =	vld.idx.msk [tilespmem:v47+s12+$0x0], $0xffff  }
0x1d7: {  	[tilespmem:v46+s12+$0x0] =	vst.idx.msk $0xffff, v55;
	v46 =	vor.u32 v3, v23  }
0x1d8: {  	[tilespmem:v44+s12+$0x0] =	vst.idx.msk $0xffff, v41;
	v44 =	vor.u32 v3, v29;
	v62 =	vld.idx.msk [tilespmem:v48+s12+$0x0], $0xffff  }
0x1d9: {  	v54 =	vor.u32 v3, v27;
	v52 =	vmul.f32 v52, v24  }
0x1da: {  	v36 =	vmul.f32 v36, v22  }
0x1db: {  	v56 =	vor.u32 v3, v25;
	v57 =	vld.idx.msk [tilespmem:v33+s12+$0x0], $0xffff;
	[tilespmem:v32+s12+$0x0] =	vst.idx.msk $0xffff, v52;
	v45 =	vmul.f32 v45, v21  }
0x1dc: {  	v39 =	vmul.f32 v39, v19;
	v60 =	vld.idx.msk [tilespmem:v46+s12+$0x0], $0xffff;
	[tilespmem:v43+s12+$0x0] =	vst.idx.msk $0xffff, v36  }
0x1dd: {  	v63 =	vmul.f32 v62, v20;
	[tilespmem:v47+s12+$0x0] =	vst.idx.msk $0xffff, v45;
	v62 =	vld.idx.msk [tilespmem:v44+s12+$0x0], $0xffff  }
0x1de: {  	v59 =	vmul.f32 v51, v10;
	[tilespmem:v42+s12+$0x0] =	vst.idx.msk $0xffff, v39;
	v45 =	vld.idx.msk [tilespmem:v54+s12+$0x0], $0xffff  }
0x1df: {  	v61 =	vmul.f32 v50, v11;
	[tilespmem:v48+s12+$0x0] =	vst.idx.msk $0xffff, v63;
	v63 =	vld.idx.msk [tilespmem:v38+s12+$0x0], $0xffff  }
0x1e0: {  	v39 =	vor.u32 v4, v23;
	[tilespmem:v40+s12+$0x0] =	vst.idx.msk $0xffff, v59;
	v18 =	vmul.f32 v57, v18;
	v58 =	vld.idx.msk [tilespmem:v56+s12+$0x0], $0xffff  }
0x1e1: {  	[tilespmem:v37+s12+$0x0] =	vst.idx.msk $0xffff, v61;
	v43 =	vor.u32 v4, v27;
	v36 =	vmul.f32 v60, v24  }
0x1e2: {  	[tilespmem:v33+s12+$0x0] =	vst.idx.msk $0xffff, v18;
	v18 =	vor.u32 v4, v29;
	v42 =	vmul.f32 v62, v22  }
0x1e3: {  	v50 =	vld.idx.msk [tilespmem:v30+s12+$0x0], $0xffff;
	v37 =	vor.u32 v5, v15;
	[tilespmem:v46+s12+$0x0] =	vst.idx.msk $0xffff, v36;
	v48 =	vmul.f32 v45, v21  }
0x1e4: {  	v40 =	vor.u32 v4, v25;
	v51 =	vld.idx.msk [tilespmem:v34+s12+$0x0], $0xffff;
	v53 =	vmul.f32 v63, v9;
	[tilespmem:v44+s12+$0x0] =	vst.idx.msk $0xffff, v42  }
0x1e5: {  	v55 =	vld.idx.msk [tilespmem:v39+s12+$0x0], $0xffff;
	v32 =	vmul.f32 v58, v20;
	[tilespmem:v54+s12+$0x0] =	vst.idx.msk $0xffff, v48  }
0x1e6: {  	v14 =	vmul.f32 v49, v14;
	v52 =	vld.idx.msk [tilespmem:v43+s12+$0x0], $0xffff;
	[tilespmem:v38+s12+$0x0] =	vst.idx.msk $0xffff, v53  }
0x1e7: {  	[tilespmem:v56+s12+$0x0] =	vst.idx.msk $0xffff, v32;
	v56 =	vld.idx.msk [tilespmem:v18+s12+$0x0], $0xffff  }
0x1e8: {  	[tilespmem:v35+s12+$0x0] =	vst.idx.msk $0xffff, v14;
	v35 =	vor.u32 v5, v23;
	v59 =	vld.idx.msk [tilespmem:v37+s12+$0x0], $0xffff  }
0x1e9: {  	v16 =	vmul.f32 v50, v16;
	v47 =	vor.u32 v5, v12;
	v54 =	vld.idx.msk [tilespmem:v40+s12+$0x0], $0xffff  }
0x1ea: {  	v58 =	vld.idx.msk [tilespmem:v31+s12+$0x0], $0xffff;
	v38 =	vor.u32 v5, v27;
	v42 =	vmul.f32 v55, v24  }
0x1eb: {  	v14 =	vor.u32 v5, v25;
	[tilespmem:v30+s12+$0x0] =	vst.idx.msk $0xffff, v16;
	v60 =	vmul.f32 v52, v21  }
0x1ec: {  	v57 =	vmul.f32 v51, v19;
	v63 =	vld.idx.msk [tilespmem:v28+s12+$0x0], $0xffff;
	[tilespmem:v39+s12+$0x0] =	vst.idx.msk $0xffff, v42;
	v32 =	vmul.f32 v56, v22  }
0x1ed: {  	v45 =	vor.u32 v6, v17;
	v51 =	vld.idx.msk [tilespmem:v35+s12+$0x0], $0xffff;
	v16 =	vmul.f32 v59, v9;
	[tilespmem:v43+s12+$0x0] =	vst.idx.msk $0xffff, v60  }
0x1ee: {  	v46 =	vor.u32 v6, v15;
	v61 =	vld.idx.msk [tilespmem:v47+s12+$0x0], $0xffff;
	v62 =	vmul.f32 v54, v20;
	[tilespmem:v18+s12+$0x0] =	vst.idx.msk $0xffff, v32  }
0x1ef: {  	v50 =	vor.u32 v6, v13;
	v33 =	vmul.f32 v58, v10;
	v48 =	vld.idx.msk [tilespmem:v38+s12+$0x0], $0xffff;
	[tilespmem:v37+s12+$0x0] =	vst.idx.msk $0xffff, v16  }
0x1f0: {  	v37 =	vor.u32 v6, v23;
	[tilespmem:v40+s12+$0x0] =	vst.idx.msk $0xffff, v62;
	v52 =	vld.idx.msk [tilespmem:v26+s12+$0x0], $0xffff  }
0x1f1: {  	v53 =	vmul.f32 v63, v8;
	[tilespmem:v31+s12+$0x0] =	vst.idx.msk $0xffff, v33;
	v40 =	vor.u32 v6, v12;
	v49 =	vld.idx.msk [tilespmem:v14+s12+$0x0], $0xffff  }
0x1f2: {  	[tilespmem:v34+s12+$0x0] =	vst.idx.msk $0xffff, v57;
	v54 =	vld.idx.msk [tilespmem:v45+s12+$0x0], $0xffff;
	v32 =	vor.u32 v6, v27;
	v18 =	vmul.f32 v51, v24  }
0x1f3: {  	v19 =	vmul.f32 v61, v11;
	[tilespmem:v28+s12+$0x0] =	vst.idx.msk $0xffff, v53;
	v59 =	vor.u32 v6, v29;
	v56 =	vld.idx.msk [tilespmem:v46+s12+$0x0], $0xffff  }
0x1f4: {  	v55 =	vor.u32 v6, v25;
	v60 =	vld.idx.msk [tilespmem:v50+s12+$0x0], $0xffff;
	[tilespmem:v35+s12+$0x0] =	vst.idx.msk $0xffff, v18;
	v34 =	vmul.f32 v48, v21  }
0x1f5: {  	[tilespmem:v47+s12+$0x0] =	vst.idx.msk $0xffff, v19;
	v35 =	vld.idx.msk [tilespmem:v37+s12+$0x0], $0xffff;
	v31 =	vmul.f32 v52, v22  }
0x1f6: {  	v17 =	vor.u32 v7, v17;
	v57 =	vld.idx.msk [tilespmem:v40+s12+$0x0], $0xffff;
	v58 =	vmul.f32 v49, v20;
	[tilespmem:v38+s12+$0x0] =	vst.idx.msk $0xffff, v34  }
0x1f7: {  	v61 =	vor.u32 v7, v15;
	v16 =	vmul.f32 v54, v10;
	v62 =	vld.idx.msk [tilespmem:v32+s12+$0x0], $0xffff;
	[tilespmem:v26+s12+$0x0] =	vst.idx.msk $0xffff, v31  }
0x1f8: {  	v19 =	vmul.f32 v56, v9;
	v34 =	vor.u32 v7, v13;
	[tilespmem:v14+s12+$0x0] =	vst.idx.msk $0xffff, v58;
	v44 =	vld.idx.msk [tilespmem:v59+s12+$0x0], $0xffff  }
0x1f9: {  	v63 =	vor.u32 v7, v12;
	[tilespmem:v45+s12+$0x0] =	vst.idx.msk $0xffff, v16;
	v45 =	vmul.f32 v60, v8;
	v33 =	vld.idx.msk [tilespmem:v55+s12+$0x0], $0xffff  }
0x1fa: {  	v49 =	vor.u32 v7, v23;
	[tilespmem:v46+s12+$0x0] =	vst.idx.msk $0xffff, v19;
	v53 =	vmul.f32 v35, v24  }
0x1fb: {  	v41 =	vor.u32 v7, v27;
	v46 =	vld.idx.msk [tilespmem:v17+s12+$0x0], $0xffff;
	[tilespmem:v50+s12+$0x0] =	vst.idx.msk $0xffff, v45;
	v38 =	vmul.f32 v57, v11  }
0x1fc: {  	v51 =	vor.u32 v7, v29;
	v48 =	vld.idx.msk [tilespmem:v61+s12+$0x0], $0xffff;
	[tilespmem:v37+s12+$0x0] =	vst.idx.msk $0xffff, v53;
	v14 =	vmul.f32 v62, v21  }
0x1fd: {  	v47 =	vor.u32 v7, v25;
	v52 =	vld.idx.msk [tilespmem:v34+s12+$0x0], $0xffff;
	[tilespmem:v40+s12+$0x0] =	vst.idx.msk $0xffff, v38;
	v54 =	vmul.f32 v44, v22  }
0x1fe: {  	v50 =	vld.idx.msk [tilespmem:v63+s12+$0x0], $0xffff;
	v18 =	vmul.f32 v33, v20;
	[tilespmem:v32+s12+$0x0] =	vst.idx.msk $0xffff, v14  }
0x1ff: {  	v14 =	vld.idx.msk [tilespmem:v49+s12+$0x0], $0xffff;
	[tilespmem:v59+s12+$0x0] =	vst.idx.msk $0xffff, v54  }
0x200: {  	v56 =	vmul.f32 v46, v10;
	[tilespmem:v55+s12+$0x0] =	vst.idx.msk $0xffff, v18;
	v55 =	vld.idx.msk [tilespmem:v41+s12+$0x0], $0xffff  }
0x201: {  	v58 =	vmul.f32 v48, v9;
	v60 =	vld.idx.msk [tilespmem:v51+s12+$0x0], $0xffff  }
0x202: {  	[tilespmem:v17+s12+$0x0] =	vst.idx.msk $0xffff, v56;
	v8 =	vmul.f32 v52, v8;
	v57 =	vld.idx.msk [tilespmem:v47+s12+$0x0], $0xffff  }
0x203: {  	[tilespmem:v61+s12+$0x0] =	vst.idx.msk $0xffff, v58;
	v59 =	vmul.f32 v50, v11  }
0x204: {  	[tilespmem:v34+s12+$0x0] =	vst.idx.msk $0xffff, v8;
	v62 =	vmul.f32 v14, v24  }
0x205: {  	[tilespmem:v63+s12+$0x0] =	vst.idx.msk $0xffff, v59;
	v61 =	vmul.f32 v55, v21  }
0x206: {  	v63 =	vmul.f32 v60, v22;
	[tilespmem:v49+s12+$0x0] =	vst.idx.msk $0xffff, v62  }
0x207: {  	s19 =	sadd.s32 $0x1, s19;
	v8 =	vmul.f32 v57, v20;
	[tilespmem:v41+s12+$0x0] =	vst.idx.msk $0xffff, v61  }
0x208: {  	p5 =	sne.s32 s19, $0x27;
	[tilespmem:v51+s12+$0x0] =	vst.idx.msk $0xffff, v63  }
.Ltmp6:
0x209: {  	[tilespmem:v47+s12+$0x0] =	vst.idx.msk $0xffff, v8;
	(pc) =	sbr.rel @p5 .LBB2_2-.Ltmp6, $4  }
0x20a: {  	[spmem:s3] =	stream.indirect.scatter.add.f32 [tilespmem:s12], [sflag:$0x3], $0x80, s20, s29, $0xb8;
	[tilespmem:$0x1EE00] =	vst v63  }
0x20b: {  	_ =	swait.ge [sflag:s28], $0x4000  }
0x20c: {  	[sflag:s28] =	ssyncset.done $0x0  }
0x20d: {  	[sflag:s28] =	ssyncadd.s32 $0xFFFFC000  }
0x20e: {  	s4 =	sld [smem:$0x7FD];
	_ =	sdelay $0x2  }
0x20f: {  	p5 =	seq.s32 s4, $0x1  }
.Ltmp7:
0x210: {  	_ = 	snop;
	(pc) =	sbr.rel @p5 .LBB2_17-.Ltmp7, $3  }
0x211: {  	_ =	sdelay $0x1  }
0x212: {  	s23 =	rddreg [dreg:$0xb]  }
0x213: {  	s16 =	rddreg [dreg:$0x13]  }
0x214: {  	s4 =	rddreg [dreg:$0xd]  }
0x215: {  	[tilespmem:s5], [sflag:$0x3] =	stream.linear.gather [hbm4b:s4+s5], $0x80, $0x38;
	[tilespmem:$0x1EE00] =	vst v63  }
0x216: {  	_ =	swait.ge [sflag:s28], $0x80  }
0x217: {  	[sflag:s28] =	ssyncset.done $0x0  }
0x218: {  	s19 =	rddreg [dreg:$0xe];
	[sflag:s28] =	ssyncadd.s32 $0xFFFFFF80  }
0x219: {  	[tilespmem:s29], [sflag:$0x3] =	stream.linear.gather [hbm4b:s19+s5], $0x80, $0x38;
	[tilespmem:$0x1EE00] =	vst v63  }
0x21a: {  	_ =	swait.ge [sflag:s28], $0x80  }
0x21b: {  	[sflag:s28] =	ssyncset.done $0x0  }
0x21c: {  	s24 =	rddreg [dreg:$0xf];
	[sflag:s28] =	ssyncadd.s32 $0xFFFFFF80  }
0x21d: {  	[tilespmem:s30], [sflag:$0x3] =	stream.linear.gather [hbm4b:s24+s5], $0x80, $0x38;
	[tilespmem:$0x1EE00] =	vst v63  }
0x21e: {  	s25 =	sadd.s32 $0x0, s26;
	_ =	swait.ge [sflag:s28], $0x80  }
0x21f: {  	s14 =	simm.s32 @!p4 $0x0;
	v8 =	vmov s25;
	[sflag:s28] =	ssyncset.done $0x0  }
0x220: {  	s16 =	simm.s32 @!p4 $0x380;
	s4 =	simm.s32 @!p4 $0x80;
	[sflag:s28] =	ssyncadd.s32 $0xFFFFFF80  }
0x221: {  	[tilespmem:s16], [sflag:$0x1] =	stream.indirect.gather @!p4 [hbm4b:s7+s4], $0x80, s14, s4, $0xb8;
	[tilespmem:$0x1EE00] =	vst v63  }
0x222: {  	s4 =	simm.s32 @p0 $0x80;
	s14 =	simm.s32 @p0 $0x0;
	s16 =	simm.s32 @p0 $0x380  }
0x223: {  	[tilespmem:s16], [sflag:$0x1] =	stream.indirect.gather @p0 [hbm4b:s8+s4], $0x80, s14, s4, $0xb8;
	[tilespmem:$0x1EE00] =	vst v63  }
0x224: {  	v8 =	vld.idx.msk [tilespmem:v8+s29+$0x0], $0xffff;
	_ =	sdelay $0x7  }
0x225: {  	v9 =	vld.idx.msk [tilespmem:v8+s31+$0x0], $0xffff;
	_ =	sdelay $0x1  }
0x226: {  	s17 =	sadd.s32 $0x1, s26;
	s16 =	simm.s32 $0x2  }
.LBB2_13:
0x227: {  	p6 =	sne.s32 s16, $0x3F;
	v10 =	vmov s17;
	_ =	sdelay $0x1  }
0x228: {  	v9 =	vadd.f32 $1.000000000e+00, v9;
	_ =	sdelay $0x1  }
0x229: {  	[tilespmem:v8+s31+$0x0] =	vst.idx.msk $0xffff, v9  }
0x22a: {  	v8 =	vld.idx.msk [tilespmem:v10+s29+$0x0], $0xffff;
	_ =	sdelay $0x6  }
.Ltmp8:
0x22b: {  	(pc) =	sbr.rel @p6 .LBB2_13-.Ltmp8, $2  }
0x22c: {  	v9 =	vld.idx.msk [tilespmem:v8+s31+$0x0], $0xffff;
	_ =	sdelay $0x2  }
0x22d: {  	s17 =	sadd.s32 s16, s26;
	s16 =	sadd.s32 $0x1, s16  }
0x22e: {  	v10 =	vmov s17;
	_ =	sdelay $0x1  }
0x22f: {  	v9 =	vadd.f32 $1.000000000e+00, v9;
	_ =	sdelay $0x1  }
0x230: {  	[tilespmem:v8+s31+$0x0] =	vst.idx.msk $0xffff, v9  }
0x231: {  	v8 =	vld.idx.msk [tilespmem:v10+s29+$0x0], $0xffff;
	_ =	sdelay $0x7  }
0x232: {  	v9 =	vld.idx.msk [tilespmem:v8+s31+$0x0], $0xffff;
	_ =	sdelay $0x4  }
0x233: {  	s4 =	simm.s32 $0x1;
	v9 =	vadd.f32 $1.000000000e+00, v9  }
0x234: {  	s14 =	simm.s32 $0x2;
	v10 =	vmov s4  }
0x235: {  	s16 =	simm.s32 $0x3;
	v11 =	vmov s14;
	[tilespmem:v8+s31+$0x0] =	vst.idx.msk $0xffff, v9  }
0x236: {  	v33 =	vshll.u32 v11, $0x7;
	v8 =	vmov s16;
	_ =	swait.ge [sflag:s22], $0x4000  }
0x237: {  	s18 =	simm.s32 $0x0;
	v9 =	vor.u32 v0, v33;
	[sflag:s22] =	ssyncset.done $0x0  }
0x238: {  	v12 =	vmov s18;
	v34 =	vshll.u32 v8, $0x7;
	[sflag:s22] =	ssyncadd.s32 $0xFFFFC000  }
0x239: {  	v32 =	vshll.u32 v10, $0x7;
	v15 =	vor.u32 v0, v34;
	v14 =	vld.idx.msk [tilespmem:v10+s30+$0x0], $0xffff  }
0x23a: {  	v31 =	vshll.u32 v12, $0x7;
	v13 =	vor.u32 v0, v32;
	v16 =	vld.idx.msk [tilespmem:v11+s30+$0x0], $0xffff  }
0x23b: {  	v10 =	vor.u32 v0, v31;
	v18 =	vld.idx.msk [tilespmem:v8+s30+$0x0], $0xffff  }
0x23c: {  	v8 =	vld.idx.msk [tilespmem:v9+s6+$0x0], $0xffff  }
0x23d: {  	v19 =	vld.idx.msk [tilespmem:v12+s30+$0x0], $0xffff  }
0x23e: {  	v20 =	vld.idx.msk [tilespmem:v15+s6+$0x0], $0xffff  }
0x23f: {  	v12 =	vld.idx.msk [tilespmem:v13+s6+$0x0], $0xffff  }
0x240: {  	v17 =	vor.u32 v1, v33;
	v11 =	vld.idx.msk [tilespmem:v10+s6+$0x0], $0xffff  }
0x241: {  	v23 =	vor.u32 v1, v34;
	v8 =	vmul.f32 v8, v16  }
0x242: {  	v22 =	vor.u32 v1, v32  }
0x243: {  	v21 =	vor.u32 v1, v31;
	[tilespmem:v9+s6+$0x0] =	vst.idx.msk $0xffff, v8;
	v9 =	vmul.f32 v20, v18  }
0x244: {  	v12 =	vmul.f32 v12, v14  }
0x245: {  	v8 =	vld.idx.msk [tilespmem:v17+s6+$0x0], $0xffff;
	v11 =	vmul.f32 v11, v19;
	[tilespmem:v15+s6+$0x0] =	vst.idx.msk $0xffff, v9  }
0x246: {  	[tilespmem:v13+s6+$0x0] =	vst.idx.msk $0xffff, v12;
	v9 =	vld.idx.msk [tilespmem:v23+s6+$0x0], $0xffff  }
0x247: {  	[tilespmem:v10+s6+$0x0] =	vst.idx.msk $0xffff, v11;
	v11 =	vld.idx.msk [tilespmem:v22+s6+$0x0], $0xffff  }
0x248: {  	v20 =	vor.u32 v2, v33;
	v10 =	vld.idx.msk [tilespmem:v21+s6+$0x0], $0xffff  }
0x249: {  	v26 =	vor.u32 v2, v34  }
0x24a: {  	v25 =	vor.u32 v2, v32;
	v8 =	vmul.f32 v8, v16  }
0x24b: {  	s19 =	simm.s32 $0x5;
	v24 =	vor.u32 v2, v31;
	v9 =	vmul.f32 v9, v18  }
0x24c: {  	s24 =	simm.s32 $0x6;
	s25 =	simm.s32 $0x7;
	[tilespmem:v17+s6+$0x0] =	vst.idx.msk $0xffff, v8;
	v8 =	vmov s19;
	v11 =	vmul.f32 v11, v14  }
0x24d: {  	s17 =	simm.s32 $0x4;
	v27 =	vmov s24;
	v17 =	vmov s25;
	v28 =	vld.idx.msk [tilespmem:v20+s6+$0x0], $0xffff;
	v10 =	vmul.f32 v10, v19;
	[tilespmem:v23+s6+$0x0] =	vst.idx.msk $0xffff, v9  }
0x24e: {  	v12 =	vshll.u32 v27, $0x7;
	v23 =	vmov s17;
	[tilespmem:v22+s6+$0x0] =	vst.idx.msk $0xffff, v11;
	v29 =	vld.idx.msk [tilespmem:v26+s6+$0x0], $0xffff  }
0x24f: {  	[tilespmem:v21+s6+$0x0] =	vst.idx.msk $0xffff, v10;
	v21 =	vor.u32 v0, v12;
	v22 =	vld.idx.msk [tilespmem:v25+s6+$0x0], $0xffff  }
0x250: {  	v15 =	vshll.u32 v8, $0x7;
	v11 =	vld.idx.msk [tilespmem:v24+s6+$0x0], $0xffff  }
0x251: {  	v36 =	vor.u32 v0, v15;
	v13 =	vshll.u32 v23, $0x7;
	v9 =	vld.idx.msk [tilespmem:v8+s30+$0x0], $0xffff  }
0x252: {  	v30 =	vor.u32 v0, v13;
	v10 =	vld.idx.msk [tilespmem:v17+s30+$0x0], $0xffff  }
0x253: {  	v35 =	vor.u32 v3, v31;
	v8 =	vld.idx.msk [tilespmem:v23+s30+$0x0], $0xffff  }
0x254: {  	v17 =	vshll.u32 v17, $0x7;
	v23 =	vor.u32 v3, v33;
	v37 =	vld.idx.msk [tilespmem:v21+s6+$0x0], $0xffff  }
0x255: {  	v38 =	vmul.f32 v11, v19;
	v11 =	vld.idx.msk [tilespmem:v27+s30+$0x0], $0xffff;
	v27 =	vor.u32 v0, v17  }
0x256: {  	v39 =	vor.u32 v3, v34;
	v28 =	vmul.f32 v28, v16;
	v41 =	vld.idx.msk [tilespmem:v36+s6+$0x0], $0xffff  }
0x257: {  	v40 =	vld.idx.msk [tilespmem:v30+s6+$0x0], $0xffff;
	[tilespmem:v24+s6+$0x0] =	vst.idx.msk $0xffff, v38  }
0x258: {  	[tilespmem:v20+s6+$0x0] =	vst.idx.msk $0xffff, v28;
	v24 =	vmul.f32 v29, v18;
	v29 =	vor.u32 v1, v12;
	v38 =	vld.idx.msk [tilespmem:v35+s6+$0x0], $0xffff  }
0x259: {  	v42 =	vor.u32 v3, v32;
	v22 =	vmul.f32 v22, v14;
	v44 =	vld.idx.msk [tilespmem:v23+s6+$0x0], $0xffff  }
0x25a: {  	v61 =	vor.u32 v1, v13;
	[tilespmem:v26+s6+$0x0] =	vst.idx.msk $0xffff, v24;
	v24 =	vmul.f32 v37, v11;
	v26 =	vld.idx.msk [tilespmem:v27+s6+$0x0], $0xffff  }
0x25b: {  	v28 =	vor.u32 v4, v31;
	[tilespmem:v25+s6+$0x0] =	vst.idx.msk $0xffff, v22;
	v25 =	vmul.f32 v41, v9;
	v20 =	vld.idx.msk [tilespmem:v39+s6+$0x0], $0xffff  }
0x25c: {  	v43 =	vor.u32 v1, v15;
	v40 =	vmul.f32 v40, v8;
	[tilespmem:v21+s6+$0x0] =	vst.idx.msk $0xffff, v24  }
0x25d: {  	v63 =	vor.u32 v4, v33;
	[tilespmem:v36+s6+$0x0] =	vst.idx.msk $0xffff, v25;
	v21 =	vmul.f32 v38, v19;
	v22 =	vld.idx.msk [tilespmem:v29+s6+$0x0], $0xffff  }
0x25e: {  	v62 =	vld.idx.msk [tilespmem:v42+s6+$0x0], $0xffff;
	[tilespmem:v30+s6+$0x0] =	vst.idx.msk $0xffff, v40;
	v24 =	vor.u32 v1, v17;
	v57 =	vmul.f32 v44, v16  }
0x25f: {  	v30 =	vor.u32 v4, v34;
	v26 =	vmul.f32 v26, v10;
	[tilespmem:v35+s6+$0x0] =	vst.idx.msk $0xffff, v21;
	v21 =	vld.idx.msk [tilespmem:v61+s6+$0x0], $0xffff  }
0x260: {  	v36 =	vor.u32 v2, v12;
	[tilespmem:v23+s6+$0x0] =	vst.idx.msk $0xffff, v57;
	v20 =	vmul.f32 v20, v18;
	v25 =	vld.idx.msk [tilespmem:v28+s6+$0x0], $0xffff  }
0x261: {  	v56 =	vld.idx.msk [tilespmem:v43+s6+$0x0], $0xffff;
	[tilespmem:v27+s6+$0x0] =	vst.idx.msk $0xffff, v26;
	v26 =	vor.u32 v4, v32  }
0x262: {  	v41 =	vld.idx.msk [tilespmem:v63+s6+$0x0], $0xffff;
	[tilespmem:v39+s6+$0x0] =	vst.idx.msk $0xffff, v20;
	v39 =	vor.u32 v2, v13;
	v22 =	vmul.f32 v22, v11  }
0x263: {  	v44 =	vor.u32 v5, v31;
	v27 =	vmul.f32 v62, v14;
	v20 =	vld.idx.msk [tilespmem:v24+s6+$0x0], $0xffff  }
0x264: {  	s18 =	simm.s32 $0x9;
	v45 =	vor.u32 v2, v15;
	v58 =	vld.idx.msk [tilespmem:v30+s6+$0x0], $0xffff;
	v21 =	vmul.f32 v21, v8;
	[tilespmem:v29+s6+$0x0] =	vst.idx.msk $0xffff, v22  }
0x265: {  	s19 =	simm.s32 $0xB;
	[tilespmem:v42+s6+$0x0] =	vst.idx.msk $0xffff, v27;
	v27 =	vmov s18;
	v22 =	vld.idx.msk [tilespmem:v36+s6+$0x0], $0xffff;
	v23 =	vmul.f32 v25, v19  }
0x266: {  	v59 =	vmov s19;
	v25 =	vmul.f32 v56, v9;
	v29 =	vld.idx.msk [tilespmem:v26+s6+$0x0], $0xffff;
	[tilespmem:v61+s6+$0x0] =	vst.idx.msk $0xffff, v21  }
0x267: {  	s24 =	simm.s32 $0xA;
	s25 =	simm.s32 $0x8;
	v46 =	vor.u32 v2, v17;
	[tilespmem:v28+s6+$0x0] =	vst.idx.msk $0xffff, v23;
	v60 =	vld.idx.msk [tilespmem:v39+s6+$0x0], $0xffff  }
0x268: {  	v40 =	vmov s24;
	v61 =	vmov s25;
	v20 =	vmul.f32 v20, v10;
	[tilespmem:v43+s6+$0x0] =	vst.idx.msk $0xffff, v25;
	v47 =	vld.idx.msk [tilespmem:v44+s6+$0x0], $0xffff  }
0x269: {  	v43 =	vor.u32 v5, v34;
	v23 =	vshll.u32 v40, $0x7;
	v21 =	vmul.f32 v58, v18;
	v49 =	vld.idx.msk [tilespmem:v45+s6+$0x0], $0xffff  }
0x26a: {  	v25 =	vshll.u32 v27, $0x7;
	v48 =	vor.u32 v0, v23;
	[tilespmem:v24+s6+$0x0] =	vst.idx.msk $0xffff, v20;
	v20 =	vld.idx.msk [tilespmem:v27+s30+$0x0], $0xffff  }
0x26b: {  	v51 =	vor.u32 v0, v25;
	[tilespmem:v30+s6+$0x0] =	vst.idx.msk $0xffff, v21;
	v21 =	vld.idx.msk [tilespmem:v59+s30+$0x0], $0xffff  }
0x26c: {  	v38 =	vld.idx.msk [tilespmem:v46+s6+$0x0], $0xffff  }
0x26d: {  	v50 =	vor.u32 v5, v32;
	v30 =	vmul.f32 v41, v16;
	v62 =	vmul.f32 v22, v11;
	v22 =	vld.idx.msk [tilespmem:v61+s30+$0x0], $0xffff  }
0x26e: {  	v53 =	vor.u32 v5, v33;
	v57 =	vor.u32 v3, v13;
	v28 =	vor.u32 v5, v13;
	v52 =	vld.idx.msk [tilespmem:v43+s6+$0x0], $0xffff  }
0x26f: {  	v27 =	vshll.u32 v59, $0x7;
	v24 =	vmul.f32 v29, v14;
	v29 =	vshll.u32 v61, $0x7;
	[tilespmem:v63+s6+$0x0] =	vst.idx.msk $0xffff, v30;
	v54 =	vld.idx.msk [tilespmem:v48+s6+$0x0], $0xffff  }
0x270: {  	v55 =	vor.u32 v0, v29;
	v30 =	vmul.f32 v60, v8;
	[tilespmem:v36+s6+$0x0] =	vst.idx.msk $0xffff, v62;
	v63 =	vld.idx.msk [tilespmem:v51+s6+$0x0], $0xffff  }
0x271: {  	v41 =	vor.u32 v0, v27;
	[tilespmem:v26+s6+$0x0] =	vst.idx.msk $0xffff, v24;
	v60 =	vmul.f32 v47, v19;
	v24 =	vld.idx.msk [tilespmem:v40+s30+$0x0], $0xffff  }
0x272: {  	v47 =	vor.u32 v3, v17;
	v40 =	vmul.f32 v49, v9;
	v56 =	vld.idx.msk [tilespmem:v50+s6+$0x0], $0xffff;
	[tilespmem:v39+s6+$0x0] =	vst.idx.msk $0xffff, v30  }
0x273: {  	v59 =	vor.u32 v6, v34;
	v42 =	vld.idx.msk [tilespmem:v53+s6+$0x0], $0xffff;
	v38 =	vmul.f32 v38, v10;
	[tilespmem:v44+s6+$0x0] =	vst.idx.msk $0xffff, v60  }
0x274: {  	v49 =	vor.u32 v3, v12;
	v39 =	vld.idx.msk [tilespmem:v57+s6+$0x0], $0xffff;
	[tilespmem:v45+s6+$0x0] =	vst.idx.msk $0xffff, v40;
	v61 =	vmul.f32 v52, v18  }
0x275: {  	v58 =	vor.u32 v1, v23;
	v52 =	vld.idx.msk [tilespmem:v55+s6+$0x0], $0xffff;
	[tilespmem:v46+s6+$0x0] =	vst.idx.msk $0xffff, v38;
	v35 =	vmul.f32 v63, v20  }
0x276: {  	v38 =	vor.u32 v1, v25;
	v37 =	vmul.f32 v54, v24;
	v54 =	vld.idx.msk [tilespmem:v41+s6+$0x0], $0xffff;
	[tilespmem:v43+s6+$0x0] =	vst.idx.msk $0xffff, v61  }
0x277: {  	v30 =	vmul.f32 v56, v14;
	v56 =	vor.u32 v3, v15;
	v43 =	vld.idx.msk [tilespmem:v47+s6+$0x0], $0xffff;
	[tilespmem:v51+s6+$0x0] =	vst.idx.msk $0xffff, v35  }
0x278: {  	v36 =	vor.u32 v1, v29;
	v60 =	vor.u32 v6, v32;
	v51 =	vld.idx.msk [tilespmem:v59+s6+$0x0], $0xffff;
	[tilespmem:v48+s6+$0x0] =	vst.idx.msk $0xffff, v37  }
0x279: {  	v26 =	vor.u32 v5, v29;
	v46 =	vor.u32 v6, v33;
	[tilespmem:v50+s6+$0x0] =	vst.idx.msk $0xffff, v30;
	v50 =	vld.idx.msk [tilespmem:v49+s6+$0x0], $0xffff  }
0x27a: {  	v44 =	vor.u32 v4, v13;
	v45 =	vor.u32 v1, v27;
	v35 =	vmul.f32 v42, v16;
	v48 =	vld.idx.msk [tilespmem:v58+s6+$0x0], $0xffff  }
0x27b: {  	v30 =	vor.u32 v7, v33;
	v33 =	vor.u32 v7, v34;
	v34 =	vmul.f32 v39, v8;
	v61 =	vld.idx.msk [tilespmem:v38+s6+$0x0], $0xffff  }
0x27c: {  	v42 =	vor.u32 v6, v31;
	v52 =	vmul.f32 v52, v22;
	[tilespmem:v53+s6+$0x0] =	vst.idx.msk $0xffff, v35;
	v39 =	vld.idx.msk [tilespmem:v56+s6+$0x0], $0xffff  }
0x27d: {  	v63 =	vmul.f32 v54, v21;
	[tilespmem:v57+s6+$0x0] =	vst.idx.msk $0xffff, v34;
	v62 =	vmul.f32 v43, v10;
	v43 =	vld.idx.msk [tilespmem:v60+s6+$0x0], $0xffff  }
0x27e: {  	v40 =	vor.u32 v4, v17;
	v37 =	vor.u32 v4, v12;
	[tilespmem:v55+s6+$0x0] =	vst.idx.msk $0xffff, v52;
	v52 =	vld.idx.msk [tilespmem:v46+s6+$0x0], $0xffff  }
0x27f: {  	v35 =	vor.u32 v7, v32;
	v57 =	vld.idx.msk [tilespmem:v44+s6+$0x0], $0xffff;
	[tilespmem:v41+s6+$0x0] =	vst.idx.msk $0xffff, v63;
	v53 =	vmul.f32 v51, v18  }
0x280: {  	v32 =	vor.u32 v2, v23;
	v54 =	vld.idx.msk [tilespmem:v36+s6+$0x0], $0xffff;
	v50 =	vmul.f32 v50, v11;
	[tilespmem:v47+s6+$0x0] =	vst.idx.msk $0xffff, v62  }
0x281: {  	v34 =	vor.u32 v7, v31;
	v63 =	vmul.f32 v48, v24;
	[tilespmem:v59+s6+$0x0] =	vst.idx.msk $0xffff, v53;
	v53 =	vld.idx.msk [tilespmem:v45+s6+$0x0], $0xffff  }
0x282: {  	v55 =	vmul.f32 v61, v20;
	[tilespmem:v49+s6+$0x0] =	vst.idx.msk $0xffff, v50;
	v61 =	vmul.f32 v39, v9;
	v39 =	vld.idx.msk [tilespmem:v42+s6+$0x0], $0xffff  }
0x283: {  	v31 =	vor.u32 v5, v17;
	v51 =	vld.idx.msk [tilespmem:v40+s6+$0x0], $0xffff;
	[tilespmem:v58+s6+$0x0] =	vst.idx.msk $0xffff, v63;
	v62 =	vmul.f32 v43, v14  }
0x284: {  	v47 =	vor.u32 v2, v27;
	[tilespmem:v38+s6+$0x0] =	vst.idx.msk $0xffff, v55;
	v38 =	vor.u32 v4, v15;
	v50 =	vld.idx.msk [tilespmem:v37+s6+$0x0], $0xffff  }
0x285: {  	v55 =	vmul.f32 v52, v16;
	v43 =	vor.u32 v2, v29;
	v52 =	vld.idx.msk [tilespmem:v32+s6+$0x0], $0xffff;
	[tilespmem:v60+s6+$0x0] =	vst.idx.msk $0xffff, v62  }
0x286: {  	s17 =	simm.s32 $0xC;
	v41 =	vmul.f32 v57, v8;
	v54 =	vmul.f32 v54, v22;
	[tilespmem:v56+s6+$0x0] =	vst.idx.msk $0xffff, v61;
	v49 =	vld.idx.msk [tilespmem:v35+s6+$0x0], $0xffff  }
.LBB2_15:
0x287: {  	s4 =	sadd.s32 $0x1, s17;
	v48 =	vor.u32 v2, v25;
	v56 =	vmul.f32 v39, v19;
	[tilespmem:v46+s6+$0x0] =	vst.idx.msk $0xffff, v55  }
0x288: {  	s14 =	sadd.s32 $0x3, s17;
	v46 =	vld.idx.msk [tilespmem:v33+s6+$0x0], $0xffff;
	v39 =	vmovc v15;
	v15 =	vmovc v25;
	v55 =	vmov v12;
	v12 =	vmov v23;
	v57 =	vmov v17;
	s18 =	smov.u32 s17;
	s16 =	sadd.s32 $0x4, s17  }
0x289: {  	p6 =	slt.u32 s17, $0x7C;
	v53 =	vmul.f32 v53, v21;
	v17 =	vmovc v27;
	v58 =	vmov s4;
	s4 =	sadd.s32 $0x2, s18;
	v59 =	vmov s14;
	[tilespmem:v44+s6+$0x0] =	vst.idx.msk $0xffff, v41;
	v44 =	vld.idx.msk [tilespmem:v38+s6+$0x0], $0xffff;
	v41 =	vmovc v13  }
0x28a: {  	v51 =	vmul.f32 v51, v10;
	v13 =	vmovc v29;
	v25 =	vshll.u32 v58, $0x7;
	v60 =	vmov s4;
	[tilespmem:v42+s6+$0x0] =	vst.idx.msk $0xffff, v56;
	v42 =	vld.idx.msk [tilespmem:v30+s6+$0x0], $0xffff  }
0x28b: {  	v56 =	vor.u32 v0, v25;
	v23 =	vshll.u32 v60, $0x7;
	[tilespmem:v36+s6+$0x0] =	vst.idx.msk $0xffff, v54;
	v29 =	vld.idx.msk [tilespmem:v34+s6+$0x0], $0xffff  }
0x28c: {  	v27 =	vshll.u32 v59, $0x7;
	v49 =	vmul.f32 v49, v14;
	v14 =	vmovc v9;
	v54 =	vor.u32 v0, v23;
	v36 =	vld.idx.msk [tilespmem:v43+s6+$0x0], $0xffff  }
0x28d: {  	v50 =	vmul.f32 v50, v11;
	v52 =	vmul.f32 v52, v24;
	v61 =	vld.idx.msk [tilespmem:v28+s6+$0x0], $0xffff;
	[tilespmem:v40+s6+$0x0] =	vst.idx.msk $0xffff, v51  }
0x28e: {  	v9 =	vmov v20;
	v40 =	vld.idx.msk [tilespmem:v48+s6+$0x0], $0xffff;
	[tilespmem:v45+s6+$0x0] =	vst.idx.msk $0xffff, v53;
	v45 =	vmul.f32 v46, v18;
	v18 =	vmov v10  }
0x28f: {  	v51 =	vor.u32 v5, v39;
	v44 =	vmul.f32 v44, v14;
	v46 =	vld.idx.msk [tilespmem:v47+s6+$0x0], $0xffff;
	[tilespmem:v37+s6+$0x0] =	vst.idx.msk $0xffff, v50  }
0x290: {  	v10 =	vmov v21;
	v37 =	vmul.f32 v42, v16;
	v16 =	vmov v11;
	v20 =	vld.idx.msk [tilespmem:v58+s30+$0x0], $0xffff;
	[tilespmem:v33+s6+$0x0] =	vst.idx.msk $0xffff, v45  }
0x291: {  	v33 =	vmov s18;
	v19 =	vmul.f32 v29, v19;
	v21 =	vld.idx.msk [tilespmem:v59+s30+$0x0], $0xffff;
	[tilespmem:v38+s6+$0x0] =	vst.idx.msk $0xffff, v44;
	v38 =	vor.u32 v5, v55  }
0x292: {  	v11 =	vmov v24;
	v29 =	vshll.u32 v33, $0x7;
	v36 =	vmul.f32 v36, v22;
	v42 =	vld.idx.msk [tilespmem:v31+s6+$0x0], $0xffff;
	[tilespmem:v35+s6+$0x0] =	vst.idx.msk $0xffff, v49  }
0x293: {  	v35 =	vor.u32 v0, v29;
	v24 =	vmul.f32 v61, v8;
	v44 =	vld.idx.msk [tilespmem:v54+s6+$0x0], $0xffff;
	[tilespmem:v30+s6+$0x0] =	vst.idx.msk $0xffff, v37  }
0x294: {  	v30 =	vor.u32 v5, v29;
	v37 =	vmul.f32 v40, v9;
	v40 =	vld.idx.msk [tilespmem:v51+s6+$0x0], $0xffff;
	[tilespmem:v34+s6+$0x0] =	vst.idx.msk $0xffff, v19  }
0x295: {  	v49 =	vor.u32 v3, v13;
	v45 =	vmul.f32 v46, v10;
	v34 =	vld.idx.msk [tilespmem:v56+s6+$0x0], $0xffff;
	[tilespmem:v28+s6+$0x0] =	vst.idx.msk $0xffff, v24  }
0x296: {  	v50 =	vor.u32 v3, v17;
	v19 =	vmovc v8;
	v8 =	vmovc v22;
	v28 =	vmov v26;
	v26 =	vmov v30;
	v24 =	vld.idx.msk [tilespmem:v60+s30+$0x0], $0xffff  }
0x297: {  	v53 =	vor.u32 v0, v27;
	v58 =	vor.u32 v3, v12;
	v22 =	vld.idx.msk [tilespmem:v33+s30+$0x0], $0xffff  }
0x298: {  	v59 =	vor.u32 v1, v23;
	v30 =	vmul.f32 v42, v18;
	[tilespmem:v47+s6+$0x0] =	vst.idx.msk $0xffff, v45;
	v33 =	vld.idx.msk [tilespmem:v38+s6+$0x0], $0xffff  }
0x299: {  	v47 =	vor.u32 v1, v25;
	v42 =	vld.idx.msk [tilespmem:v35+s6+$0x0], $0xffff;
	[tilespmem:v43+s6+$0x0] =	vst.idx.msk $0xffff, v36;
	v43 =	vor.u32 v6, v57  }
0x29a: {  	v36 =	vmul.f32 v40, v14;
	v45 =	vld.idx.msk [tilespmem:v49+s6+$0x0], $0xffff;
	[tilespmem:v31+s6+$0x0] =	vst.idx.msk $0xffff, v30  }
0x29b: {  	v60 =	vor.u32 v3, v15;
	v31 =	vmul.f32 v34, v20;
	[tilespmem:v32+s6+$0x0] =	vst.idx.msk $0xffff, v52;
	v32 =	vld.idx.msk [tilespmem:v50+s6+$0x0], $0xffff  }
0x29c: {  	v34 =	vmul.f32 v44, v24;
	v52 =	vor.u32 v6, v39;
	v40 =	vld.idx.msk [tilespmem:v53+s6+$0x0], $0xffff;
	[tilespmem:v51+s6+$0x0] =	vst.idx.msk $0xffff, v36  }
0x29d: {  	v30 =	vor.u32 v7, v55;
	v36 =	vor.u32 v1, v29;
	v51 =	vld.idx.msk [tilespmem:v58+s6+$0x0], $0xffff  }
0x29e: {  	v46 =	vor.u32 v6, v55;
	[tilespmem:v56+s6+$0x0] =	vst.idx.msk $0xffff, v31;
	v31 =	vmul.f32 v33, v16;
	v55 =	vld.idx.msk [tilespmem:v43+s6+$0x0], $0xffff  }
0x29f: {  	v56 =	vmul.f32 v42, v22;
	v33 =	vor.u32 v7, v57;
	v61 =	vld.idx.msk [tilespmem:v47+s6+$0x0], $0xffff;
	[tilespmem:v48+s6+$0x0] =	vst.idx.msk $0xffff, v37  }
0x2a0: {  	v44 =	vor.u32 v4, v13;
	v37 =	vmul.f32 v45, v8;
	v48 =	vld.idx.msk [tilespmem:v60+s6+$0x0], $0xffff;
	[tilespmem:v38+s6+$0x0] =	vst.idx.msk $0xffff, v31  }
0x2a1: {  	v42 =	vor.u32 v6, v41;
	v31 =	vmul.f32 v32, v10;
	[tilespmem:v54+s6+$0x0] =	vst.idx.msk $0xffff, v34;
	v38 =	vld.idx.msk [tilespmem:v52+s6+$0x0], $0xffff  }
0x2a2: {  	v45 =	vor.u32 v1, v27;
	v32 =	vmul.f32 v40, v21;
	v54 =	vld.idx.msk [tilespmem:v59+s6+$0x0], $0xffff;
	[tilespmem:v49+s6+$0x0] =	vst.idx.msk $0xffff, v37  }
0x2a3: {  	v40 =	vor.u32 v4, v17;
	v49 =	vmul.f32 v51, v11;
	[tilespmem:v35+s6+$0x0] =	vst.idx.msk $0xffff, v56;
	v56 =	vld.idx.msk [tilespmem:v46+s6+$0x0], $0xffff  }
0x2a4: {  	v37 =	vor.u32 v4, v12;
	v34 =	vmul.f32 v55, v18;
	v57 =	vld.idx.msk [tilespmem:v36+s6+$0x0], $0xffff;
	[tilespmem:v53+s6+$0x0] =	vst.idx.msk $0xffff, v32  }
0x2a5: {  	v35 =	vor.u32 v7, v39;
	v51 =	vmul.f32 v61, v20;
	v61 =	vld.idx.msk [tilespmem:v44+s6+$0x0], $0xffff;
	[tilespmem:v50+s6+$0x0] =	vst.idx.msk $0xffff, v31  }
0x2a6: {  	v32 =	vor.u32 v2, v23;
	v48 =	vmul.f32 v48, v9;
	v39 =	vld.idx.msk [tilespmem:v42+s6+$0x0], $0xffff;
	[tilespmem:v43+s6+$0x0] =	vst.idx.msk $0xffff, v34  }
.Ltmp9:
0x2a7: {  	v34 =	vor.u32 v7, v41;
	v41 =	vmul.f32 v38, v14;
	[tilespmem:v47+s6+$0x0] =	vst.idx.msk $0xffff, v51;
	v53 =	vld.idx.msk [tilespmem:v45+s6+$0x0], $0xffff;
	(pc) =	sbr.rel @p6 .LBB2_15-.Ltmp9, $4  }
0x2a8: {  	v38 =	vor.u32 v4, v15;
	v43 =	vmul.f32 v54, v24;
	[tilespmem:v58+s6+$0x0] =	vst.idx.msk $0xffff, v49;
	v51 =	vld.idx.msk [tilespmem:v40+s6+$0x0], $0xffff  }
0x2a9: {  	v31 =	vor.u32 v5, v17;
	v55 =	vmul.f32 v56, v16;
	v50 =	vld.idx.msk [tilespmem:v37+s6+$0x0], $0xffff;
	[tilespmem:v52+s6+$0x0] =	vst.idx.msk $0xffff, v41  }
0x2aa: {  	v47 =	vor.u32 v2, v27;
	v54 =	vmul.f32 v57, v22;
	[tilespmem:v59+s6+$0x0] =	vst.idx.msk $0xffff, v43;
	v49 =	vld.idx.msk [tilespmem:v35+s6+$0x0], $0xffff  }
0x2ab: {  	s17 =	smov.u32 s16;
	v43 =	vor.u32 v2, v29;
	v41 =	vmul.f32 v61, v8;
	v52 =	vld.idx.msk [tilespmem:v32+s6+$0x0], $0xffff;
	[tilespmem:v60+s6+$0x0] =	vst.idx.msk $0xffff, v48  }
0x2ac: {  	_ =	sdelay $0x2  }
0x2ad: {  	v48 =	vor.u32 v2, v25;
	v53 =	vmul.f32 v53, v21  }
0x2ae: {  	[tilespmem:v36+s6+$0x0] =	vst.idx.msk $0xffff, v54  }
0x2af: {  	v36 =	vld.idx.msk [tilespmem:v43+s6+$0x0], $0xffff;
	[tilespmem:v45+s6+$0x0] =	vst.idx.msk $0xffff, v53  }
0x2b0: {  	v45 =	vld.idx.msk [tilespmem:v47+s6+$0x0], $0xffff  }
0x2b1: {  	[tilespmem:v46+s6+$0x0] =	vst.idx.msk $0xffff, v55;
	v46 =	vor.u32 v3, v23  }
0x2b2: {  	[tilespmem:v44+s6+$0x0] =	vst.idx.msk $0xffff, v41;
	v44 =	vor.u32 v3, v29;
	v62 =	vld.idx.msk [tilespmem:v48+s6+$0x0], $0xffff  }
0x2b3: {  	v54 =	vor.u32 v3, v27;
	v52 =	vmul.f32 v52, v24  }
0x2b4: {  	v36 =	vmul.f32 v36, v22  }
0x2b5: {  	v56 =	vor.u32 v3, v25;
	v57 =	vld.idx.msk [tilespmem:v33+s6+$0x0], $0xffff;
	[tilespmem:v32+s6+$0x0] =	vst.idx.msk $0xffff, v52;
	v45 =	vmul.f32 v45, v21  }
0x2b6: {  	v39 =	vmul.f32 v39, v19;
	v60 =	vld.idx.msk [tilespmem:v46+s6+$0x0], $0xffff;
	[tilespmem:v43+s6+$0x0] =	vst.idx.msk $0xffff, v36  }
0x2b7: {  	v63 =	vmul.f32 v62, v20;
	[tilespmem:v47+s6+$0x0] =	vst.idx.msk $0xffff, v45;
	v62 =	vld.idx.msk [tilespmem:v44+s6+$0x0], $0xffff  }
0x2b8: {  	v59 =	vmul.f32 v51, v10;
	[tilespmem:v42+s6+$0x0] =	vst.idx.msk $0xffff, v39;
	v45 =	vld.idx.msk [tilespmem:v54+s6+$0x0], $0xffff  }
0x2b9: {  	v61 =	vmul.f32 v50, v11;
	[tilespmem:v48+s6+$0x0] =	vst.idx.msk $0xffff, v63;
	v63 =	vld.idx.msk [tilespmem:v38+s6+$0x0], $0xffff  }
0x2ba: {  	v39 =	vor.u32 v4, v23;
	[tilespmem:v40+s6+$0x0] =	vst.idx.msk $0xffff, v59;
	v18 =	vmul.f32 v57, v18;
	v58 =	vld.idx.msk [tilespmem:v56+s6+$0x0], $0xffff  }
0x2bb: {  	[tilespmem:v37+s6+$0x0] =	vst.idx.msk $0xffff, v61;
	v43 =	vor.u32 v4, v27;
	v36 =	vmul.f32 v60, v24  }
0x2bc: {  	[tilespmem:v33+s6+$0x0] =	vst.idx.msk $0xffff, v18;
	v18 =	vor.u32 v4, v29;
	v42 =	vmul.f32 v62, v22  }
0x2bd: {  	v50 =	vld.idx.msk [tilespmem:v30+s6+$0x0], $0xffff;
	v37 =	vor.u32 v5, v15;
	[tilespmem:v46+s6+$0x0] =	vst.idx.msk $0xffff, v36;
	v48 =	vmul.f32 v45, v21  }
0x2be: {  	v40 =	vor.u32 v4, v25;
	v51 =	vld.idx.msk [tilespmem:v34+s6+$0x0], $0xffff;
	v53 =	vmul.f32 v63, v9;
	[tilespmem:v44+s6+$0x0] =	vst.idx.msk $0xffff, v42  }
0x2bf: {  	v55 =	vld.idx.msk [tilespmem:v39+s6+$0x0], $0xffff;
	v32 =	vmul.f32 v58, v20;
	[tilespmem:v54+s6+$0x0] =	vst.idx.msk $0xffff, v48  }
0x2c0: {  	v14 =	vmul.f32 v49, v14;
	v52 =	vld.idx.msk [tilespmem:v43+s6+$0x0], $0xffff;
	[tilespmem:v38+s6+$0x0] =	vst.idx.msk $0xffff, v53  }
0x2c1: {  	[tilespmem:v56+s6+$0x0] =	vst.idx.msk $0xffff, v32;
	v56 =	vld.idx.msk [tilespmem:v18+s6+$0x0], $0xffff  }
0x2c2: {  	[tilespmem:v35+s6+$0x0] =	vst.idx.msk $0xffff, v14;
	v35 =	vor.u32 v5, v23;
	v59 =	vld.idx.msk [tilespmem:v37+s6+$0x0], $0xffff  }
0x2c3: {  	v16 =	vmul.f32 v50, v16;
	v47 =	vor.u32 v5, v12;
	v54 =	vld.idx.msk [tilespmem:v40+s6+$0x0], $0xffff  }
0x2c4: {  	v58 =	vld.idx.msk [tilespmem:v31+s6+$0x0], $0xffff;
	v38 =	vor.u32 v5, v27;
	v42 =	vmul.f32 v55, v24  }
0x2c5: {  	v14 =	vor.u32 v5, v25;
	[tilespmem:v30+s6+$0x0] =	vst.idx.msk $0xffff, v16;
	v60 =	vmul.f32 v52, v21  }
0x2c6: {  	v57 =	vmul.f32 v51, v19;
	v63 =	vld.idx.msk [tilespmem:v28+s6+$0x0], $0xffff;
	[tilespmem:v39+s6+$0x0] =	vst.idx.msk $0xffff, v42;
	v32 =	vmul.f32 v56, v22  }
0x2c7: {  	v45 =	vor.u32 v6, v17;
	v51 =	vld.idx.msk [tilespmem:v35+s6+$0x0], $0xffff;
	v16 =	vmul.f32 v59, v9;
	[tilespmem:v43+s6+$0x0] =	vst.idx.msk $0xffff, v60  }
0x2c8: {  	v46 =	vor.u32 v6, v15;
	v61 =	vld.idx.msk [tilespmem:v47+s6+$0x0], $0xffff;
	v62 =	vmul.f32 v54, v20;
	[tilespmem:v18+s6+$0x0] =	vst.idx.msk $0xffff, v32  }
0x2c9: {  	v50 =	vor.u32 v6, v13;
	v33 =	vmul.f32 v58, v10;
	v48 =	vld.idx.msk [tilespmem:v38+s6+$0x0], $0xffff;
	[tilespmem:v37+s6+$0x0] =	vst.idx.msk $0xffff, v16  }
0x2ca: {  	v37 =	vor.u32 v6, v23;
	[tilespmem:v40+s6+$0x0] =	vst.idx.msk $0xffff, v62;
	v52 =	vld.idx.msk [tilespmem:v26+s6+$0x0], $0xffff  }
0x2cb: {  	v53 =	vmul.f32 v63, v8;
	[tilespmem:v31+s6+$0x0] =	vst.idx.msk $0xffff, v33;
	v40 =	vor.u32 v6, v12;
	v49 =	vld.idx.msk [tilespmem:v14+s6+$0x0], $0xffff  }
0x2cc: {  	[tilespmem:v34+s6+$0x0] =	vst.idx.msk $0xffff, v57;
	v54 =	vld.idx.msk [tilespmem:v45+s6+$0x0], $0xffff;
	v32 =	vor.u32 v6, v27;
	v18 =	vmul.f32 v51, v24  }
0x2cd: {  	v19 =	vmul.f32 v61, v11;
	[tilespmem:v28+s6+$0x0] =	vst.idx.msk $0xffff, v53;
	v59 =	vor.u32 v6, v29;
	v56 =	vld.idx.msk [tilespmem:v46+s6+$0x0], $0xffff  }
0x2ce: {  	v55 =	vor.u32 v6, v25;
	v60 =	vld.idx.msk [tilespmem:v50+s6+$0x0], $0xffff;
	[tilespmem:v35+s6+$0x0] =	vst.idx.msk $0xffff, v18;
	v34 =	vmul.f32 v48, v21  }
0x2cf: {  	[tilespmem:v47+s6+$0x0] =	vst.idx.msk $0xffff, v19;
	v35 =	vld.idx.msk [tilespmem:v37+s6+$0x0], $0xffff;
	v31 =	vmul.f32 v52, v22  }
0x2d0: {  	v17 =	vor.u32 v7, v17;
	v57 =	vld.idx.msk [tilespmem:v40+s6+$0x0], $0xffff;
	v58 =	vmul.f32 v49, v20;
	[tilespmem:v38+s6+$0x0] =	vst.idx.msk $0xffff, v34  }
0x2d1: {  	v61 =	vor.u32 v7, v15;
	v16 =	vmul.f32 v54, v10;
	v62 =	vld.idx.msk [tilespmem:v32+s6+$0x0], $0xffff;
	[tilespmem:v26+s6+$0x0] =	vst.idx.msk $0xffff, v31  }
0x2d2: {  	v19 =	vmul.f32 v56, v9;
	v34 =	vor.u32 v7, v13;
	[tilespmem:v14+s6+$0x0] =	vst.idx.msk $0xffff, v58;
	v44 =	vld.idx.msk [tilespmem:v59+s6+$0x0], $0xffff  }
0x2d3: {  	v63 =	vor.u32 v7, v12;
	[tilespmem:v45+s6+$0x0] =	vst.idx.msk $0xffff, v16;
	v45 =	vmul.f32 v60, v8;
	v33 =	vld.idx.msk [tilespmem:v55+s6+$0x0], $0xffff  }
0x2d4: {  	v49 =	vor.u32 v7, v23;
	[tilespmem:v46+s6+$0x0] =	vst.idx.msk $0xffff, v19;
	v53 =	vmul.f32 v35, v24  }
0x2d5: {  	v41 =	vor.u32 v7, v27;
	v46 =	vld.idx.msk [tilespmem:v17+s6+$0x0], $0xffff;
	[tilespmem:v50+s6+$0x0] =	vst.idx.msk $0xffff, v45;
	v38 =	vmul.f32 v57, v11  }
0x2d6: {  	v51 =	vor.u32 v7, v29;
	v48 =	vld.idx.msk [tilespmem:v61+s6+$0x0], $0xffff;
	[tilespmem:v37+s6+$0x0] =	vst.idx.msk $0xffff, v53;
	v14 =	vmul.f32 v62, v21  }
0x2d7: {  	v47 =	vor.u32 v7, v25;
	v52 =	vld.idx.msk [tilespmem:v34+s6+$0x0], $0xffff;
	[tilespmem:v40+s6+$0x0] =	vst.idx.msk $0xffff, v38;
	v54 =	vmul.f32 v44, v22  }
0x2d8: {  	v50 =	vld.idx.msk [tilespmem:v63+s6+$0x0], $0xffff;
	v18 =	vmul.f32 v33, v20;
	[tilespmem:v32+s6+$0x0] =	vst.idx.msk $0xffff, v14  }
0x2d9: {  	v14 =	vld.idx.msk [tilespmem:v49+s6+$0x0], $0xffff;
	[tilespmem:v59+s6+$0x0] =	vst.idx.msk $0xffff, v54  }
0x2da: {  	v56 =	vmul.f32 v46, v10;
	[tilespmem:v55+s6+$0x0] =	vst.idx.msk $0xffff, v18;
	v55 =	vld.idx.msk [tilespmem:v41+s6+$0x0], $0xffff  }
0x2db: {  	v58 =	vmul.f32 v48, v9;
	v60 =	vld.idx.msk [tilespmem:v51+s6+$0x0], $0xffff  }
0x2dc: {  	[tilespmem:v17+s6+$0x0] =	vst.idx.msk $0xffff, v56;
	v8 =	vmul.f32 v52, v8;
	v57 =	vld.idx.msk [tilespmem:v47+s6+$0x0], $0xffff  }
0x2dd: {  	[tilespmem:v61+s6+$0x0] =	vst.idx.msk $0xffff, v58;
	v59 =	vmul.f32 v50, v11  }
0x2de: {  	[tilespmem:v34+s6+$0x0] =	vst.idx.msk $0xffff, v8;
	v62 =	vmul.f32 v14, v24  }
0x2df: {  	[tilespmem:v63+s6+$0x0] =	vst.idx.msk $0xffff, v59;
	v61 =	vmul.f32 v55, v21  }
0x2e0: {  	v63 =	vmul.f32 v60, v22;
	[tilespmem:v49+s6+$0x0] =	vst.idx.msk $0xffff, v62  }
0x2e1: {  	v8 =	vmul.f32 v57, v20;
	[tilespmem:v41+s6+$0x0] =	vst.idx.msk $0xffff, v61  }
0x2e2: {  	[tilespmem:v51+s6+$0x0] =	vst.idx.msk $0xffff, v63  }
.Ltmp10:
0x2e3: {  	[tilespmem:v47+s6+$0x0] =	vst.idx.msk $0xffff, v8;
	(pc) =	sbr.rel .LBB2_17-.Ltmp10, $4  }
0x2e4: {  	[spmem:s3] =	stream.indirect.scatter.add.f32 [tilespmem:s6], [sflag:$0x3], $0x80, s29, s29, $0xb8;
	[tilespmem:$0x1EE00] =	vst v63  }
0x2e5: {  	_ =	swait.ge [sflag:s28], $0x4000  }
0x2e6: {  	[sflag:s28] =	ssyncset.done $0x0  }
0x2e7: {  	s16 =	rddreg [dreg:$0x13];
	[sflag:s28] =	ssyncadd.s32 $0xFFFFC000  }
.LBB2_18:
0x2e8: {  	_ =	sfence.sel $0x180000  }
0x2e9: {  	[bflag:$0x0] =	sbarrier.arrive $0xFFFF  }
0x2ea: {  	_ =	strace $0x90000047  }
0x2eb: {  	[bflag:$0x2] =	sbarrier.arrive $0xFFFF  }
0x2ec: {  	s0 =	rddreg [dreg:$0x5]  }
0x2ed: {  	s0 =	sadd.s32 @!p2 $0x100000, s0  }
0x2ee: {  	[sflag:s0] =	ssyncadd.tile.s32 @!p2 $0x1;
	_ =	shalt  }
.Lfunc_end2:
_tile_overlayer_lowered:
.L_overlay_start_2:
0x2ef: {  	(tag) =	ssettag $0x2  }
0x2f0: {  	s0 =	rddreg [dreg:$0x0];
	s2 =	stileid.u32  }
0x2f1: {  	s1 =	rddreg [dreg:$0x1];
	p0 =	sne.s32 s2, $0x0  }
0x2f2: {  	s3 =	rddreg [dreg:$0x2];
	[bflag:$0x3] =	sbarrier.arrive $0xFFFF;
	s2 =	simm.s32 @!p0 $0x1C03  }
0x2f3: {  	[timem:s3], [sflag:s2] =	dma.local @!p0 [hbm:s0], s1  }
0x2f4: {  	s0 =	simm.s32 @!p0 $0x3  }
0x2f5: {  	_ =	swait.ge @!p0 [sflag:s0], s1  }
0x2f6: {  	s1 =	ssub.s32 @!p0 $0x0, s1;
	[sflag:s0] =	ssyncset.done @!p0 $0x0  }
0x2f7: {  	[sflag:s0] =	ssyncadd.s32 @!p0 s1  }
0x2f8: {  	[bflag:$0x3] =	sbarrier.arrive $0xFFFF  }
0x2f9: {  	_ =	shalt  }

</sc_bundles>
